<compile_context>
chip_gen: v7x
topology: tpu7x:2x2x1
jax: 0.10.2.dev20260603
libtpu: 0.0.44.dev20260713+nightly
codegen_flags: <defaults>
</compile_context>

<pallas_src>
import functools

import jax
import jax.numpy as jnp
from jax import lax
from jax.experimental import pallas as pl
from jax.experimental.pallas import tpu as pltpu
from jax.experimental.pallas import tpu_sc as plsc

B = 1024
L = 200
D = 128
N_OUT = 20

NC, NS = 2, 16
NW = NC * NS
G = 128

TL = 4

NCH = 5
LCH = L // NCH


def _gather_kernel(table_hbm, idx_hbm, out_hbm, idx_v, rows_a, rows_b,
                   gsem, wsa, wsb):
    cpw = idx_hbm.shape[1]
    wid = lax.axis_index("s") * NC + lax.axis_index("c")
    base = wid * cpw * G
    pltpu.sync_copy(idx_hbm.at[wid], idx_v)

    @pl.loop(0, cpw, step=2)
    def _(c):
        pltpu.async_copy(table_hbm.at[idx_v.at[c]], rows_a, gsem).wait()
        wa = pltpu.async_copy(rows_a, out_hbm.at[pl.ds(base + c * G, G)], wsa)
        pltpu.async_copy(table_hbm.at[idx_v.at[c + 1]], rows_b, gsem).wait()
        wb = pltpu.async_copy(rows_b,
                              out_hbm.at[pl.ds(base + (c + 1) * G, G)], wsb)
        wa.wait()
        wb.wait()


def _gather_rows(emb, idx3):
    nw, cpw, g = idx3.shape
    mesh = plsc.VectorSubcoreMesh(core_axis_name="c", subcore_axis_name="s")
    k = functools.partial(
        pl.kernel,
        out_type=jax.ShapeDtypeStruct((nw * cpw * g, D), jnp.float32),
        mesh=mesh,
        scratch_types=[
            pltpu.VMEM((cpw, g), jnp.int32),
            pltpu.VMEM((g, D), jnp.float32),
            pltpu.VMEM((g, D), jnp.float32),
            pltpu.SemaphoreType.DMA,
            pltpu.SemaphoreType.DMA,
            pltpu.SemaphoreType.DMA,
        ],
    )(_gather_kernel)
    return k(emb, idx3)


def _attn_mlp_body(e_ref, awt_ref, ab_ref, w1_ref, b1_ref, w2_ref, b2_ref,
                   w3_ref, b3_ref, wo_ref, bo_ref, o_ref):
    tl, bb, d = e_ref.shape
    rows = tl * bb
    e = e_ref[...]
    eb = e.astype(jnp.bfloat16).reshape(rows, d)
    logits = jnp.dot(eb, awt_ref[...], preferred_element_type=jnp.float32)
    logits = logits + ab_ref[...]
    l3 = logits.reshape(tl, bb, d)
    p = jnp.exp(l3)
    s = jnp.sum(p, axis=1, keepdims=True)
    x = (p / s) * e
    zero = jnp.bfloat16(0.0)
    h = x.reshape(rows, d).astype(jnp.bfloat16)
    h = jnp.dot(h, w1_ref[...], preferred_element_type=jnp.float32)
    h = jnp.maximum(h.astype(jnp.bfloat16) + b1_ref[...], zero)
    for _ in range(3):
        h = jnp.dot(h, w2_ref[...], preferred_element_type=jnp.float32)
        h = jnp.maximum(h.astype(jnp.bfloat16) + b2_ref[...], zero)
    h = jnp.dot(h, w3_ref[...], preferred_element_type=jnp.float32)
    h = jnp.maximum(h.astype(jnp.bfloat16) + b3_ref[...], zero)
    out = jnp.dot(h, wo_ref[...], preferred_element_type=jnp.float32) + bo_ref[...]
    o_ref[...] = out.reshape(tl, bb, N_OUT)


def _attn_mlp(embeds3, awt, ab, w1t, b1p, w2t, b2p, w3t, b3p, wot, bop):
    lch = embeds3.shape[0]
    full = lambda shape: pl.BlockSpec(shape, lambda j: tuple(0 for _ in shape))
    return pl.pallas_call(
        _attn_mlp_body,
        grid=(lch // TL,),
        in_specs=[
            pl.BlockSpec((TL, B, D), lambda j: (j, 0, 0)),
            full((D, D)),
            full((1, D)),
            full((D, 512)),
            full((1, 512)),
            full((512, 512)),
            full((1, 512)),
            full((512, 256)),
            full((1, 256)),
            full((256, N_OUT)),
            full((1, N_OUT)),
        ],
        out_specs=pl.BlockSpec((TL, B, N_OUT), lambda j: (j, 0, 0)),
        out_shape=jax.ShapeDtypeStruct((lch, B, N_OUT), jnp.float32),
        compiler_params=pltpu.CompilerParams(
            dimension_semantics=("arbitrary",),
        ),
    )(embeds3, awt, ab, w1t, b1p, w2t, b2p, w3t, b3p, wot, bop)


def kernel(inp, emb, attn_w, attn_b, w1, b1, w2, b2, w3, b3, wo, bo):
    bf = jnp.bfloat16
    inp_t = inp.T.astype(jnp.int32)

    awt = attn_w.T.astype(bf)
    ab = attn_b.reshape(1, D)
    w1t = jnp.pad(w1.T, ((0, 0), (0, 12))).astype(bf)
    b1p = jnp.pad(b1, (0, 12)).reshape(1, 512).astype(bf)
    w2t = jnp.pad(w2.T, ((0, 12), (0, 12))).astype(bf)
    b2p = jnp.pad(b2, (0, 12)).reshape(1, 512).astype(bf)
    w3t = jnp.pad(w3.T, ((0, 12), (0, 6))).astype(bf)
    b3p = jnp.pad(b3, (0, 6)).reshape(1, 256).astype(bf)
    wot = jnp.pad(wo.T, ((0, 6), (0, 0))).astype(bf)
    bop = bo.reshape(1, N_OUT)
    params = (awt, ab, w1t, b1p, w2t, b2p, w3t, b3p, wot, bop)

    outs = []
    for c in range(NCH):
        idx3 = inp_t[c * LCH:(c + 1) * LCH].reshape(NW, LCH * B // (NW * G), G)
        embeds3 = _gather_rows(emb, idx3).reshape(LCH, B, D)
        outs.append(_attn_mlp(embeds3, *params))
    out3 = jnp.concatenate(outs, axis=0)
    return out3.transpose(1, 0, 2)

# --- scband reference (transcript-rebuilt; emitter-appended) ---
"""Pipeline reference for scband-genre-attn-3109556322910 (READ-ONLY COPY).

The authoritative reference and input builder live on the scoring server;
editing this copy changes nothing except your own understanding.
"""

import jax, jax.numpy as jnp
import numpy as np

VOCAB = 100000
EMB_DIM = 128
B, L = 1024, 200
N_OUT = 20

def _linear_params(k, fan_in, fan_out):
    k1, k2 = jax.random.split(k)
    bound = 1.0 / np.sqrt(fan_in)
    W = jax.random.uniform(k1, (fan_out, fan_in), minval=-bound, maxval=bound, dtype=jnp.float32)
    b = jax.random.uniform(k2, (fan_out,), minval=-bound, maxval=bound, dtype=jnp.float32)
    return W, b

def setup_inputs(seed: int = 0) -> dict:
    key = jax.random.key(seed)
    ks = jax.random.split(key, 8)
    inp = jax.random.randint(ks[0], (B, L), 0, VOCAB)
    emb = jax.random.normal(ks[1], (VOCAB, EMB_DIM), dtype=jnp.float32) * 0.02
    attn_w, attn_b = _linear_params(ks[2], EMB_DIM, EMB_DIM)
    w1, b1 = _linear_params(ks[3], EMB_DIM, 500)
    w2, b2 = _linear_params(ks[4], 500, 500)
    w3, b3 = _linear_params(ks[5], 500, 250)
    wo, bo = _linear_params(ks[6], 250, N_OUT)
    return {"inp": inp, "emb": emb, "attn_w": attn_w, "attn_b": attn_b,
            "w1": w1, "b1": b1, "w2": w2, "b2": b2, "w3": w3, "b3": b3,
            "wo": wo, "bo": bo}

def reference(inp, emb, attn_w, attn_b, w1, b1, w2, b2, w3, b3, wo, bo):
    # embedding lookup (gather)
    embeds = jnp.take(emb, inp, axis=0)  # [B, L, EMB_DIM]
    # attention linear
    attention = embeds @ attn_w.T + attn_b
    # nn.Softmax() with no dim on a 3D tensor -> legacy behavior: softmax over dim=0
    attention = jax.nn.softmax(attention, axis=0)
    out = attention * embeds
    # dropout is identity in eval mode
    out = jax.nn.relu(out @ w1.T + b1)
    out = jax.nn.relu(out @ w2.T + b2)
    out = jax.nn.relu(out @ w2.T + b2)
    out = jax.nn.relu(out @ w2.T + b2)
    out = jax.nn.relu(out @ w3.T + b3)
    out = out @ wo.T + bo
    return out

if __name__ == "__main__":
    import jax
    _d = setup_inputs()
    print(jax.jit(kernel)(*tuple(_d.values())))

</pallas_src>

<mosaic_0001>
#map = affine_map<(d0, d1) -> (0, 0)>
#map1 = affine_map<(d0, d1) -> (0, 0, 0)>
module attributes {stable_mosaic.version = 14 : i64} {
  func.func @_gather_kernel(%arg0: i32, %arg1: i32, %arg2: memref<100000x128xf32, #tpu.memory_space<hbm>>, %arg3: memref<32x10x128xi32, #tpu.memory_space<hbm>>, %arg4: memref<40960x128xf32, #tpu.memory_space<hbm>>, %arg5: memref<10x128xi32, #tpu.memory_space<vmem>>, %arg6: memref<128x128xf32, #tpu.memory_space<vmem>>, %arg7: memref<128x128xf32, #tpu.memory_space<vmem>>, %arg8: memref<!tpu.dma_semaphore, #tpu.memory_space<semaphore_mem>>, %arg9: memref<!tpu.dma_semaphore, #tpu.memory_space<semaphore_mem>>, %arg10: memref<!tpu.dma_semaphore, #tpu.memory_space<semaphore_mem>>) attributes {dimension_semantics = [#tpu.dimension_semantics<core_parallel>, #tpu.dimension_semantics<subcore_parallel>], iteration_bounds = array<i64: 2, 16>, scalar_prefetch = 0 : i64, scratch_operands = 6 : i64, tpu.core_type = #tpu.core_type<sc_vector_subcore>, window_params = [{transform_indices = #map}, {transform_indices = #map1}, {transform_indices = #map}]} {
    %mul3A = arith.constant 2 : i32
    %mul3A_0 = arith.muli %arg1, %mul3A : i32
    %add3A = arith.addi %mul3A_0, %arg0 : i32
    %mul3A_1 = arith.constant 10 : i32
    %mul3A_2 = arith.muli %add3A, %mul3A_1 : i32
    %mul3A_3 = arith.constant 128 : i32
    %mul3A_4 = arith.muli %mul3A_2, %mul3A_3 : i32
    "tpu.region"() ({
      %run_scoped3A = tpu.sem_alloc : memref<!tpu.dma_semaphore, #tpu.memory_space<semaphore_mem>>
      %dma_start3A = arith.constant 0 : i32
      %dma_start3A_9 = arith.constant 0 : i32
      %dma_start3A_10 = tpu.memref_slice %arg3[%add3A, %dma_start3A, %dma_start3A_9] : memref<32x10x128xi32, #tpu.memory_space<hbm>> -> memref<1x10x128xi32, #tpu.memory_space<hbm>>
      %dma_start3A_11 = tpu.memref_squeeze %dma_start3A_10 : memref<1x10x128xi32, #tpu.memory_space<hbm>> -> memref<10x128xi32, #tpu.memory_space<hbm>>
      %dma_start3A_12 = arith.constant 0 : i32
      %dma_start3A_13 = arith.constant 0 : i32
      %dma_start3A_14 = tpu.memref_slice %arg3[%add3A, %dma_start3A_12, %dma_start3A_13] : memref<32x10x128xi32, #tpu.memory_space<hbm>> -> memref<1x10x128xi32, #tpu.memory_space<hbm>>
      %dma_start3A_15 = tpu.memref_squeeze %dma_start3A_14 : memref<1x10x128xi32, #tpu.memory_space<hbm>> -> memref<10x128xi32, #tpu.memory_space<hbm>>
      tpu.enqueue_dma source(%dma_start3A_15 : memref<10x128xi32, #tpu.memory_space<hbm>>) target(%arg5 : memref<10x128xi32, #tpu.memory_space<vmem>>) target_semaphore(%run_scoped3A : memref<!tpu.dma_semaphore, #tpu.memory_space<semaphore_mem>>)
      %dma_wait3A = arith.constant 0 : i32
      %dma_wait3A_16 = arith.constant 0 : i32
      %dma_wait3A_17 = tpu.memref_slice %arg3[%add3A, %dma_wait3A, %dma_wait3A_16] : memref<32x10x128xi32, #tpu.memory_space<hbm>> -> memref<1x10x128xi32, #tpu.memory_space<hbm>>
      %dma_wait3A_18 = tpu.memref_squeeze %dma_wait3A_17 : memref<1x10x128xi32, #tpu.memory_space<hbm>> -> memref<10x128xi32, #tpu.memory_space<hbm>>
      %dma_wait3A_19 = arith.constant 0 : i32
      %dma_wait3A_20 = arith.constant 0 : i32
      %dma_wait3A_21 = tpu.memref_slice %arg3[%add3A, %dma_wait3A_19, %dma_wait3A_20] : memref<32x10x128xi32, #tpu.memory_space<hbm>> -> memref<1x10x128xi32, #tpu.memory_space<hbm>>
      %dma_wait3A_22 = tpu.memref_squeeze %dma_wait3A_21 : memref<1x10x128xi32, #tpu.memory_space<hbm>> -> memref<10x128xi32, #tpu.memory_space<hbm>>
      tpu.wait_dma2 semaphore(%run_scoped3A : memref<!tpu.dma_semaphore, #tpu.memory_space<semaphore_mem>>) src(%dma_wait3A_22 : memref<10x128xi32, #tpu.memory_space<hbm>>) dst(%arg5 : memref<10x128xi32, #tpu.memory_space<vmem>>)
      tpu.yield
    }) : () -> ()
    %scan3A = arith.constant 0 : i32
    %scan3A_5 = arith.constant 5 : i32
    %scan3A_6 = arith.addi %scan3A, %scan3A_5 : i32
    %scan3A_7 = arith.constant 1 : i32
    scf.for %scan3A_9 = %scan3A to %scan3A_6 step %scan3A_7  : i32 {
      %mul3A_10 = arith.constant 2 : i32
      %mul3A_11 = arith.muli %scan3A_9, %mul3A_10 : i32
      %add3A_12 = arith.constant 0 : i32
      %add3A_13 = arith.addi %add3A_12, %mul3A_11 : i32
      %dma_start3A = arith.constant 0 : i32
      %dma_start3A_14 = tpu.memref_slice %arg5[%add3A_13, %dma_start3A] : memref<10x128xi32, #tpu.memory_space<vmem>> -> memref<1x128xi32, #tpu.memory_space<vmem>>
      %dma_start3A_15 = tpu.memref_squeeze %dma_start3A_14 : memref<1x128xi32, #tpu.memory_space<vmem>> -> memref<128xi32, #tpu.memory_space<vmem>>
      %dma_start3A_16 = arith.constant 0 : i32
      %dma_start3A_17 = arith.constant 0 : i32
      %dma_start3A_18 = tpu.memref_slice %arg2[%dma_start3A_16, %dma_start3A_17] : memref<100000x128xf32, #tpu.memory_space<hbm>> -> memref<100000x128xf32, #tpu.memory_space<hbm>>
      tpu.enqueue_indirect_dma source(%dma_start3A_18 : memref<100000x128xf32, #tpu.memory_space<hbm>>) target(%arg6 : memref<128x128xf32, #tpu.memory_space<vmem>>) offsets(%dma_start3A_15 : memref<128xi32, #tpu.memory_space<vmem>>) semaphore(%arg8 : memref<!tpu.dma_semaphore, #tpu.memory_space<semaphore_mem>>)
      %dma_wait3A = arith.constant 0 : i32
      %dma_wait3A_19 = tpu.memref_slice %arg5[%add3A_13, %dma_wait3A] : memref<10x128xi32, #tpu.memory_space<vmem>> -> memref<1x128xi32, #tpu.memory_space<vmem>>
      %dma_wait3A_20 = tpu.memref_squeeze %dma_wait3A_19 : memref<1x128xi32, #tpu.memory_space<vmem>> -> memref<128xi32, #tpu.memory_space<vmem>>
      %dma_wait3A_21 = arith.constant 0 : i32
      %dma_wait3A_22 = arith.constant 0 : i32
      %dma_wait3A_23 = tpu.memref_slice %arg2[%dma_wait3A_21, %dma_wait3A_22] : memref<100000x128xf32, #tpu.memory_space<hbm>> -> memref<100000x128xf32, #tpu.memory_space<hbm>>
      tpu.wait_indirect_dma semaphore(%arg8 : memref<!tpu.dma_semaphore, #tpu.memory_space<semaphore_mem>>) src(%dma_wait3A_23 : memref<100000x128xf32, #tpu.memory_space<hbm>>) dst(%arg6 : memref<128x128xf32, #tpu.memory_space<vmem>>)
      %mul3A_24 = arith.constant 128 : i32
      %mul3A_25 = arith.muli %add3A_13, %mul3A_24 : i32
      %add3A_26 = arith.addi %mul3A_4, %mul3A_25 : i32
      %dma_start3A_27 = arith.constant 0 : i32
      %dma_start3A_28 = tpu.memref_slice %arg4[%add3A_26, %dma_start3A_27] : memref<40960x128xf32, #tpu.memory_space<hbm>> -> memref<128x128xf32, #tpu.memory_space<hbm>>
      %dma_start3A_29 = arith.constant 0 : i32
      %dma_start3A_30 = tpu.memref_slice %arg4[%add3A_26, %dma_start3A_29] : memref<40960x128xf32, #tpu.memory_space<hbm>> -> memref<128x128xf32, #tpu.memory_space<hbm>>
      tpu.enqueue_dma source(%arg6 : memref<128x128xf32, #tpu.memory_space<vmem>>) target(%dma_start3A_30 : memref<128x128xf32, #tpu.memory_space<hbm>>) target_semaphore(%arg9 : memref<!tpu.dma_semaphore, #tpu.memory_space<semaphore_mem>>)
      %add3A_31 = arith.constant 1 : i32
      %add3A_32 = arith.addi %add3A_13, %add3A_31 : i32
      %dma_start3A_33 = arith.constant 0 : i32
      %dma_start3A_34 = tpu.memref_slice %arg5[%add3A_32, %dma_start3A_33] : memref<10x128xi32, #tpu.memory_space<vmem>> -> memref<1x128xi32, #tpu.memory_space<vmem>>
      %dma_start3A_35 = tpu.memref_squeeze %dma_start3A_34 : memref<1x128xi32, #tpu.memory_space<vmem>> -> memref<128xi32, #tpu.memory_space<vmem>>
      %dma_start3A_36 = arith.constant 0 : i32
      %dma_start3A_37 = arith.constant 0 : i32
      %dma_start3A_38 = tpu.memref_slice %arg2[%dma_start3A_36, %dma_start3A_37] : memref<100000x128xf32, #tpu.memory_space<hbm>> -> memref<100000x128xf32, #tpu.memory_space<hbm>>
      tpu.enqueue_indirect_dma source(%dma_start3A_38 : memref<100000x128xf32, #tpu.memory_space<hbm>>) target(%arg7 : memref<128x128xf32, #tpu.memory_space<vmem>>) offsets(%dma_start3A_35 : memref<128xi32, #tpu.memory_space<vmem>>) semaphore(%arg8 : memref<!tpu.dma_semaphore, #tpu.memory_space<semaphore_mem>>)
      %dma_wait3A_39 = arith.constant 0 : i32
      %dma_wait3A_40 = tpu.memref_slice %arg5[%add3A_32, %dma_wait3A_39] : memref<10x128xi32, #tpu.memory_space<vmem>> -> memref<1x128xi32, #tpu.memory_space<vmem>>
      %dma_wait3A_41 = tpu.memref_squeeze %dma_wait3A_40 : memref<1x128xi32, #tpu.memory_space<vmem>> -> memref<128xi32, #tpu.memory_space<vmem>>
      %dma_wait3A_42 = arith.constant 0 : i32
      %dma_wait3A_43 = arith.constant 0 : i32
      %dma_wait3A_44 = tpu.memref_slice %arg2[%dma_wait3A_42, %dma_wait3A_43] : memref<100000x128xf32, #tpu.memory_space<hbm>> -> memref<100000x128xf32, #tpu.memory_space<hbm>>
      tpu.wait_indirect_dma semaphore(%arg8 : memref<!tpu.dma_semaphore, #tpu.memory_space<semaphore_mem>>) src(%dma_wait3A_44 : memref<100000x128xf32, #tpu.memory_space<hbm>>) dst(%arg7 : memref<128x128xf32, #tpu.memory_space<vmem>>)
      %add3A_45 = arith.constant 1 : i32
      %add3A_46 = arith.addi %add3A_13, %add3A_45 : i32
      %mul3A_47 = arith.constant 128 : i32
      %mul3A_48 = arith.muli %add3A_46, %mul3A_47 : i32
      %add3A_49 = arith.addi %mul3A_4, %mul3A_48 : i32
      %dma_start3A_50 = arith.constant 0 : i32
      %dma_start3A_51 = tpu.memref_slice %arg4[%add3A_49, %dma_start3A_50] : memref<40960x128xf32, #tpu.memory_space<hbm>> -> memref<128x128xf32, #tpu.memory_space<hbm>>
      %dma_start3A_52 = arith.constant 0 : i32
      %dma_start3A_53 = tpu.memref_slice %arg4[%add3A_49, %dma_start3A_52] : memref<40960x128xf32, #tpu.memory_space<hbm>> -> memref<128x128xf32, #tpu.memory_space<hbm>>
      tpu.enqueue_dma source(%arg7 : memref<128x128xf32, #tpu.memory_space<vmem>>) target(%dma_start3A_53 : memref<128x128xf32, #tpu.memory_space<hbm>>) target_semaphore(%arg10 : memref<!tpu.dma_semaphore, #tpu.memory_space<semaphore_mem>>)
      %dma_wait3A_54 = arith.constant 0 : i32
      %dma_wait3A_55 = tpu.memref_slice %arg4[%add3A_26, %dma_wait3A_54] : memref<40960x128xf32, #tpu.memory_space<hbm>> -> memref<128x128xf32, #tpu.memory_space<hbm>>
      %dma_wait3A_56 = arith.constant 0 : i32
      %dma_wait3A_57 = tpu.memref_slice %arg4[%add3A_26, %dma_wait3A_56] : memref<40960x128xf32, #tpu.memory_space<hbm>> -> memref<128x128xf32, #tpu.memory_space<hbm>>
      tpu.wait_dma2 semaphore(%arg9 : memref<!tpu.dma_semaphore, #tpu.memory_space<semaphore_mem>>) src(%arg6 : memref<128x128xf32, #tpu.memory_space<vmem>>) dst(%dma_wait3A_57 : memref<128x128xf32, #tpu.memory_space<hbm>>)
      %dma_wait3A_58 = arith.constant 0 : i32
      %dma_wait3A_59 = tpu.memref_slice %arg4[%add3A_49, %dma_wait3A_58] : memref<40960x128xf32, #tpu.memory_space<hbm>> -> memref<128x128xf32, #tpu.memory_space<hbm>>
      %dma_wait3A_60 = arith.constant 0 : i32
      %dma_wait3A_61 = tpu.memref_slice %arg4[%add3A_49, %dma_wait3A_60] : memref<40960x128xf32, #tpu.memory_space<hbm>> -> memref<128x128xf32, #tpu.memory_space<hbm>>
      tpu.wait_dma2 semaphore(%arg10 : memref<!tpu.dma_semaphore, #tpu.memory_space<semaphore_mem>>) src(%arg7 : memref<128x128xf32, #tpu.memory_space<vmem>>) dst(%dma_wait3A_61 : memref<128x128xf32, #tpu.memory_space<hbm>>)
    }
    %scan3A_8 = arith.constant 5 : i32
    return
  }
}

#map = affine_map<(d0, d1) -> (0, 0)>
#map1 = affine_map<(d0, d1) -> (0, 0, 0)>
module attributes {stable_mosaic.version = 14 : i64} {
  func.func @_gather_kernel(%arg0: i32, %arg1: i32, %arg2: memref<100000x128xf32, #tpu.memory_space<hbm>>, %arg3: memref<32x10x128xi32, #tpu.memory_space<hbm>>, %arg4: memref<40960x128xf32, #tpu.memory_space<hbm>>, %arg5: memref<10x128xi32, #tpu.memory_space<vmem>>, %arg6: memref<128x128xf32, #tpu.memory_space<vmem>>, %arg7: memref<128x128xf32, #tpu.memory_space<vmem>>, %arg8: memref<!tpu.dma_semaphore, #tpu.memory_space<semaphore_mem>>, %arg9: memref<!tpu.dma_semaphore, #tpu.memory_space<semaphore_mem>>, %arg10: memref<!tpu.dma_semaphore, #tpu.memory_space<semaphore_mem>>) attributes {dimension_semantics = [#tpu.dimension_semantics<core_parallel>, #tpu.dimension_semantics<subcore_parallel>], iteration_bounds = array<i64: 2, 16>, scalar_prefetch = 0 : i64, scratch_operands = 6 : i64, tpu.core_type = #tpu.core_type<sc_vector_subcore>, window_params = [{transform_indices = #map}, {transform_indices = #map1}, {transform_indices = #map}]} {
    %mul3A = arith.constant 2 : i32
    %mul3A_0 = arith.muli %arg1, %mul3A : i32
    %add3A = arith.addi %mul3A_0, %arg0 : i32
    %mul3A_1 = arith.constant 10 : i32
    %mul3A_2 = arith.muli %add3A, %mul3A_1 : i32
    %mul3A_3 = arith.constant 128 : i32
    %mul3A_4 = arith.muli %mul3A_2, %mul3A_3 : i32
    "tpu.region"() ({
      %run_scoped3A = tpu.sem_alloc : memref<!tpu.dma_semaphore, #tpu.memory_space<semaphore_mem>>
      %dma_start3A = arith.constant 0 : i32
      %dma_start3A_9 = arith.constant 0 : i32
      %dma_start3A_10 = tpu.memref_slice %arg3[%add3A, %dma_start3A, %dma_start3A_9] : memref<32x10x128xi32, #tpu.memory_space<hbm>> -> memref<1x10x128xi32, #tpu.memory_space<hbm>>
      %dma_start3A_11 = tpu.memref_squeeze %dma_start3A_10 : memref<1x10x128xi32, #tpu.memory_space<hbm>> -> memref<10x128xi32, #tpu.memory_space<hbm>>
      %dma_start3A_12 = arith.constant 0 : i32
      %dma_start3A_13 = arith.constant 0 : i32
      %dma_start3A_14 = tpu.memref_slice %arg3[%add3A, %dma_start3A_12, %dma_start3A_13] : memref<32x10x128xi32, #tpu.memory_space<hbm>> -> memref<1x10x128xi32, #tpu.memory_space<hbm>>
      %dma_start3A_15 = tpu.memref_squeeze %dma_start3A_14 : memref<1x10x128xi32, #tpu.memory_space<hbm>> -> memref<10x128xi32, #tpu.memory_space<hbm>>
      tpu.enqueue_dma source(%dma_start3A_15 : memref<10x128xi32, #tpu.memory_space<hbm>>) target(%arg5 : memref<10x128xi32, #tpu.memory_space<vmem>>) target_semaphore(%run_scoped3A : memref<!tpu.dma_semaphore, #tpu.memory_space<semaphore_mem>>)
      %dma_wait3A = arith.constant 0 : i32
      %dma_wait3A_16 = arith.constant 0 : i32
      %dma_wait3A_17 = tpu.memref_slice %arg3[%add3A, %dma_wait3A, %dma_wait3A_16] : memref<32x10x128xi32, #tpu.memory_space<hbm>> -> memref<1x10x128xi32, #tpu.memory_space<hbm>>
      %dma_wait3A_18 = tpu.memref_squeeze %dma_wait3A_17 : memref<1x10x128xi32, #tpu.memory_space<hbm>> -> memref<10x128xi32, #tpu.memory_space<hbm>>
      %dma_wait3A_19 = arith.constant 0 : i32
      %dma_wait3A_20 = arith.constant 0 : i32
      %dma_wait3A_21 = tpu.memref_slice %arg3[%add3A, %dma_wait3A_19, %dma_wait3A_20] : memref<32x10x128xi32, #tpu.memory_space<hbm>> -> memref<1x10x128xi32, #tpu.memory_space<hbm>>
      %dma_wait3A_22 = tpu.memref_squeeze %dma_wait3A_21 : memref<1x10x128xi32, #tpu.memory_space<hbm>> -> memref<10x128xi32, #tpu.memory_space<hbm>>
      tpu.wait_dma2 semaphore(%run_scoped3A : memref<!tpu.dma_semaphore, #tpu.memory_space<semaphore_mem>>) src(%dma_wait3A_22 : memref<10x128xi32, #tpu.memory_space<hbm>>) dst(%arg5 : memref<10x128xi32, #tpu.memory_space<vmem>>)
      tpu.yield
    }) : () -> ()
    %scan3A = arith.constant 0 : i32
    %scan3A_5 = arith.constant 5 : i32
    %scan3A_6 = arith.addi %scan3A, %scan3A_5 : i32
    %scan3A_7 = arith.constant 1 : i32
    scf.for %scan3A_9 = %scan3A to %scan3A_6 step %scan3A_7  : i32 {
      %mul3A_10 = arith.constant 2 : i32
      %mul3A_11 = arith.muli %scan3A_9, %mul3A_10 : i32
      %add3A_12 = arith.constant 0 : i32
      %add3A_13 = arith.addi %add3A_12, %mul3A_11 : i32
      %dma_start3A = arith.constant 0 : i32
      %dma_start3A_14 = tpu.memref_slice %arg5[%add3A_13, %dma_start3A] : memref<10x128xi32, #tpu.memory_space<vmem>> -> memref<1x128xi32, #tpu.memory_space<vmem>>
      %dma_start3A_15 = tpu.memref_squeeze %dma_start3A_14 : memref<1x128xi32, #tpu.memory_space<vmem>> -> memref<128xi32, #tpu.memory_space<vmem>>
      %dma_start3A_16 = arith.constant 0 : i32
      %dma_start3A_17 = arith.constant 0 : i32
      %dma_start3A_18 = tpu.memref_slice %arg2[%dma_start3A_16, %dma_start3A_17] : memref<100000x128xf32, #tpu.memory_space<hbm>> -> memref<100000x128xf32, #tpu.memory_space<hbm>>
      tpu.enqueue_indirect_dma source(%dma_start3A_18 : memref<100000x128xf32, #tpu.memory_space<hbm>>) target(%arg6 : memref<128x128xf32, #tpu.memory_space<vmem>>) offsets(%dma_start3A_15 : memref<128xi32, #tpu.memory_space<vmem>>) semaphore(%arg8 : memref<!tpu.dma_semaphore, #tpu.memory_space<semaphore_mem>>)
      %dma_wait3A = arith.constant 0 : i32
      %dma_wait3A_19 = tpu.memref_slice %arg5[%add3A_13, %dma_wait3A] : memref<10x128xi32, #tpu.memory_space<vmem>> -> memref<1x128xi32, #tpu.memory_space<vmem>>
      %dma_wait3A_20 = tpu.memref_squeeze %dma_wait3A_19 : memref<1x128xi32, #tpu.memory_space<vmem>> -> memref<128xi32, #tpu.memory_space<vmem>>
      %dma_wait3A_21 = arith.constant 0 : i32
      %dma_wait3A_22 = arith.constant 0 : i32
      %dma_wait3A_23 = tpu.memref_slice %arg2[%dma_wait3A_21, %dma_wait3A_22] : memref<100000x128xf32, #tpu.memory_space<hbm>> -> memref<100000x128xf32, #tpu.memory_space<hbm>>
      tpu.wait_indirect_dma semaphore(%arg8 : memref<!tpu.dma_semaphore, #tpu.memory_space<semaphore_mem>>) src(%dma_wait3A_23 : memref<100000x128xf32, #tpu.memory_space<hbm>>) dst(%arg6 : memref<128x128xf32, #tpu.memory_space<vmem>>)
      %mul3A_24 = arith.constant 128 : i32
      %mul3A_25 = arith.muli %add3A_13, %mul3A_24 : i32
      %add3A_26 = arith.addi %mul3A_4, %mul3A_25 : i32
      %dma_start3A_27 = arith.constant 0 : i32
      %dma_start3A_28 = tpu.memref_slice %arg4[%add3A_26, %dma_start3A_27] : memref<40960x128xf32, #tpu.memory_space<hbm>> -> memref<128x128xf32, #tpu.memory_space<hbm>>
      %dma_start3A_29 = arith.constant 0 : i32
      %dma_start3A_30 = tpu.memref_slice %arg4[%add3A_26, %dma_start3A_29] : memref<40960x128xf32, #tpu.memory_space<hbm>> -> memref<128x128xf32, #tpu.memory_space<hbm>>
      tpu.enqueue_dma source(%arg6 : memref<128x128xf32, #tpu.memory_space<vmem>>) target(%dma_start3A_30 : memref<128x128xf32, #tpu.memory_space<hbm>>) target_semaphore(%arg9 : memref<!tpu.dma_semaphore, #tpu.memory_space<semaphore_mem>>)
      %add3A_31 = arith.constant 1 : i32
      %add3A_32 = arith.addi %add3A_13, %add3A_31 : i32
      %dma_start3A_33 = arith.constant 0 : i32
      %dma_start3A_34 = tpu.memref_slice %arg5[%add3A_32, %dma_start3A_33] : memref<10x128xi32, #tpu.memory_space<vmem>> -> memref<1x128xi32, #tpu.memory_space<vmem>>
      %dma_start3A_35 = tpu.memref_squeeze %dma_start3A_34 : memref<1x128xi32, #tpu.memory_space<vmem>> -> memref<128xi32, #tpu.memory_space<vmem>>
      %dma_start3A_36 = arith.constant 0 : i32
      %dma_start3A_37 = arith.constant 0 : i32
      %dma_start3A_38 = tpu.memref_slice %arg2[%dma_start3A_36, %dma_start3A_37] : memref<100000x128xf32, #tpu.memory_space<hbm>> -> memref<100000x128xf32, #tpu.memory_space<hbm>>
      tpu.enqueue_indirect_dma source(%dma_start3A_38 : memref<100000x128xf32, #tpu.memory_space<hbm>>) target(%arg7 : memref<128x128xf32, #tpu.memory_space<vmem>>) offsets(%dma_start3A_35 : memref<128xi32, #tpu.memory_space<vmem>>) semaphore(%arg8 : memref<!tpu.dma_semaphore, #tpu.memory_space<semaphore_mem>>)
      %dma_wait3A_39 = arith.constant 0 : i32
      %dma_wait3A_40 = tpu.memref_slice %arg5[%add3A_32, %dma_wait3A_39] : memref<10x128xi32, #tpu.memory_space<vmem>> -> memref<1x128xi32, #tpu.memory_space<vmem>>
      %dma_wait3A_41 = tpu.memref_squeeze %dma_wait3A_40 : memref<1x128xi32, #tpu.memory_space<vmem>> -> memref<128xi32, #tpu.memory_space<vmem>>
      %dma_wait3A_42 = arith.constant 0 : i32
      %dma_wait3A_43 = arith.constant 0 : i32
      %dma_wait3A_44 = tpu.memref_slice %arg2[%dma_wait3A_42, %dma_wait3A_43] : memref<100000x128xf32, #tpu.memory_space<hbm>> -> memref<100000x128xf32, #tpu.memory_space<hbm>>
      tpu.wait_indirect_dma semaphore(%arg8 : memref<!tpu.dma_semaphore, #tpu.memory_space<semaphore_mem>>) src(%dma_wait3A_44 : memref<100000x128xf32, #tpu.memory_space<hbm>>) dst(%arg7 : memref<128x128xf32, #tpu.memory_space<vmem>>)
      %add3A_45 = arith.constant 1 : i32
      %add3A_46 = arith.addi %add3A_13, %add3A_45 : i32
      %mul3A_47 = arith.constant 128 : i32
      %mul3A_48 = arith.muli %add3A_46, %mul3A_47 : i32
      %add3A_49 = arith.addi %mul3A_4, %mul3A_48 : i32
      %dma_start3A_50 = arith.constant 0 : i32
      %dma_start3A_51 = tpu.memref_slice %arg4[%add3A_49, %dma_start3A_50] : memref<40960x128xf32, #tpu.memory_space<hbm>> -> memref<128x128xf32, #tpu.memory_space<hbm>>
      %dma_start3A_52 = arith.constant 0 : i32
      %dma_start3A_53 = tpu.memref_slice %arg4[%add3A_49, %dma_start3A_52] : memref<40960x128xf32, #tpu.memory_space<hbm>> -> memref<128x128xf32, #tpu.memory_space<hbm>>
      tpu.enqueue_dma source(%arg7 : memref<128x128xf32, #tpu.memory_space<vmem>>) target(%dma_start3A_53 : memref<128x128xf32, #tpu.memory_space<hbm>>) target_semaphore(%arg10 : memref<!tpu.dma_semaphore, #tpu.memory_space<semaphore_mem>>)
      %dma_wait3A_54 = arith.constant 0 : i32
      %dma_wait3A_55 = tpu.memref_slice %arg4[%add3A_26, %dma_wait3A_54] : memref<40960x128xf32, #tpu.memory_space<hbm>> -> memref<128x128xf32, #tpu.memory_space<hbm>>
      %dma_wait3A_56 = arith.constant 0 : i32
      %dma_wait3A_57 = tpu.memref_slice %arg4[%add3A_26, %dma_wait3A_56] : memref<40960x128xf32, #tpu.memory_space<hbm>> -> memref<128x128xf32, #tpu.memory_space<hbm>>
      tpu.wait_dma2 semaphore(%arg9 : memref<!tpu.dma_semaphore, #tpu.memory_space<semaphore_mem>>) src(%arg6 : memref<128x128xf32, #tpu.memory_space<vmem>>) dst(%dma_wait3A_57 : memref<128x128xf32, #tpu.memory_space<hbm>>)
      %dma_wait3A_58 = arith.constant 0 : i32
      %dma_wait3A_59 = tpu.memref_slice %arg4[%add3A_49, %dma_wait3A_58] : memref<40960x128xf32, #tpu.memory_space<hbm>> -> memref<128x128xf32, #tpu.memory_space<hbm>>
      %dma_wait3A_60 = arith.constant 0 : i32
      %dma_wait3A_61 = tpu.memref_slice %arg4[%add3A_49, %dma_wait3A_60] : memref<40960x128xf32, #tpu.memory_space<hbm>> -> memref<128x128xf32, #tpu.memory_space<hbm>>
      tpu.wait_dma2 semaphore(%arg10 : memref<!tpu.dma_semaphore, #tpu.memory_space<semaphore_mem>>) src(%arg7 : memref<128x128xf32, #tpu.memory_space<vmem>>) dst(%dma_wait3A_61 : memref<128x128xf32, #tpu.memory_space<hbm>>)
    }
    %scan3A_8 = arith.constant 5 : i32
    return
  }
}

#map = affine_map<(d0, d1) -> (0, 0)>
#map1 = affine_map<(d0, d1) -> (0, 0, 0)>
module attributes {stable_mosaic.version = 14 : i64} {
  func.func @_gather_kernel(%arg0: i32, %arg1: i32, %arg2: memref<100000x128xf32, #tpu.memory_space<hbm>>, %arg3: memref<32x10x128xi32, #tpu.memory_space<hbm>>, %arg4: memref<40960x128xf32, #tpu.memory_space<hbm>>, %arg5: memref<10x128xi32, #tpu.memory_space<vmem>>, %arg6: memref<128x128xf32, #tpu.memory_space<vmem>>, %arg7: memref<128x128xf32, #tpu.memory_space<vmem>>, %arg8: memref<!tpu.dma_semaphore, #tpu.memory_space<semaphore_mem>>, %arg9: memref<!tpu.dma_semaphore, #tpu.memory_space<semaphore_mem>>, %arg10: memref<!tpu.dma_semaphore, #tpu.memory_space<semaphore_mem>>) attributes {dimension_semantics = [#tpu.dimension_semantics<core_parallel>, #tpu.dimension_semantics<subcore_parallel>], iteration_bounds = array<i64: 2, 16>, scalar_prefetch = 0 : i64, scratch_operands = 6 : i64, tpu.core_type = #tpu.core_type<sc_vector_subcore>, window_params = [{transform_indices = #map}, {transform_indices = #map1}, {transform_indices = #map}]} {
    %mul3A = arith.constant 2 : i32
    %mul3A_0 = arith.muli %arg1, %mul3A : i32
    %add3A = arith.addi %mul3A_0, %arg0 : i32
    %mul3A_1 = arith.constant 10 : i32
    %mul3A_2 = arith.muli %add3A, %mul3A_1 : i32
    %mul3A_3 = arith.constant 128 : i32
    %mul3A_4 = arith.muli %mul3A_2, %mul3A_3 : i32
    "tpu.region"() ({
      %run_scoped3A = tpu.sem_alloc : memref<!tpu.dma_semaphore, #tpu.memory_space<semaphore_mem>>
      %dma_start3A = arith.constant 0 : i32
      %dma_start3A_9 = arith.constant 0 : i32
      %dma_start3A_10 = tpu.memref_slice %arg3[%add3A, %dma_start3A, %dma_start3A_9] : memref<32x10x128xi32, #tpu.memory_space<hbm>> -> memref<1x10x128xi32, #tpu.memory_space<hbm>>
      %dma_start3A_11 = tpu.memref_squeeze %dma_start3A_10 : memref<1x10x128xi32, #tpu.memory_space<hbm>> -> memref<10x128xi32, #tpu.memory_space<hbm>>
      %dma_start3A_12 = arith.constant 0 : i32
      %dma_start3A_13 = arith.constant 0 : i32
      %dma_start3A_14 = tpu.memref_slice %arg3[%add3A, %dma_start3A_12, %dma_start3A_13] : memref<32x10x128xi32, #tpu.memory_space<hbm>> -> memref<1x10x128xi32, #tpu.memory_space<hbm>>
      %dma_start3A_15 = tpu.memref_squeeze %dma_start3A_14 : memref<1x10x128xi32, #tpu.memory_space<hbm>> -> memref<10x128xi32, #tpu.memory_space<hbm>>
      tpu.enqueue_dma source(%dma_start3A_15 : memref<10x128xi32, #tpu.memory_space<hbm>>) target(%arg5 : memref<10x128xi32, #tpu.memory_space<vmem>>) target_semaphore(%run_scoped3A : memref<!tpu.dma_semaphore, #tpu.memory_space<semaphore_mem>>)
      %dma_wait3A = arith.constant 0 : i32
      %dma_wait3A_16 = arith.constant 0 : i32
      %dma_wait3A_17 = tpu.memref_slice %arg3[%add3A, %dma_wait3A, %dma_wait3A_16] : memref<32x10x128xi32, #tpu.memory_space<hbm>> -> memref<1x10x128xi32, #tpu.memory_space<hbm>>
      %dma_wait3A_18 = tpu.memref_squeeze %dma_wait3A_17 : memref<1x10x128xi32, #tpu.memory_space<hbm>> -> memref<10x128xi32, #tpu.memory_space<hbm>>
      %dma_wait3A_19 = arith.constant 0 : i32
      %dma_wait3A_20 = arith.constant 0 : i32
      %dma_wait3A_21 = tpu.memref_slice %arg3[%add3A, %dma_wait3A_19, %dma_wait3A_20] : memref<32x10x128xi32, #tpu.memory_space<hbm>> -> memref<1x10x128xi32, #tpu.memory_space<hbm>>
      %dma_wait3A_22 = tpu.memref_squeeze %dma_wait3A_21 : memref<1x10x128xi32, #tpu.memory_space<hbm>> -> memref<10x128xi32, #tpu.memory_space<hbm>>
      tpu.wait_dma2 semaphore(%run_scoped3A : memref<!tpu.dma_semaphore, #tpu.memory_space<semaphore_mem>>) src(%dma_wait3A_22 : memref<10x128xi32, #tpu.memory_space<hbm>>) dst(%arg5 : memref<10x128xi32, #tpu.memory_space<vmem>>)
      tpu.yield
    }) : () -> ()
    %scan3A = arith.constant 0 : i32
    %scan3A_5 = arith.constant 5 : i32
    %scan3A_6 = arith.addi %scan3A, %scan3A_5 : i32
    %scan3A_7 = arith.constant 1 : i32
    scf.for %scan3A_9 = %scan3A to %scan3A_6 step %scan3A_7  : i32 {
      %mul3A_10 = arith.constant 2 : i32
      %mul3A_11 = arith.muli %scan3A_9, %mul3A_10 : i32
      %add3A_12 = arith.constant 0 : i32
      %add3A_13 = arith.addi %add3A_12, %mul3A_11 : i32
      %dma_start3A = arith.constant 0 : i32
      %dma_start3A_14 = tpu.memref_slice %arg5[%add3A_13, %dma_start3A] : memref<10x128xi32, #tpu.memory_space<vmem>> -> memref<1x128xi32, #tpu.memory_space<vmem>>
      %dma_start3A_15 = tpu.memref_squeeze %dma_start3A_14 : memref<1x128xi32, #tpu.memory_space<vmem>> -> memref<128xi32, #tpu.memory_space<vmem>>
      %dma_start3A_16 = arith.constant 0 : i32
      %dma_start3A_17 = arith.constant 0 : i32
      %dma_start3A_18 = tpu.memref_slice %arg2[%dma_start3A_16, %dma_start3A_17] : memref<100000x128xf32, #tpu.memory_space<hbm>> -> memref<100000x128xf32, #tpu.memory_space<hbm>>
      tpu.enqueue_indirect_dma source(%dma_start3A_18 : memref<100000x128xf32, #tpu.memory_space<hbm>>) target(%arg6 : memref<128x128xf32, #tpu.memory_space<vmem>>) offsets(%dma_start3A_15 : memref<128xi32, #tpu.memory_space<vmem>>) semaphore(%arg8 : memref<!tpu.dma_semaphore, #tpu.memory_space<semaphore_mem>>)
      %dma_wait3A = arith.constant 0 : i32
      %dma_wait3A_19 = tpu.memref_slice %arg5[%add3A_13, %dma_wait3A] : memref<10x128xi32, #tpu.memory_space<vmem>> -> memref<1x128xi32, #tpu.memory_space<vmem>>
      %dma_wait3A_20 = tpu.memref_squeeze %dma_wait3A_19 : memref<1x128xi32, #tpu.memory_space<vmem>> -> memref<128xi32, #tpu.memory_space<vmem>>
      %dma_wait3A_21 = arith.constant 0 : i32
      %dma_wait3A_22 = arith.constant 0 : i32
      %dma_wait3A_23 = tpu.memref_slice %arg2[%dma_wait3A_21, %dma_wait3A_22] : memref<100000x128xf32, #tpu.memory_space<hbm>> -> memref<100000x128xf32, #tpu.memory_space<hbm>>
      tpu.wait_indirect_dma semaphore(%arg8 : memref<!tpu.dma_semaphore, #tpu.memory_space<semaphore_mem>>) src(%dma_wait3A_23 : memref<100000x128xf32, #tpu.memory_space<hbm>>) dst(%arg6 : memref<128x128xf32, #tpu.memory_space<vmem>>)
      %mul3A_24 = arith.constant 128 : i32
      %mul3A_25 = arith.muli %add3A_13, %mul3A_24 : i32
      %add3A_26 = arith.addi %mul3A_4, %mul3A_25 : i32
      %dma_start3A_27 = arith.constant 0 : i32
      %dma_start3A_28 = tpu.memref_slice %arg4[%add3A_26, %dma_start3A_27] : memref<40960x128xf32, #tpu.memory_space<hbm>> -> memref<128x128xf32, #tpu.memory_space<hbm>>
      %dma_start3A_29 = arith.constant 0 : i32
      %dma_start3A_30 = tpu.memref_slice %arg4[%add3A_26, %dma_start3A_29] : memref<40960x128xf32, #tpu.memory_space<hbm>> -> memref<128x128xf32, #tpu.memory_space<hbm>>
      tpu.enqueue_dma source(%arg6 : memref<128x128xf32, #tpu.memory_space<vmem>>) target(%dma_start3A_30 : memref<128x128xf32, #tpu.memory_space<hbm>>) target_semaphore(%arg9 : memref<!tpu.dma_semaphore, #tpu.memory_space<semaphore_mem>>)
      %add3A_31 = arith.constant 1 : i32
      %add3A_32 = arith.addi %add3A_13, %add3A_31 : i32
      %dma_start3A_33 = arith.constant 0 : i32
      %dma_start3A_34 = tpu.memref_slice %arg5[%add3A_32, %dma_start3A_33] : memref<10x128xi32, #tpu.memory_space<vmem>> -> memref<1x128xi32, #tpu.memory_space<vmem>>
      %dma_start3A_35 = tpu.memref_squeeze %dma_start3A_34 : memref<1x128xi32, #tpu.memory_space<vmem>> -> memref<128xi32, #tpu.memory_space<vmem>>
      %dma_start3A_36 = arith.constant 0 : i32
      %dma_start3A_37 = arith.constant 0 : i32
      %dma_start3A_38 = tpu.memref_slice %arg2[%dma_start3A_36, %dma_start3A_37] : memref<100000x128xf32, #tpu.memory_space<hbm>> -> memref<100000x128xf32, #tpu.memory_space<hbm>>
      tpu.enqueue_indirect_dma source(%dma_start3A_38 : memref<100000x128xf32, #tpu.memory_space<hbm>>) target(%arg7 : memref<128x128xf32, #tpu.memory_space<vmem>>) offsets(%dma_start3A_35 : memref<128xi32, #tpu.memory_space<vmem>>) semaphore(%arg8 : memref<!tpu.dma_semaphore, #tpu.memory_space<semaphore_mem>>)
      %dma_wait3A_39 = arith.constant 0 : i32
      %dma_wait3A_40 = tpu.memref_slice %arg5[%add3A_32, %dma_wait3A_39] : memref<10x128xi32, #tpu.memory_space<vmem>> -> memref<1x128xi32, #tpu.memory_space<vmem>>
      %dma_wait3A_41 = tpu.memref_squeeze %dma_wait3A_40 : memref<1x128xi32, #tpu.memory_space<vmem>> -> memref<128xi32, #tpu.memory_space<vmem>>
      %dma_wait3A_42 = arith.constant 0 : i32
      %dma_wait3A_43 = arith.constant 0 : i32
      %dma_wait3A_44 = tpu.memref_slice %arg2[%dma_wait3A_42, %dma_wait3A_43] : memref<100000x128xf32, #tpu.memory_space<hbm>> -> memref<100000x128xf32, #tpu.memory_space<hbm>>
      tpu.wait_indirect_dma semaphore(%arg8 : memref<!tpu.dma_semaphore, #tpu.memory_space<semaphore_mem>>) src(%dma_wait3A_44 : memref<100000x128xf32, #tpu.memory_space<hbm>>) dst(%arg7 : memref<128x128xf32, #tpu.memory_space<vmem>>)
      %add3A_45 = arith.constant 1 : i32
      %add3A_46 = arith.addi %add3A_13, %add3A_45 : i32
      %mul3A_47 = arith.constant 128 : i32
      %mul3A_48 = arith.muli %add3A_46, %mul3A_47 : i32
      %add3A_49 = arith.addi %mul3A_4, %mul3A_48 : i32
      %dma_start3A_50 = arith.constant 0 : i32
      %dma_start3A_51 = tpu.memref_slice %arg4[%add3A_49, %dma_start3A_50] : memref<40960x128xf32, #tpu.memory_space<hbm>> -> memref<128x128xf32, #tpu.memory_space<hbm>>
      %dma_start3A_52 = arith.constant 0 : i32
      %dma_start3A_53 = tpu.memref_slice %arg4[%add3A_49, %dma_start3A_52] : memref<40960x128xf32, #tpu.memory_space<hbm>> -> memref<128x128xf32, #tpu.memory_space<hbm>>
      tpu.enqueue_dma source(%arg7 : memref<128x128xf32, #tpu.memory_space<vmem>>) target(%dma_start3A_53 : memref<128x128xf32, #tpu.memory_space<hbm>>) target_semaphore(%arg10 : memref<!tpu.dma_semaphore, #tpu.memory_space<semaphore_mem>>)
      %dma_wait3A_54 = arith.constant 0 : i32
      %dma_wait3A_55 = tpu.memref_slice %arg4[%add3A_26, %dma_wait3A_54] : memref<40960x128xf32, #tpu.memory_space<hbm>> -> memref<128x128xf32, #tpu.memory_space<hbm>>
      %dma_wait3A_56 = arith.constant 0 : i32
      %dma_wait3A_57 = tpu.memref_slice %arg4[%add3A_26, %dma_wait3A_56] : memref<40960x128xf32, #tpu.memory_space<hbm>> -> memref<128x128xf32, #tpu.memory_space<hbm>>
      tpu.wait_dma2 semaphore(%arg9 : memref<!tpu.dma_semaphore, #tpu.memory_space<semaphore_mem>>) src(%arg6 : memref<128x128xf32, #tpu.memory_space<vmem>>) dst(%dma_wait3A_57 : memref<128x128xf32, #tpu.memory_space<hbm>>)
      %dma_wait3A_58 = arith.constant 0 : i32
      %dma_wait3A_59 = tpu.memref_slice %arg4[%add3A_49, %dma_wait3A_58] : memref<40960x128xf32, #tpu.memory_space<hbm>> -> memref<128x128xf32, #tpu.memory_space<hbm>>
      %dma_wait3A_60 = arith.constant 0 : i32
      %dma_wait3A_61 = tpu.memref_slice %arg4[%add3A_49, %dma_wait3A_60] : memref<40960x128xf32, #tpu.memory_space<hbm>> -> memref<128x128xf32, #tpu.memory_space<hbm>>
      tpu.wait_dma2 semaphore(%arg10 : memref<!tpu.dma_semaphore, #tpu.memory_space<semaphore_mem>>) src(%arg7 : memref<128x128xf32, #tpu.memory_space<vmem>>) dst(%dma_wait3A_61 : memref<128x128xf32, #tpu.memory_space<hbm>>)
    }
    %scan3A_8 = arith.constant 5 : i32
    return
  }
}

#map = affine_map<(d0, d1) -> (0, 0)>
#map1 = affine_map<(d0, d1) -> (0, 0, 0)>
module attributes {stable_mosaic.version = 14 : i64} {
  func.func @_gather_kernel(%arg0: i32, %arg1: i32, %arg2: memref<100000x128xf32, #tpu.memory_space<hbm>>, %arg3: memref<32x10x128xi32, #tpu.memory_space<hbm>>, %arg4: memref<40960x128xf32, #tpu.memory_space<hbm>>, %arg5: memref<10x128xi32, #tpu.memory_space<vmem>>, %arg6: memref<128x128xf32, #tpu.memory_space<vmem>>, %arg7: memref<128x128xf32, #tpu.memory_space<vmem>>, %arg8: memref<!tpu.dma_semaphore, #tpu.memory_space<semaphore_mem>>, %arg9: memref<!tpu.dma_semaphore, #tpu.memory_space<semaphore_mem>>, %arg10: memref<!tpu.dma_semaphore, #tpu.memory_space<semaphore_mem>>) attributes {dimension_semantics = [#tpu.dimension_semantics<core_parallel>, #tpu.dimension_semantics<subcore_parallel>], iteration_bounds = array<i64: 2, 16>, scalar_prefetch = 0 : i64, scratch_operands = 6 : i64, tpu.core_type = #tpu.core_type<sc_vector_subcore>, window_params = [{transform_indices = #map}, {transform_indices = #map1}, {transform_indices = #map}]} {
    %mul3A = arith.constant 2 : i32
    %mul3A_0 = arith.muli %arg1, %mul3A : i32
    %add3A = arith.addi %mul3A_0, %arg0 : i32
    %mul3A_1 = arith.constant 10 : i32
    %mul3A_2 = arith.muli %add3A, %mul3A_1 : i32
    %mul3A_3 = arith.constant 128 : i32
    %mul3A_4 = arith.muli %mul3A_2, %mul3A_3 : i32
    "tpu.region"() ({
      %run_scoped3A = tpu.sem_alloc : memref<!tpu.dma_semaphore, #tpu.memory_space<semaphore_mem>>
      %dma_start3A = arith.constant 0 : i32
      %dma_start3A_9 = arith.constant 0 : i32
      %dma_start3A_10 = tpu.memref_slice %arg3[%add3A, %dma_start3A, %dma_start3A_9] : memref<32x10x128xi32, #tpu.memory_space<hbm>> -> memref<1x10x128xi32, #tpu.memory_space<hbm>>
      %dma_start3A_11 = tpu.memref_squeeze %dma_start3A_10 : memref<1x10x128xi32, #tpu.memory_space<hbm>> -> memref<10x128xi32, #tpu.memory_space<hbm>>
      %dma_start3A_12 = arith.constant 0 : i32
      %dma_start3A_13 = arith.constant 0 : i32
      %dma_start3A_14 = tpu.memref_slice %arg3[%add3A, %dma_start3A_12, %dma_start3A_13] : memref<32x10x128xi32, #tpu.memory_space<hbm>> -> memref<1x10x128xi32, #tpu.memory_space<hbm>>
      %dma_start3A_15 = tpu.memref_squeeze %dma_start3A_14 : memref<1x10x128xi32, #tpu.memory_space<hbm>> -> memref<10x128xi32, #tpu.memory_space<hbm>>
      tpu.enqueue_dma source(%dma_start3A_15 : memref<10x128xi32, #tpu.memory_space<hbm>>) target(%arg5 : memref<10x128xi32, #tpu.memory_space<vmem>>) target_semaphore(%run_scoped3A : memref<!tpu.dma_semaphore, #tpu.memory_space<semaphore_mem>>)
      %dma_wait3A = arith.constant 0 : i32
      %dma_wait3A_16 = arith.constant 0 : i32
      %dma_wait3A_17 = tpu.memref_slice %arg3[%add3A, %dma_wait3A, %dma_wait3A_16] : memref<32x10x128xi32, #tpu.memory_space<hbm>> -> memref<1x10x128xi32, #tpu.memory_space<hbm>>
      %dma_wait3A_18 = tpu.memref_squeeze %dma_wait3A_17 : memref<1x10x128xi32, #tpu.memory_space<hbm>> -> memref<10x128xi32, #tpu.memory_space<hbm>>
      %dma_wait3A_19 = arith.constant 0 : i32
      %dma_wait3A_20 = arith.constant 0 : i32
      %dma_wait3A_21 = tpu.memref_slice %arg3[%add3A, %dma_wait3A_19, %dma_wait3A_20] : memref<32x10x128xi32, #tpu.memory_space<hbm>> -> memref<1x10x128xi32, #tpu.memory_space<hbm>>
      %dma_wait3A_22 = tpu.memref_squeeze %dma_wait3A_21 : memref<1x10x128xi32, #tpu.memory_space<hbm>> -> memref<10x128xi32, #tpu.memory_space<hbm>>
      tpu.wait_dma2 semaphore(%run_scoped3A : memref<!tpu.dma_semaphore, #tpu.memory_space<semaphore_mem>>) src(%dma_wait3A_22 : memref<10x128xi32, #tpu.memory_space<hbm>>) dst(%arg5 : memref<10x128xi32, #tpu.memory_space<vmem>>)
      tpu.yield
    }) : () -> ()
    %scan3A = arith.constant 0 : i32
    %scan3A_5 = arith.constant 5 : i32
    %scan3A_6 = arith.addi %scan3A, %scan3A_5 : i32
    %scan3A_7 = arith.constant 1 : i32
    scf.for %scan3A_9 = %scan3A to %scan3A_6 step %scan3A_7  : i32 {
      %mul3A_10 = arith.constant 2 : i32
      %mul3A_11 = arith.muli %scan3A_9, %mul3A_10 : i32
      %add3A_12 = arith.constant 0 : i32
      %add3A_13 = arith.addi %add3A_12, %mul3A_11 : i32
      %dma_start3A = arith.constant 0 : i32
      %dma_start3A_14 = tpu.memref_slice %arg5[%add3A_13, %dma_start3A] : memref<10x128xi32, #tpu.memory_space<vmem>> -> memref<1x128xi32, #tpu.memory_space<vmem>>
      %dma_start3A_15 = tpu.memref_squeeze %dma_start3A_14 : memref<1x128xi32, #tpu.memory_space<vmem>> -> memref<128xi32, #tpu.memory_space<vmem>>
      %dma_start3A_16 = arith.constant 0 : i32
      %dma_start3A_17 = arith.constant 0 : i32
      %dma_start3A_18 = tpu.memref_slice %arg2[%dma_start3A_16, %dma_start3A_17] : memref<100000x128xf32, #tpu.memory_space<hbm>> -> memref<100000x128xf32, #tpu.memory_space<hbm>>
      tpu.enqueue_indirect_dma source(%dma_start3A_18 : memref<100000x128xf32, #tpu.memory_space<hbm>>) target(%arg6 : memref<128x128xf32, #tpu.memory_space<vmem>>) offsets(%dma_start3A_15 : memref<128xi32, #tpu.memory_space<vmem>>) semaphore(%arg8 : memref<!tpu.dma_semaphore, #tpu.memory_space<semaphore_mem>>)
      %dma_wait3A = arith.constant 0 : i32
      %dma_wait3A_19 = tpu.memref_slice %arg5[%add3A_13, %dma_wait3A] : memref<10x128xi32, #tpu.memory_space<vmem>> -> memref<1x128xi32, #tpu.memory_space<vmem>>
      %dma_wait3A_20 = tpu.memref_squeeze %dma_wait3A_19 : memref<1x128xi32, #tpu.memory_space<vmem>> -> memref<128xi32, #tpu.memory_space<vmem>>
      %dma_wait3A_21 = arith.constant 0 : i32
      %dma_wait3A_22 = arith.constant 0 : i32
      %dma_wait3A_23 = tpu.memref_slice %arg2[%dma_wait3A_21, %dma_wait3A_22] : memref<100000x128xf32, #tpu.memory_space<hbm>> -> memref<100000x128xf32, #tpu.memory_space<hbm>>
      tpu.wait_indirect_dma semaphore(%arg8 : memref<!tpu.dma_semaphore, #tpu.memory_space<semaphore_mem>>) src(%dma_wait3A_23 : memref<100000x128xf32, #tpu.memory_space<hbm>>) dst(%arg6 : memref<128x128xf32, #tpu.memory_space<vmem>>)
      %mul3A_24 = arith.constant 128 : i32
      %mul3A_25 = arith.muli %add3A_13, %mul3A_24 : i32
      %add3A_26 = arith.addi %mul3A_4, %mul3A_25 : i32
      %dma_start3A_27 = arith.constant 0 : i32
      %dma_start3A_28 = tpu.memref_slice %arg4[%add3A_26, %dma_start3A_27] : memref<40960x128xf32, #tpu.memory_space<hbm>> -> memref<128x128xf32, #tpu.memory_space<hbm>>
      %dma_start3A_29 = arith.constant 0 : i32
      %dma_start3A_30 = tpu.memref_slice %arg4[%add3A_26, %dma_start3A_29] : memref<40960x128xf32, #tpu.memory_space<hbm>> -> memref<128x128xf32, #tpu.memory_space<hbm>>
      tpu.enqueue_dma source(%arg6 : memref<128x128xf32, #tpu.memory_space<vmem>>) target(%dma_start3A_30 : memref<128x128xf32, #tpu.memory_space<hbm>>) target_semaphore(%arg9 : memref<!tpu.dma_semaphore, #tpu.memory_space<semaphore_mem>>)
      %add3A_31 = arith.constant 1 : i32
      %add3A_32 = arith.addi %add3A_13, %add3A_31 : i32
      %dma_start3A_33 = arith.constant 0 : i32
      %dma_start3A_34 = tpu.memref_slice %arg5[%add3A_32, %dma_start3A_33] : memref<10x128xi32, #tpu.memory_space<vmem>> -> memref<1x128xi32, #tpu.memory_space<vmem>>
      %dma_start3A_35 = tpu.memref_squeeze %dma_start3A_34 : memref<1x128xi32, #tpu.memory_space<vmem>> -> memref<128xi32, #tpu.memory_space<vmem>>
      %dma_start3A_36 = arith.constant 0 : i32
      %dma_start3A_37 = arith.constant 0 : i32
      %dma_start3A_38 = tpu.memref_slice %arg2[%dma_start3A_36, %dma_start3A_37] : memref<100000x128xf32, #tpu.memory_space<hbm>> -> memref<100000x128xf32, #tpu.memory_space<hbm>>
      tpu.enqueue_indirect_dma source(%dma_start3A_38 : memref<100000x128xf32, #tpu.memory_space<hbm>>) target(%arg7 : memref<128x128xf32, #tpu.memory_space<vmem>>) offsets(%dma_start3A_35 : memref<128xi32, #tpu.memory_space<vmem>>) semaphore(%arg8 : memref<!tpu.dma_semaphore, #tpu.memory_space<semaphore_mem>>)
      %dma_wait3A_39 = arith.constant 0 : i32
      %dma_wait3A_40 = tpu.memref_slice %arg5[%add3A_32, %dma_wait3A_39] : memref<10x128xi32, #tpu.memory_space<vmem>> -> memref<1x128xi32, #tpu.memory_space<vmem>>
      %dma_wait3A_41 = tpu.memref_squeeze %dma_wait3A_40 : memref<1x128xi32, #tpu.memory_space<vmem>> -> memref<128xi32, #tpu.memory_space<vmem>>
      %dma_wait3A_42 = arith.constant 0 : i32
      %dma_wait3A_43 = arith.constant 0 : i32
      %dma_wait3A_44 = tpu.memref_slice %arg2[%dma_wait3A_42, %dma_wait3A_43] : memref<100000x128xf32, #tpu.memory_space<hbm>> -> memref<100000x128xf32, #tpu.memory_space<hbm>>
      tpu.wait_indirect_dma semaphore(%arg8 : memref<!tpu.dma_semaphore, #tpu.memory_space<semaphore_mem>>) src(%dma_wait3A_44 : memref<100000x128xf32, #tpu.memory_space<hbm>>) dst(%arg7 : memref<128x128xf32, #tpu.memory_space<vmem>>)
      %add3A_45 = arith.constant 1 : i32
      %add3A_46 = arith.addi %add3A_13, %add3A_45 : i32
      %mul3A_47 = arith.constant 128 : i32
      %mul3A_48 = arith.muli %add3A_46, %mul3A_47 : i32
      %add3A_49 = arith.addi %mul3A_4, %mul3A_48 : i32
      %dma_start3A_50 = arith.constant 0 : i32
      %dma_start3A_51 = tpu.memref_slice %arg4[%add3A_49, %dma_start3A_50] : memref<40960x128xf32, #tpu.memory_space<hbm>> -> memref<128x128xf32, #tpu.memory_space<hbm>>
      %dma_start3A_52 = arith.constant 0 : i32
      %dma_start3A_53 = tpu.memref_slice %arg4[%add3A_49, %dma_start3A_52] : memref<40960x128xf32, #tpu.memory_space<hbm>> -> memref<128x128xf32, #tpu.memory_space<hbm>>
      tpu.enqueue_dma source(%arg7 : memref<128x128xf32, #tpu.memory_space<vmem>>) target(%dma_start3A_53 : memref<128x128xf32, #tpu.memory_space<hbm>>) target_semaphore(%arg10 : memref<!tpu.dma_semaphore, #tpu.memory_space<semaphore_mem>>)
      %dma_wait3A_54 = arith.constant 0 : i32
      %dma_wait3A_55 = tpu.memref_slice %arg4[%add3A_26, %dma_wait3A_54] : memref<40960x128xf32, #tpu.memory_space<hbm>> -> memref<128x128xf32, #tpu.memory_space<hbm>>
      %dma_wait3A_56 = arith.constant 0 : i32
      %dma_wait3A_57 = tpu.memref_slice %arg4[%add3A_26, %dma_wait3A_56] : memref<40960x128xf32, #tpu.memory_space<hbm>> -> memref<128x128xf32, #tpu.memory_space<hbm>>
      tpu.wait_dma2 semaphore(%arg9 : memref<!tpu.dma_semaphore, #tpu.memory_space<semaphore_mem>>) src(%arg6 : memref<128x128xf32, #tpu.memory_space<vmem>>) dst(%dma_wait3A_57 : memref<128x128xf32, #tpu.memory_space<hbm>>)
      %dma_wait3A_58 = arith.constant 0 : i32
      %dma_wait3A_59 = tpu.memref_slice %arg4[%add3A_49, %dma_wait3A_58] : memref<40960x128xf32, #tpu.memory_space<hbm>> -> memref<128x128xf32, #tpu.memory_space<hbm>>
      %dma_wait3A_60 = arith.constant 0 : i32
      %dma_wait3A_61 = tpu.memref_slice %arg4[%add3A_49, %dma_wait3A_60] : memref<40960x128xf32, #tpu.memory_space<hbm>> -> memref<128x128xf32, #tpu.memory_space<hbm>>
      tpu.wait_dma2 semaphore(%arg10 : memref<!tpu.dma_semaphore, #tpu.memory_space<semaphore_mem>>) src(%arg7 : memref<128x128xf32, #tpu.memory_space<vmem>>) dst(%dma_wait3A_61 : memref<128x128xf32, #tpu.memory_space<hbm>>)
    }
    %scan3A_8 = arith.constant 5 : i32
    return
  }
}

#map = affine_map<(d0, d1) -> (0, 0)>
#map1 = affine_map<(d0, d1) -> (0, 0, 0)>
module attributes {stable_mosaic.version = 14 : i64} {
  func.func @_gather_kernel(%arg0: i32, %arg1: i32, %arg2: memref<100000x128xf32, #tpu.memory_space<hbm>>, %arg3: memref<32x10x128xi32, #tpu.memory_space<hbm>>, %arg4: memref<40960x128xf32, #tpu.memory_space<hbm>>, %arg5: memref<10x128xi32, #tpu.memory_space<vmem>>, %arg6: memref<128x128xf32, #tpu.memory_space<vmem>>, %arg7: memref<128x128xf32, #tpu.memory_space<vmem>>, %arg8: memref<!tpu.dma_semaphore, #tpu.memory_space<semaphore_mem>>, %arg9: memref<!tpu.dma_semaphore, #tpu.memory_space<semaphore_mem>>, %arg10: memref<!tpu.dma_semaphore, #tpu.memory_space<semaphore_mem>>) attributes {dimension_semantics = [#tpu.dimension_semantics<core_parallel>, #tpu.dimension_semantics<subcore_parallel>], iteration_bounds = array<i64: 2, 16>, scalar_prefetch = 0 : i64, scratch_operands = 6 : i64, tpu.core_type = #tpu.core_type<sc_vector_subcore>, window_params = [{transform_indices = #map}, {transform_indices = #map1}, {transform_indices = #map}]} {
    %mul3A = arith.constant 2 : i32
    %mul3A_0 = arith.muli %arg1, %mul3A : i32
    %add3A = arith.addi %mul3A_0, %arg0 : i32
    %mul3A_1 = arith.constant 10 : i32
    %mul3A_2 = arith.muli %add3A, %mul3A_1 : i32
    %mul3A_3 = arith.constant 128 : i32
    %mul3A_4 = arith.muli %mul3A_2, %mul3A_3 : i32
    "tpu.region"() ({
      %run_scoped3A = tpu.sem_alloc : memref<!tpu.dma_semaphore, #tpu.memory_space<semaphore_mem>>
      %dma_start3A = arith.constant 0 : i32
      %dma_start3A_9 = arith.constant 0 : i32
      %dma_start3A_10 = tpu.memref_slice %arg3[%add3A, %dma_start3A, %dma_start3A_9] : memref<32x10x128xi32, #tpu.memory_space<hbm>> -> memref<1x10x128xi32, #tpu.memory_space<hbm>>
      %dma_start3A_11 = tpu.memref_squeeze %dma_start3A_10 : memref<1x10x128xi32, #tpu.memory_space<hbm>> -> memref<10x128xi32, #tpu.memory_space<hbm>>
      %dma_start3A_12 = arith.constant 0 : i32
      %dma_start3A_13 = arith.constant 0 : i32
      %dma_start3A_14 = tpu.memref_slice %arg3[%add3A, %dma_start3A_12, %dma_start3A_13] : memref<32x10x128xi32, #tpu.memory_space<hbm>> -> memref<1x10x128xi32, #tpu.memory_space<hbm>>
      %dma_start3A_15 = tpu.memref_squeeze %dma_start3A_14 : memref<1x10x128xi32, #tpu.memory_space<hbm>> -> memref<10x128xi32, #tpu.memory_space<hbm>>
      tpu.enqueue_dma source(%dma_start3A_15 : memref<10x128xi32, #tpu.memory_space<hbm>>) target(%arg5 : memref<10x128xi32, #tpu.memory_space<vmem>>) target_semaphore(%run_scoped3A : memref<!tpu.dma_semaphore, #tpu.memory_space<semaphore_mem>>)
      %dma_wait3A = arith.constant 0 : i32
      %dma_wait3A_16 = arith.constant 0 : i32
      %dma_wait3A_17 = tpu.memref_slice %arg3[%add3A, %dma_wait3A, %dma_wait3A_16] : memref<32x10x128xi32, #tpu.memory_space<hbm>> -> memref<1x10x128xi32, #tpu.memory_space<hbm>>
      %dma_wait3A_18 = tpu.memref_squeeze %dma_wait3A_17 : memref<1x10x128xi32, #tpu.memory_space<hbm>> -> memref<10x128xi32, #tpu.memory_space<hbm>>
      %dma_wait3A_19 = arith.constant 0 : i32
      %dma_wait3A_20 = arith.constant 0 : i32
      %dma_wait3A_21 = tpu.memref_slice %arg3[%add3A, %dma_wait3A_19, %dma_wait3A_20] : memref<32x10x128xi32, #tpu.memory_space<hbm>> -> memref<1x10x128xi32, #tpu.memory_space<hbm>>
      %dma_wait3A_22 = tpu.memref_squeeze %dma_wait3A_21 : memref<1x10x128xi32, #tpu.memory_space<hbm>> -> memref<10x128xi32, #tpu.memory_space<hbm>>
      tpu.wait_dma2 semaphore(%run_scoped3A : memref<!tpu.dma_semaphore, #tpu.memory_space<semaphore_mem>>) src(%dma_wait3A_22 : memref<10x128xi32, #tpu.memory_space<hbm>>) dst(%arg5 : memref<10x128xi32, #tpu.memory_space<vmem>>)
      tpu.yield
    }) : () -> ()
    %scan3A = arith.constant 0 : i32
    %scan3A_5 = arith.constant 5 : i32
    %scan3A_6 = arith.addi %scan3A, %scan3A_5 : i32
    %scan3A_7 = arith.constant 1 : i32
    scf.for %scan3A_9 = %scan3A to %scan3A_6 step %scan3A_7  : i32 {
      %mul3A_10 = arith.constant 2 : i32
      %mul3A_11 = arith.muli %scan3A_9, %mul3A_10 : i32
      %add3A_12 = arith.constant 0 : i32
      %add3A_13 = arith.addi %add3A_12, %mul3A_11 : i32
      %dma_start3A = arith.constant 0 : i32
      %dma_start3A_14 = tpu.memref_slice %arg5[%add3A_13, %dma_start3A] : memref<10x128xi32, #tpu.memory_space<vmem>> -> memref<1x128xi32, #tpu.memory_space<vmem>>
      %dma_start3A_15 = tpu.memref_squeeze %dma_start3A_14 : memref<1x128xi32, #tpu.memory_space<vmem>> -> memref<128xi32, #tpu.memory_space<vmem>>
      %dma_start3A_16 = arith.constant 0 : i32
      %dma_start3A_17 = arith.constant 0 : i32
      %dma_start3A_18 = tpu.memref_slice %arg2[%dma_start3A_16, %dma_start3A_17] : memref<100000x128xf32, #tpu.memory_space<hbm>> -> memref<100000x128xf32, #tpu.memory_space<hbm>>
      tpu.enqueue_indirect_dma source(%dma_start3A_18 : memref<100000x128xf32, #tpu.memory_space<hbm>>) target(%arg6 : memref<128x128xf32, #tpu.memory_space<vmem>>) offsets(%dma_start3A_15 : memref<128xi32, #tpu.memory_space<vmem>>) semaphore(%arg8 : memref<!tpu.dma_semaphore, #tpu.memory_space<semaphore_mem>>)
      %dma_wait3A = arith.constant 0 : i32
      %dma_wait3A_19 = tpu.memref_slice %arg5[%add3A_13, %dma_wait3A] : memref<10x128xi32, #tpu.memory_space<vmem>> -> memref<1x128xi32, #tpu.memory_space<vmem>>
      %dma_wait3A_20 = tpu.memref_squeeze %dma_wait3A_19 : memref<1x128xi32, #tpu.memory_space<vmem>> -> memref<128xi32, #tpu.memory_space<vmem>>
      %dma_wait3A_21 = arith.constant 0 : i32
      %dma_wait3A_22 = arith.constant 0 : i32
      %dma_wait3A_23 = tpu.memref_slice %arg2[%dma_wait3A_21, %dma_wait3A_22] : memref<100000x128xf32, #tpu.memory_space<hbm>> -> memref<100000x128xf32, #tpu.memory_space<hbm>>
      tpu.wait_indirect_dma semaphore(%arg8 : memref<!tpu.dma_semaphore, #tpu.memory_space<semaphore_mem>>) src(%dma_wait3A_23 : memref<100000x128xf32, #tpu.memory_space<hbm>>) dst(%arg6 : memref<128x128xf32, #tpu.memory_space<vmem>>)
      %mul3A_24 = arith.constant 128 : i32
      %mul3A_25 = arith.muli %add3A_13, %mul3A_24 : i32
      %add3A_26 = arith.addi %mul3A_4, %mul3A_25 : i32
      %dma_start3A_27 = arith.constant 0 : i32
      %dma_start3A_28 = tpu.memref_slice %arg4[%add3A_26, %dma_start3A_27] : memref<40960x128xf32, #tpu.memory_space<hbm>> -> memref<128x128xf32, #tpu.memory_space<hbm>>
      %dma_start3A_29 = arith.constant 0 : i32
      %dma_start3A_30 = tpu.memref_slice %arg4[%add3A_26, %dma_start3A_29] : memref<40960x128xf32, #tpu.memory_space<hbm>> -> memref<128x128xf32, #tpu.memory_space<hbm>>
      tpu.enqueue_dma source(%arg6 : memref<128x128xf32, #tpu.memory_space<vmem>>) target(%dma_start3A_30 : memref<128x128xf32, #tpu.memory_space<hbm>>) target_semaphore(%arg9 : memref<!tpu.dma_semaphore, #tpu.memory_space<semaphore_mem>>)
      %add3A_31 = arith.constant 1 : i32
      %add3A_32 = arith.addi %add3A_13, %add3A_31 : i32
      %dma_start3A_33 = arith.constant 0 : i32
      %dma_start3A_34 = tpu.memref_slice %arg5[%add3A_32, %dma_start3A_33] : memref<10x128xi32, #tpu.memory_space<vmem>> -> memref<1x128xi32, #tpu.memory_space<vmem>>
      %dma_start3A_35 = tpu.memref_squeeze %dma_start3A_34 : memref<1x128xi32, #tpu.memory_space<vmem>> -> memref<128xi32, #tpu.memory_space<vmem>>
      %dma_start3A_36 = arith.constant 0 : i32
      %dma_start3A_37 = arith.constant 0 : i32
      %dma_start3A_38 = tpu.memref_slice %arg2[%dma_start3A_36, %dma_start3A_37] : memref<100000x128xf32, #tpu.memory_space<hbm>> -> memref<100000x128xf32, #tpu.memory_space<hbm>>
      tpu.enqueue_indirect_dma source(%dma_start3A_38 : memref<100000x128xf32, #tpu.memory_space<hbm>>) target(%arg7 : memref<128x128xf32, #tpu.memory_space<vmem>>) offsets(%dma_start3A_35 : memref<128xi32, #tpu.memory_space<vmem>>) semaphore(%arg8 : memref<!tpu.dma_semaphore, #tpu.memory_space<semaphore_mem>>)
      %dma_wait3A_39 = arith.constant 0 : i32
      %dma_wait3A_40 = tpu.memref_slice %arg5[%add3A_32, %dma_wait3A_39] : memref<10x128xi32, #tpu.memory_space<vmem>> -> memref<1x128xi32, #tpu.memory_space<vmem>>
      %dma_wait3A_41 = tpu.memref_squeeze %dma_wait3A_40 : memref<1x128xi32, #tpu.memory_space<vmem>> -> memref<128xi32, #tpu.memory_space<vmem>>
      %dma_wait3A_42 = arith.constant 0 : i32
      %dma_wait3A_43 = arith.constant 0 : i32
      %dma_wait3A_44 = tpu.memref_slice %arg2[%dma_wait3A_42, %dma_wait3A_43] : memref<100000x128xf32, #tpu.memory_space<hbm>> -> memref<100000x128xf32, #tpu.memory_space<hbm>>
      tpu.wait_indirect_dma semaphore(%arg8 : memref<!tpu.dma_semaphore, #tpu.memory_space<semaphore_mem>>) src(%dma_wait3A_44 : memref<100000x128xf32, #tpu.memory_space<hbm>>) dst(%arg7 : memref<128x128xf32, #tpu.memory_space<vmem>>)
      %add3A_45 = arith.constant 1 : i32
      %add3A_46 = arith.addi %add3A_13, %add3A_45 : i32
      %mul3A_47 = arith.constant 128 : i32
      %mul3A_48 = arith.muli %add3A_46, %mul3A_47 : i32
      %add3A_49 = arith.addi %mul3A_4, %mul3A_48 : i32
      %dma_start3A_50 = arith.constant 0 : i32
      %dma_start3A_51 = tpu.memref_slice %arg4[%add3A_49, %dma_start3A_50] : memref<40960x128xf32, #tpu.memory_space<hbm>> -> memref<128x128xf32, #tpu.memory_space<hbm>>
      %dma_start3A_52 = arith.constant 0 : i32
      %dma_start3A_53 = tpu.memref_slice %arg4[%add3A_49, %dma_start3A_52] : memref<40960x128xf32, #tpu.memory_space<hbm>> -> memref<128x128xf32, #tpu.memory_space<hbm>>
      tpu.enqueue_dma source(%arg7 : memref<128x128xf32, #tpu.memory_space<vmem>>) target(%dma_start3A_53 : memref<128x128xf32, #tpu.memory_space<hbm>>) target_semaphore(%arg10 : memref<!tpu.dma_semaphore, #tpu.memory_space<semaphore_mem>>)
      %dma_wait3A_54 = arith.constant 0 : i32
      %dma_wait3A_55 = tpu.memref_slice %arg4[%add3A_26, %dma_wait3A_54] : memref<40960x128xf32, #tpu.memory_space<hbm>> -> memref<128x128xf32, #tpu.memory_space<hbm>>
      %dma_wait3A_56 = arith.constant 0 : i32
      %dma_wait3A_57 = tpu.memref_slice %arg4[%add3A_26, %dma_wait3A_56] : memref<40960x128xf32, #tpu.memory_space<hbm>> -> memref<128x128xf32, #tpu.memory_space<hbm>>
      tpu.wait_dma2 semaphore(%arg9 : memref<!tpu.dma_semaphore, #tpu.memory_space<semaphore_mem>>) src(%arg6 : memref<128x128xf32, #tpu.memory_space<vmem>>) dst(%dma_wait3A_57 : memref<128x128xf32, #tpu.memory_space<hbm>>)
      %dma_wait3A_58 = arith.constant 0 : i32
      %dma_wait3A_59 = tpu.memref_slice %arg4[%add3A_49, %dma_wait3A_58] : memref<40960x128xf32, #tpu.memory_space<hbm>> -> memref<128x128xf32, #tpu.memory_space<hbm>>
      %dma_wait3A_60 = arith.constant 0 : i32
      %dma_wait3A_61 = tpu.memref_slice %arg4[%add3A_49, %dma_wait3A_60] : memref<40960x128xf32, #tpu.memory_space<hbm>> -> memref<128x128xf32, #tpu.memory_space<hbm>>
      tpu.wait_dma2 semaphore(%arg10 : memref<!tpu.dma_semaphore, #tpu.memory_space<semaphore_mem>>) src(%arg7 : memref<128x128xf32, #tpu.memory_space<vmem>>) dst(%dma_wait3A_61 : memref<128x128xf32, #tpu.memory_space<hbm>>)
    }
    %scan3A_8 = arith.constant 5 : i32
    return
  }
}

module attributes {stable_mosaic.version = 14 : i64} {
  func.func @_attn_mlp_body(%arg0: i32, %arg1: memref<4x1024x128xf32, #tpu.memory_space<vmem>>, %arg2: memref<128x128xbf16, #tpu.memory_space<vmem>>, %arg3: memref<1x128xf32, #tpu.memory_space<vmem>>, %arg4: memref<128x512xbf16, #tpu.memory_space<vmem>>, %arg5: memref<1x512xbf16, #tpu.memory_space<vmem>>, %arg6: memref<512x512xbf16, #tpu.memory_space<vmem>>, %arg7: memref<1x512xbf16, #tpu.memory_space<vmem>>, %arg8: memref<512x256xbf16, #tpu.memory_space<vmem>>, %arg9: memref<1x256xbf16, #tpu.memory_space<vmem>>, %arg10: memref<256x20xbf16, #tpu.memory_space<vmem>>, %arg11: memref<1x20xf32, #tpu.memory_space<vmem>>, %arg12: memref<4x1024x20xf32, #tpu.memory_space<vmem>>) attributes {dimension_semantics = [#tpu.dimension_semantics<arbitrary>], iteration_bounds = array<i64: 10>, scalar_prefetch = 0 : i64, scratch_operands = 0 : i64, tpu.core_type = #tpu.core_type<tc>, window_params = [{transform_indices = @transform_0, window_bounds = array<i64: 4, 1024, 128>}, {pipeline_mode = #tpu.pipeline_mode<synchronous>, transform_indices = @transform_1, window_bounds = array<i64: 128, 128>}, {pipeline_mode = #tpu.pipeline_mode<synchronous>, transform_indices = @transform_2, window_bounds = array<i64: 1, 128>}, {pipeline_mode = #tpu.pipeline_mode<synchronous>, transform_indices = @transform_3, window_bounds = array<i64: 128, 512>}, {pipeline_mode = #tpu.pipeline_mode<synchronous>, transform_indices = @transform_4, window_bounds = array<i64: 1, 512>}, {pipeline_mode = #tpu.pipeline_mode<synchronous>, transform_indices = @transform_5, window_bounds = array<i64: 512, 512>}, {pipeline_mode = #tpu.pipeline_mode<synchronous>, transform_indices = @transform_6, window_bounds = array<i64: 1, 512>}, {pipeline_mode = #tpu.pipeline_mode<synchronous>, transform_indices = @transform_7, window_bounds = array<i64: 512, 256>}, {pipeline_mode = #tpu.pipeline_mode<synchronous>, transform_indices = @transform_8, window_bounds = array<i64: 1, 256>}, {pipeline_mode = #tpu.pipeline_mode<synchronous>, transform_indices = @transform_9, window_bounds = array<i64: 256, 20>}, {pipeline_mode = #tpu.pipeline_mode<synchronous>, transform_indices = @transform_10, window_bounds = array<i64: 1, 20>}, {transform_indices = @transform_11, window_bounds = array<i64: 4, 1024, 20>}]} {
    %get3A = arith.constant 0 : index
    %get3A_0 = arith.constant 0 : index
    %get3A_1 = arith.constant 0 : index
    %get3A_2 = vector.load %arg1[%get3A, %get3A_0, %get3A_1] : memref<4x1024x128xf32, #tpu.memory_space<vmem>>, vector<4x1024x128xf32>
    %convert_element_type3A = arith.truncf %get3A_2 : vector<4x1024x128xf32> to vector<4x1024x128xbf16>
    %reshape3A = vector.shape_cast %convert_element_type3A : vector<4x1024x128xbf16> to vector<4096x128xbf16>
    %get3A_3 = arith.constant 0 : index
    %get3A_4 = arith.constant 0 : index
    %get3A_5 = vector.load %arg2[%get3A_3, %get3A_4] : memref<128x128xbf16, #tpu.memory_space<vmem>>, vector<128x128xbf16>
    %dot_general3A = arith.constant dense<0.000000e+00> : vector<4096x128xf32>
    %dot_general3A_6 = tpu.matmul %reshape3A, %get3A_5, %dot_general3A {dimension_numbers = #tpu.dot_dimension_numbers<[1], [0], [0], [1], [0, 0, 1, 1], [], []>, transpose_lhs_hint = false} : vector<4096x128xbf16>, vector<128x128xbf16>, vector<4096x128xf32> -> vector<4096x128xf32>
    %get3A_7 = arith.constant 0 : index
    %get3A_8 = arith.constant 0 : index
    %get3A_9 = vector.load %arg3[%get3A_7, %get3A_8] : memref<1x128xf32, #tpu.memory_space<vmem>>, vector<1x128xf32>
    %add3A = vector.broadcast %get3A_9 : vector<1x128xf32> to vector<4096x128xf32>
    %add3A_10 = arith.addf %dot_general3A_6, %add3A : vector<4096x128xf32>
    %reshape3A_11 = vector.shape_cast %add3A_10 : vector<4096x128xf32> to vector<4x1024x128xf32>
    %exp3A = math.exp %reshape3A_11 : vector<4x1024x128xf32>
    %reduce_sum3A = arith.constant dense<0.000000e+00> : vector<4x128xf32>
    %reduce_sum3A_12 = vector.multi_reduction <add>, %exp3A, %reduce_sum3A [1] : vector<4x1024x128xf32> to vector<4x128xf32>
    %broadcast_in_dim3A = vector.shape_cast %reduce_sum3A_12 : vector<4x128xf32> to vector<4x1x128xf32>
    %div3A = vector.broadcast %broadcast_in_dim3A : vector<4x1x128xf32> to vector<4x1024x128xf32>
    %div3A_13 = arith.divf %exp3A, %div3A : vector<4x1024x128xf32>
    %mul3A = arith.mulf %div3A_13, %get3A_2 : vector<4x1024x128xf32>
    %reshape3A_14 = vector.shape_cast %mul3A : vector<4x1024x128xf32> to vector<4096x128xf32>
    %convert_element_type3A_15 = arith.truncf %reshape3A_14 : vector<4096x128xf32> to vector<4096x128xbf16>
    %get3A_16 = arith.constant 0 : index
    %get3A_17 = arith.constant 0 : index
    %get3A_18 = vector.load %arg4[%get3A_16, %get3A_17] : memref<128x512xbf16, #tpu.memory_space<vmem>>, vector<128x512xbf16>
    %dot_general3A_19 = arith.constant dense<0.000000e+00> : vector<4096x512xf32>
    %dot_general3A_20 = tpu.matmul %convert_element_type3A_15, %get3A_18, %dot_general3A_19 {dimension_numbers = #tpu.dot_dimension_numbers<[1], [0], [0], [1], [0, 0, 1, 1], [], []>, transpose_lhs_hint = false} : vector<4096x128xbf16>, vector<128x512xbf16>, vector<4096x512xf32> -> vector<4096x512xf32>
    %convert_element_type3A_21 = arith.truncf %dot_general3A_20 : vector<4096x512xf32> to vector<4096x512xbf16>
    %get3A_22 = arith.constant 0 : index
    %get3A_23 = arith.constant 0 : index
    %get3A_24 = vector.load %arg5[%get3A_22, %get3A_23] : memref<1x512xbf16, #tpu.memory_space<vmem>>, vector<1x512xbf16>
    %add3A_25 = vector.broadcast %get3A_24 : vector<1x512xbf16> to vector<4096x512xbf16>
    %add3A_26 = arith.addf %convert_element_type3A_21, %add3A_25 : vector<4096x512xbf16>
    %max3A = arith.constant 0.000000e+00 : bf16
    %max3A_27 = vector.broadcast %max3A : bf16 to vector<4096x512xbf16>
    %max3A_28 = arith.maximumf %add3A_26, %max3A_27 : vector<4096x512xbf16>
    %get3A_29 = arith.constant 0 : index
    %get3A_30 = arith.constant 0 : index
    %get3A_31 = vector.load %arg6[%get3A_29, %get3A_30] : memref<512x512xbf16, #tpu.memory_space<vmem>>, vector<512x512xbf16>
    %dot_general3A_32 = arith.constant dense<0.000000e+00> : vector<4096x512xf32>
    %dot_general3A_33 = tpu.matmul %max3A_28, %get3A_31, %dot_general3A_32 {dimension_numbers = #tpu.dot_dimension_numbers<[1], [0], [0], [1], [0, 0, 1, 1], [], []>, transpose_lhs_hint = false} : vector<4096x512xbf16>, vector<512x512xbf16>, vector<4096x512xf32> -> vector<4096x512xf32>
    %convert_element_type3A_34 = arith.truncf %dot_general3A_33 : vector<4096x512xf32> to vector<4096x512xbf16>
    %get3A_35 = arith.constant 0 : index
    %get3A_36 = arith.constant 0 : index
    %get3A_37 = vector.load %arg7[%get3A_35, %get3A_36] : memref<1x512xbf16, #tpu.memory_space<vmem>>, vector<1x512xbf16>
    %add3A_38 = vector.broadcast %get3A_37 : vector<1x512xbf16> to vector<4096x512xbf16>
    %add3A_39 = arith.addf %convert_element_type3A_34, %add3A_38 : vector<4096x512xbf16>
    %max3A_40 = arith.constant 0.000000e+00 : bf16
    %max3A_41 = vector.broadcast %max3A_40 : bf16 to vector<4096x512xbf16>
    %max3A_42 = arith.maximumf %add3A_39, %max3A_41 : vector<4096x512xbf16>
    %get3A_43 = arith.constant 0 : index
    %get3A_44 = arith.constant 0 : index
    %get3A_45 = vector.load %arg6[%get3A_43, %get3A_44] : memref<512x512xbf16, #tpu.memory_space<vmem>>, vector<512x512xbf16>
    %dot_general3A_46 = arith.constant dense<0.000000e+00> : vector<4096x512xf32>
    %dot_general3A_47 = tpu.matmul %max3A_42, %get3A_45, %dot_general3A_46 {dimension_numbers = #tpu.dot_dimension_numbers<[1], [0], [0], [1], [0, 0, 1, 1], [], []>, transpose_lhs_hint = false} : vector<4096x512xbf16>, vector<512x512xbf16>, vector<4096x512xf32> -> vector<4096x512xf32>
    %convert_element_type3A_48 = arith.truncf %dot_general3A_47 : vector<4096x512xf32> to vector<4096x512xbf16>
    %get3A_49 = arith.constant 0 : index
    %get3A_50 = arith.constant 0 : index
    %get3A_51 = vector.load %arg7[%get3A_49, %get3A_50] : memref<1x512xbf16, #tpu.memory_space<vmem>>, vector<1x512xbf16>
    %add3A_52 = vector.broadcast %get3A_51 : vector<1x512xbf16> to vector<4096x512xbf16>
    %add3A_53 = arith.addf %convert_element_type3A_48, %add3A_52 : vector<4096x512xbf16>
    %max3A_54 = arith.constant 0.000000e+00 : bf16
    %max3A_55 = vector.broadcast %max3A_54 : bf16 to vector<4096x512xbf16>
    %max3A_56 = arith.maximumf %add3A_53, %max3A_55 : vector<4096x512xbf16>
    %get3A_57 = arith.constant 0 : index
    %get3A_58 = arith.constant 0 : index
    %get3A_59 = vector.load %arg6[%get3A_57, %get3A_58] : memref<512x512xbf16, #tpu.memory_space<vmem>>, vector<512x512xbf16>
    %dot_general3A_60 = arith.constant dense<0.000000e+00> : vector<4096x512xf32>
    %dot_general3A_61 = tpu.matmul %max3A_56, %get3A_59, %dot_general3A_60 {dimension_numbers = #tpu.dot_dimension_numbers<[1], [0], [0], [1], [0, 0, 1, 1], [], []>, transpose_lhs_hint = false} : vector<4096x512xbf16>, vector<512x512xbf16>, vector<4096x512xf32> -> vector<4096x512xf32>
    %convert_element_type3A_62 = arith.truncf %dot_general3A_61 : vector<4096x512xf32> to vector<4096x512xbf16>
    %get3A_63 = arith.constant 0 : index
    %get3A_64 = arith.constant 0 : index
    %get3A_65 = vector.load %arg7[%get3A_63, %get3A_64] : memref<1x512xbf16, #tpu.memory_space<vmem>>, vector<1x512xbf16>
    %add3A_66 = vector.broadcast %get3A_65 : vector<1x512xbf16> to vector<4096x512xbf16>
    %add3A_67 = arith.addf %convert_element_type3A_62, %add3A_66 : vector<4096x512xbf16>
    %max3A_68 = arith.constant 0.000000e+00 : bf16
    %max3A_69 = vector.broadcast %max3A_68 : bf16 to vector<4096x512xbf16>
    %max3A_70 = arith.maximumf %add3A_67, %max3A_69 : vector<4096x512xbf16>
    %get3A_71 = arith.constant 0 : index
    %get3A_72 = arith.constant 0 : index
    %get3A_73 = vector.load %arg8[%get3A_71, %get3A_72] : memref<512x256xbf16, #tpu.memory_space<vmem>>, vector<512x256xbf16>
    %dot_general3A_74 = arith.constant dense<0.000000e+00> : vector<4096x256xf32>
    %dot_general3A_75 = tpu.matmul %max3A_70, %get3A_73, %dot_general3A_74 {dimension_numbers = #tpu.dot_dimension_numbers<[1], [0], [0], [1], [0, 0, 1, 1], [], []>, transpose_lhs_hint = false} : vector<4096x512xbf16>, vector<512x256xbf16>, vector<4096x256xf32> -> vector<4096x256xf32>
    %convert_element_type3A_76 = arith.truncf %dot_general3A_75 : vector<4096x256xf32> to vector<4096x256xbf16>
    %get3A_77 = arith.constant 0 : index
    %get3A_78 = arith.constant 0 : index
    %get3A_79 = vector.load %arg9[%get3A_77, %get3A_78] : memref<1x256xbf16, #tpu.memory_space<vmem>>, vector<1x256xbf16>
    %add3A_80 = vector.broadcast %get3A_79 : vector<1x256xbf16> to vector<4096x256xbf16>
    %add3A_81 = arith.addf %convert_element_type3A_76, %add3A_80 : vector<4096x256xbf16>
    %max3A_82 = arith.constant 0.000000e+00 : bf16
    %max3A_83 = vector.broadcast %max3A_82 : bf16 to vector<4096x256xbf16>
    %max3A_84 = arith.maximumf %add3A_81, %max3A_83 : vector<4096x256xbf16>
    %get3A_85 = arith.constant 0 : index
    %get3A_86 = arith.constant 0 : index
    %get3A_87 = vector.load %arg10[%get3A_85, %get3A_86] : memref<256x20xbf16, #tpu.memory_space<vmem>>, vector<256x20xbf16>
    %dot_general3A_88 = arith.constant dense<0.000000e+00> : vector<4096x20xf32>
    %dot_general3A_89 = tpu.matmul %max3A_84, %get3A_87, %dot_general3A_88 {dimension_numbers = #tpu.dot_dimension_numbers<[1], [0], [0], [1], [0, 0, 1, 1], [], []>, transpose_lhs_hint = false} : vector<4096x256xbf16>, vector<256x20xbf16>, vector<4096x20xf32> -> vector<4096x20xf32>
    %get3A_90 = arith.constant 0 : index
    %get3A_91 = arith.constant 0 : index
    %get3A_92 = vector.load %arg11[%get3A_90, %get3A_91] : memref<1x20xf32, #tpu.memory_space<vmem>>, vector<1x20xf32>
    %add3A_93 = vector.broadcast %get3A_92 : vector<1x20xf32> to vector<4096x20xf32>
    %add3A_94 = arith.addf %dot_general3A_89, %add3A_93 : vector<4096x20xf32>
    %reshape3A_95 = vector.shape_cast %add3A_94 : vector<4096x20xf32> to vector<4x1024x20xf32>
    %swap3A = arith.constant 0 : index
    %swap3A_96 = arith.constant 0 : index
    %swap3A_97 = arith.constant 0 : index
    %swap3A_98 = vector.load %arg12[%swap3A, %swap3A_96, %swap3A_97] : memref<4x1024x20xf32, #tpu.memory_space<vmem>>, vector<4x1024x20xf32>
    tpu.vector_store %arg12[%swap3A, %swap3A_96, %swap3A_97], %reshape3A_95 {strides = array<i32>} : memref<4x1024x20xf32, #tpu.memory_space<vmem>>, vector<4x1024x20xf32>,
    return
  }
  func.func @transform_0(%arg0: i32) -> (i32, i32, i32) {
    %c0_i32 = arith.constant 0 : i32
    %c0_i32_0 = arith.constant 0 : i32
    %c0_i32_1 = arith.constant 0 : i32
    return %arg0, %c0_i32, %c0_i32_0 : i32, i32, i32
  }
  func.func @transform_1(%arg0: i32) -> (i32, i32) {
    %c0_i32 = arith.constant 0 : i32
    %c0_i32_0 = arith.constant 0 : i32
    %c0_i32_1 = arith.constant 0 : i32
    return %c0_i32, %c0_i32_0 : i32, i32
  }
  func.func @transform_2(%arg0: i32) -> (i32, i32) {
    %c0_i32 = arith.constant 0 : i32
    %c0_i32_0 = arith.constant 0 : i32
    %c0_i32_1 = arith.constant 0 : i32
    return %c0_i32, %c0_i32_0 : i32, i32
  }
  func.func @transform_3(%arg0: i32) -> (i32, i32) {
    %c0_i32 = arith.constant 0 : i32
    %c0_i32_0 = arith.constant 0 : i32
    %c0_i32_1 = arith.constant 0 : i32
    return %c0_i32, %c0_i32_0 : i32, i32
  }
  func.func @transform_4(%arg0: i32) -> (i32, i32) {
    %c0_i32 = arith.constant 0 : i32
    %c0_i32_0 = arith.constant 0 : i32
    %c0_i32_1 = arith.constant 0 : i32
    return %c0_i32, %c0_i32_0 : i32, i32
  }
  func.func @transform_5(%arg0: i32) -> (i32, i32) {
    %c0_i32 = arith.constant 0 : i32
    %c0_i32_0 = arith.constant 0 : i32
    %c0_i32_1 = arith.constant 0 : i32
    return %c0_i32, %c0_i32_0 : i32, i32
  }
  func.func @transform_6(%arg0: i32) -> (i32, i32) {
    %c0_i32 = arith.constant 0 : i32
    %c0_i32_0 = arith.constant 0 : i32
    %c0_i32_1 = arith.constant 0 : i32
    return %c0_i32, %c0_i32_0 : i32, i32
  }
  func.func @transform_7(%arg0: i32) -> (i32, i32) {
    %c0_i32 = arith.constant 0 : i32
    %c0_i32_0 = arith.constant 0 : i32
    %c0_i32_1 = arith.constant 0 : i32
    return %c0_i32, %c0_i32_0 : i32, i32
  }
  func.func @transform_8(%arg0: i32) -> (i32, i32) {
    %c0_i32 = arith.constant 0 : i32
    %c0_i32_0 = arith.constant 0 : i32
    %c0_i32_1 = arith.constant 0 : i32
    return %c0_i32, %c0_i32_0 : i32, i32
  }
  func.func @transform_9(%arg0: i32) -> (i32, i32) {
    %c0_i32 = arith.constant 0 : i32
    %c0_i32_0 = arith.constant 0 : i32
    %c0_i32_1 = arith.constant 0 : i32
    return %c0_i32, %c0_i32_0 : i32, i32
  }
  func.func @transform_10(%arg0: i32) -> (i32, i32) {
    %c0_i32 = arith.constant 0 : i32
    %c0_i32_0 = arith.constant 0 : i32
    %c0_i32_1 = arith.constant 0 : i32
    return %c0_i32, %c0_i32_0 : i32, i32
  }
  func.func @transform_11(%arg0: i32) -> (i32, i32, i32) {
    %c0_i32 = arith.constant 0 : i32
    %c0_i32_0 = arith.constant 0 : i32
    %c0_i32_1 = arith.constant 0 : i32
    return %arg0, %c0_i32, %c0_i32_0 : i32, i32, i32
  }
}

</mosaic_0001>

<sc_bundles>
// kernel: kernel.12.cloned.1.call-start
scs
__scs_entry_jumppad:
0x0: {  	(pc) =	sbr.rel $0x88, $3  }
0x1: {  	(tag) =	ssettag $0x0;
	lr =	simm.s32 $0x1  }
0x2: {  	[smem:$0x3F95] =	sst lr;
	_ =	strace $0xD0000000  }
0x3: {  	_ = 	snop  }
0x4: {  	_ = 	snop  }
0x5: {  	_ = 	snop  }
0x6: {  	_ = 	snop  }
0x7: {  	_ = 	snop  }
__scs_overlays_trampoline_lowered:
0x8: {  	[smem:$0x3FA4] =	sst s0  }
0x9: {  	[smem:$0x3FA5] =	sst s1  }
0xa: {  	[smem:$0x3FA6] =	sst s2  }
0xb: {  	[smem:$0x3FA7] =	sst s3  }
0xc: {  	[smem:$0x3FA8] =	sst s4  }
0xd: {  	[smem:$0x3FA9] =	sst s5  }
0xe: {  	[smem:$0x3FAA] =	sst s6  }
0xf: {  	[smem:$0x3FAB] =	sst s7  }
0x10: {  	[smem:$0x3FAC] =	sst s8  }
0x11: {  	[smem:$0x3FAD] =	sst s9;
	s0 =	simm.s32 @!p0 $0x0  }
0x12: {  	s1 =	sld [smem:$0x3F93];
	s0 =	simm.s32 @p0 $0x1  }
0x13: {  	[smem:$0x3FAE] =	sst s0;
	s0 =	simm.s32 @!p1 $0x0  }
0x14: {  	s2 =	sld [smem:$0x3F92];
	s0 =	simm.s32 @p1 $0x1  }
0x15: {  	[smem:$0x3FAF] =	sst s0;
	s0 =	simm.s32 @!p2 $0x0  }
0x16: {  	s3 =	sld [smem:$0x3FDB];
	s0 =	simm.s32 @p2 $0x1  }
0x17: {  	s4 =	simm.s32 $0x1BF5;
	[smem:$0x3FB1] =	sst s0  }
0x18: {  	s0 =	sld [smem:$0x3F94];
	_ =	swait.ge [sflag:s4], $0x0  }
0x19: {  	s7 =	sld [smem:$0x3F95]  }
0x1a: {  	s8 =	sadd.s32 $0xFFFFE003, lr  }
0x1b: {  	s9 =	sadd.s32 $0xFFFFFEF7, lr;
	s5 =	simm.s32 $0xFFFFFFFF;
	p2 =	slt.u32 s8, $0xFFFFF086  }
0x1c: {  	p1 =	slt.u32 s9, $0xF7A;
	s5 =	simm.s32 @!p2 $0x0  }
0x1d: {  	s5 =	simm.s32 @p1 $0x1;
	p0 =	seq.s32 s7, s2  }
0x1e: {  	s7 =	smul.u32 @!p0 $0xF7A, s2;
	p2 =	seq.s32 @!p0 s5, $0x0  }
0x1f: {  	s9 =	smul.u32 $0xF7A, s1;
	s8 =	simm.s32 @!p0 $0x1BF5;
	p2 =	por !p2, p0  }
0x20: {  	[sflag:s8] =	ssyncset.s32 @!p0 $0xFFFFF086;
	s6 =	sadd.s32 @!p0 s3, s7;
	s7 =	simm.s32 @!p0 $0x108  }
0x21: {  	s3 =	sadd.s32 s3, s9;
	s6 =	sadd.s32 @!p0 $0x88, s6;
	s7 =	simm.s32 @p2 $0x1082  }
0x22: {  	[simem:s7], [sflag:s8] =	dma.local @!p0 [hbm:s6], $0xF7A  }
0x23: {  	s9 =	sor.u32 $0xD0000000, s2;
	s6 =	simm.s32 $0x108;
	_ =	swait.ge @!p0 [sflag:s8], $0x0  }
0x24: {  	s3 =	sadd.s32 $0x88, s3;
	s6 =	simm.s32 @!p1 $0x1082;
	[sflag:s4] =	ssyncset.s32 $0xFFFFF086  }
0x25: {  	[simem:s6], [sflag:s4] =	dma.local [hbm:s3], $0xF7A  }
0x26: {  	[smem:$0x3F95] =	sst s1;
	(tag) =	ssettag s2;
	_ =	strace s9  }
0x27: {  	s1 =	sld [smem:$0x3FA5]  }
0x28: {  	s2 =	sld [smem:$0x3FA6]  }
0x29: {  	s4 =	sld [smem:$0x3FA8]  }
0x2a: {  	p0 =	seq.s32 s5, $0x0;
	s5 =	sld [smem:$0x3FA9]  }
0x2b: {  	s6 =	sld [smem:$0x3FAA]  }
0x2c: {  	s7 =	sld [smem:$0x3FAB]  }
0x2d: {  	s3 =	simm.s32 $0x108;
	s8 =	sld [smem:$0x3FAC]  }
0x2e: {  	s3 =	simm.s32 @!p0 $0x1082;
	s9 =	sld [smem:$0x3FAD]  }
0x2f: {  	lr =	sadd.s32 s0, s3;
	s0 =	sld [smem:$0x3FA4]  }
0x30: {  	s3 =	sld [smem:$0x3FA7]  }
0x31: {  	[smem:$0x3FB0] =	sst s10  }
0x32: {  	s10 =	sld [smem:$0x3FAE];
	_ =	sdelay $0x3  }
0x33: {  	p0 =	seq.s32 s10, $0x1;
	s10 =	sld [smem:$0x3FB0];
	_ =	sdelay $0x3  }
0x34: {  	[smem:$0x3FB0] =	sst s10  }
0x35: {  	s10 =	sld [smem:$0x3FAF];
	_ =	sdelay $0x3  }
0x36: {  	p1 =	seq.s32 s10, $0x1;
	s10 =	sld [smem:$0x3FB0];
	_ =	sdelay $0x3  }
0x37: {  	[smem:$0x3FB0] =	sst s10  }
0x38: {  	s10 =	sld [smem:$0x3FB1]  }
0x39: {  	_ = 	snop;
	(pc) =	sbr.ind lr, $3  }
0x3a: {  	_ = 	snop  }
0x3b: {  	_ = 	snop  }
0x3c: {  	p2 =	seq.s32 s10, $0x1;
	s10 =	sld [smem:$0x3FB0]  }
0x3d: {  	_ =	shalt  }
0x3e: {  	_ =	shalt  }
0x3f: {  	_ =	shalt  }
0x40: {  	_ =	shalt  }
0x41: {  	_ =	shalt  }
0x42: {  	_ =	shalt  }
0x43: {  	_ =	shalt  }
0x44: {  	_ =	shalt  }
0x45: {  	_ =	shalt  }
0x46: {  	_ =	shalt  }
0x47: {  	_ =	shalt  }
0x48: {  	_ =	shalt  }
0x49: {  	_ =	shalt  }
0x4a: {  	_ =	shalt  }
0x4b: {  	_ =	shalt  }
0x4c: {  	_ =	shalt  }
0x4d: {  	_ =	shalt  }
0x4e: {  	_ =	shalt  }
0x4f: {  	_ =	shalt  }
0x50: {  	_ =	shalt  }
0x51: {  	_ =	shalt  }
0x52: {  	_ =	shalt  }
0x53: {  	_ =	shalt  }
0x54: {  	_ =	shalt  }
0x55: {  	_ =	shalt  }
0x56: {  	_ =	shalt  }
0x57: {  	_ =	shalt  }
0x58: {  	_ =	shalt  }
0x59: {  	_ =	shalt  }
0x5a: {  	_ =	shalt  }
0x5b: {  	_ =	shalt  }
0x5c: {  	_ =	shalt  }
0x5d: {  	_ =	shalt  }
0x5e: {  	_ =	shalt  }
0x5f: {  	_ =	shalt  }
0x60: {  	_ =	shalt  }
0x61: {  	_ =	shalt  }
0x62: {  	_ =	shalt  }
0x63: {  	_ =	shalt  }
0x64: {  	_ =	shalt  }
0x65: {  	_ =	shalt  }
0x66: {  	_ =	shalt  }
0x67: {  	_ =	shalt  }
0x68: {  	_ =	shalt  }
0x69: {  	_ =	shalt  }
0x6a: {  	_ =	shalt  }
0x6b: {  	_ =	shalt  }
0x6c: {  	_ =	shalt  }
0x6d: {  	_ =	shalt  }
0x6e: {  	_ =	shalt  }
0x6f: {  	_ =	shalt  }
0x70: {  	_ =	shalt  }
0x71: {  	_ =	shalt  }
0x72: {  	_ =	shalt  }
0x73: {  	_ =	shalt  }
0x74: {  	_ =	shalt  }
0x75: {  	_ =	shalt  }
0x76: {  	_ =	shalt  }
0x77: {  	_ =	shalt  }
0x78: {  	_ =	shalt  }
0x79: {  	_ =	shalt  }
0x7a: {  	_ =	shalt  }
0x7b: {  	_ =	shalt  }
0x7c: {  	_ =	shalt  }
0x7d: {  	_ =	shalt  }
0x7e: {  	_ =	shalt  }
0x7f: {  	_ =	shalt  }
0x80: {  	_ =	shalt  }
0x81: {  	_ =	shalt  }
0x82: {  	_ =	shalt  }
0x83: {  	_ =	shalt  }
0x84: {  	_ =	shalt  }
0x85: {  	_ =	shalt  }
0x86: {  	_ =	shalt  }
0x87: {  	_ =	shalt  }
.Lfunc_end0:
.L_simem_size_0:
called_computation_lowered:
.L_overlay_start_0:
0x88: {  	s2 =	sld [smem:$0x3FD9]  }
0x89: {  	s3 =	sld [smem:$0x3FFE];
	_ =	sdelay $0x1  }
0x8a: {  	s1 =	srdreg.scid  }
0x8b: {  	s0 =	sand.u32 $0x1, s1  }
0x8c: {  	s17 =	sshll.u32 s0, $0xA;
	s2 =	sadd.s32 s3, s2  }
0x8d: {  	s2 =	sadd.s32 s2, s17  }
0x8e: {  	[smem:$0x3FBC] =	sst s2  }
0x8f: {  	_ = 	snop  }
0x90: {  	s2 =	sld [smem:$0x3FC8]  }
0x91: {  	s18 =	sld [smem:$0x3FD0];
	(tm) =	ssettm $0x1  }
0x92: {  	s4 =	sld [smem:$0x3FFB];
	_ =	sdelay $0x3  }
0x93: {  	_ =	strace s4  }
0x94: {  	s4 =	sld [smem:$0x3FFC];
	_ =	sdelay $0x3  }
0x95: {  	_ =	strace s4  }
0x96: {  	s4 =	sld [smem:$0x3FFD];
	_ =	sdelay $0x3  }
0x97: {  	_ =	strace s4  }
0x98: {  	_ =	strace $0x8FFFFFFF  }
0x99: {  	s19 =	sld [smem:$0x3FDB];
	_ =	sdelay $0x1  }
0x9a: {  	s5 =	simm.s32 $_scs_section_size  }
0x9b: {  	s6 =	simm.s32 $_size__tile_overlayer_lowered;
	s7 =	simm.s32 $_tile_overlayer_lowered  }
0x9c: {  	s22 =	simm.s32 $0x1BFF;
	s21 =	sshll.u32 s7, $0x1;
	s4 =	sadd.s32 s5, s19  }
0x9d: {  	s8 =	simm.s32 $0x0;
	s20 =	sshll.u32 s6, $0x1;
	s6 =	sadd.s32 s21, s4  }
0x9e: {  	[timem:s8], [sflag:s22] =	dma.local [hbm:s6], s20  }
0x9f: {  	_ =	swait.ge [sflag:s22], s20  }
0xa0: {  	s5 =	ssub.s32 $0x0, s20;
	[sflag:s22] =	ssyncset.done $0x0  }
0xa1: {  	[sflag:s22] =	ssyncadd.s32 s5;
	_ =	sdelay $0x1  }
0xa2: {  	s23 =	simm.s32 $0x1B8B  }
0xa3: {  	_ =	swait.ge [sflag:s23], $0x1  }
0xa4: {  	[sflag:s23] =	ssyncset.done $0x0  }
0xa5: {  	s25 =	simm.s32 $0x1B8E;
	s24 =	sld [smem:$0x3FFE];
	[sflag:s23] =	ssyncadd.s32 $0xFFFFFFFF  }
0xa6: {  	s26 =	simm.s32 $execute0_lowered;
	[smem:$0x3FD2] =	sst s25  }
0xa7: {  	s6 =	sshll.u32 s26, $0x1;
	_ =	strace $0x80000046;
	[dreg:$0x1] =	wrdreg $0xFFFFFFFF  }
0xa8: {  	s28 =	simm.s32 $_size_execute0_lowered;
	s4 =	sadd.s32 s4, s6;
	[dreg:$0x0] =	wrdreg $0x0  }
0xa9: {  	s6 =	sshll.u32 s28, $0x1;
	[dreg:$0x2] =	wrdreg s4  }
0xaa: {  	[dreg:$0x3] =	wrdreg s6  }
0xab: {  	[dreg:$0x4] =	wrdreg $0xC0  }
0xac: {  	_ =	task [dreg:s8], $0x5FFFF  }
0xad: {  	[dreg:$0x1] =	wrdreg $0xFFFFFFFF  }
0xae: {  	[dreg:$0x0] =	wrdreg $0x60  }
0xaf: {  	[dreg:$0x2] =	wrdreg s2  }
0xb0: {  	[dreg:$0x3] =	wrdreg s18  }
0xb1: {  	[dreg:$0x4] =	wrdreg s24  }
0xb2: {  	[dreg:$0x5] =	wrdreg $0x9  }
0xb3: {  	_ =	task.clear_ibuf [dreg:s8], $0x6FFFF;
	_ =	strace $0x90000046  }
0xb4: {  	s29 =	simm.s32 $0x9;
	_ =	strace $0x80000048  }
0xb5: {  	_ =	swait.ge [sflag:s29], $0x1  }
0xb6: {  	[sflag:s29] =	ssyncadd.s32 $0xFFFFFFFF  }
0xb7: {  	_ =	strace $0x90000048  }
0xb8: {  	_ =	sfence  }
0xb9: {  	s30 =	sld [smem:$0x0];
	_ =	sdelay $0x2  }
0xba: {  	s31 =	sshll.u32 s1, $0xD;
	s1 =	sshrl.u32 s1, $0x2  }
0xbb: {  	s3 =	sand.u32 $0x4000, s31;
	s1 =	sadd.s32 s1, s30  }
0xbc: {  	s0 =	sor.u32 s3, s0;
	s1 =	sshll.u32 s1, $0x11  }
0xbd: {  	s0 =	sor.u32 s1, s0  }
0xbe: {  	s0 =	sadd.s32 $0x8F2B, s0  }
0xbf: {  	[sflag:s0] =	ssyncadd.remote.s32 $0x1  }
0xc0: {  	_ =	sfence.sel $0xFFFF  }
0xc1: {  	[dreg:$0x0] =	wrdreg $0xFFFFFFFF;
	(pc) =	sbr.abs _section_cstart, $3  }
0xc2: {  	[dreg:$0x1] =	wrdreg $0xFFFFFFFF  }
0xc3: {  	_ =	task.clear_ibuf [dreg:s8], $0x2FFFF;
	_ =	strace $0x9FFFFFFF  }
0xc4: {  	(tm) =	ssettm $0x7FFFFFFF  }
0xc5: {  	_ =	shalt  }
tec
execute0_lowered:
.L_overlay_start_1:
0x0: {  	(tag) =	ssettag $0x1  }
0x1: {  	s2 =	rddreg [dreg:$0x0]  }
0x2: {  	s1 =	srdreg.scid;
	s0 =	stileid.u32  }
0x3: {  	s4 =	rddreg [dreg:$0x1];
	s30 =	sand.u32 $0x1, s1;
	s5 =	sshll.u32 s0, $0x1  }
0x4: {  	s9 =	rddreg [dreg:$0x2];
	s3 =	simm.s32 $0x0;
	s10 =	sor.u32 s30, s5  }
0x5: {  	[smem:$0x7FF] =	sst s3;
	s5 =	sshll.u32 s10, $0x8  }
0x6: {  	_ =	strace $0x80000047;
	s4 =	sadd.s32 s4, s5;
	s5 =	simm.s32 $0x4  }
0x7: {  	[tilespmem:s3], [sflag:$0x4] =	stream.linear.gather [hbm4b:s4+s3], $0x500, $0x38;
	[tilespmem:$0x8800] =	vst v63  }
0x8: {  	_ =	swait.ge [sflag:s5], $0x500  }
0x9: {  	s6 =	simm.s32 $0x80;
	s7 =	simm.s32 $0x800;
	[sflag:s5] =	ssyncset.done $0x0  }
0xa: {  	s8 =	simm.s32 $0x1;
	s11 =	smul.u32 $0x28000, s10;
	[sflag:s5] =	ssyncadd.s32 $0xFFFFFB00  }
0xb: {  	[tilespmem:s7], [sflag:$0x1] =	stream.indirect.gather [hbm4b:s2+s6], $0x80, s3, s6, $0xb8;
	[tilespmem:$0x8800] =	vst v63  }
0xc: {  	_ =	swait.ge [sflag:s8], $0x4000  }
0xd: {  	s12 =	sadd.s32 $0x5A00, s9;
	s25 =	sshrl.u32 s11, $0x3;
	[sflag:s8] =	ssyncset.done $0x0  }
0xe: {  	s9 =	sadd.s32 s12, s25;
	[sflag:s8] =	ssyncadd.s32 $0xFFFFC000  }
0xf: {  	[hbm4b:s9+s3] =	stream.linear.scatter [tilespmem:s7], [sflag:$0x2], $0x4000, $0x38;
	[tilespmem:$0x8800] =	vst v63  }
0x10: {  	s26 =	smul.u32 $0x5000, s10;
	s10 =	simm.s32 $0x4800  }
0x11: {  	[tilespmem:s10], [sflag:$0x1] =	stream.indirect.gather [hbm4b:s2+s6], $0x80, s6, s6, $0xb8;
	[tilespmem:$0x8800] =	vst v63  }
0x12: {  	_ =	swait.ge [sflag:s8], $0x4000  }
0x13: {  	s31 =	sadd.s32 s12, s26;
	[sflag:s8] =	ssyncset.done $0x0  }
0x14: {  	s11 =	sadd.s32 $0x800, s31;
	s12 =	simm.s32 $0x2;
	[sflag:s8] =	ssyncadd.s32 $0xFFFFC000  }
0x15: {  	[hbm4b:s11+s3] =	stream.linear.scatter [tilespmem:s10], [sflag:$0x3], $0x4000, $0x38;
	[tilespmem:$0x8800] =	vst v63  }
0x16: {  	_ =	swait.ge [sflag:s12], $0x4000  }
0x17: {  	[sflag:s12] =	ssyncset.done $0x0  }
0x18: {  	s13 =	simm.s32 $0x3;
	[sflag:s12] =	ssyncadd.s32 $0xFFFFC000  }
0x19: {  	_ =	swait.ge [sflag:s13], $0x4000  }
0x1a: {  	[sflag:s13] =	ssyncset.done $0x0  }
0x1b: {  	s14 =	simm.s32 $0x100;
	[sflag:s13] =	ssyncadd.s32 $0xFFFFC000  }
0x1c: {  	[tilespmem:s7], [sflag:$0x1] =	stream.indirect.gather [hbm4b:s2+s6], $0x80, s14, s6, $0xb8;
	[tilespmem:$0x8800] =	vst v63  }
0x1d: {  	_ =	swait.ge [sflag:s8], $0x4000  }
0x1e: {  	[sflag:s8] =	ssyncset.done $0x0  }
0x1f: {  	s15 =	sadd.s32 $0x1000, s9;
	[sflag:s8] =	ssyncadd.s32 $0xFFFFC000  }
0x20: {  	[hbm4b:s15+s3] =	stream.linear.scatter [tilespmem:s7], [sflag:$0x2], $0x4000, $0x38;
	[tilespmem:$0x8800] =	vst v63  }
0x21: {  	s16 =	simm.s32 $0x180  }
0x22: {  	[tilespmem:s10], [sflag:$0x1] =	stream.indirect.gather [hbm4b:s2+s6], $0x80, s16, s6, $0xb8;
	[tilespmem:$0x8800] =	vst v63  }
0x23: {  	_ =	swait.ge [sflag:s8], $0x4000  }
0x24: {  	[sflag:s8] =	ssyncset.done $0x0  }
0x25: {  	s17 =	sadd.s32 $0x1800, s31;
	[sflag:s8] =	ssyncadd.s32 $0xFFFFC000  }
0x26: {  	[hbm4b:s17+s3] =	stream.linear.scatter [tilespmem:s10], [sflag:$0x3], $0x4000, $0x38;
	[tilespmem:$0x8800] =	vst v63  }
0x27: {  	_ =	swait.ge [sflag:s12], $0x4000  }
0x28: {  	[sflag:s12] =	ssyncset.done $0x0  }
0x29: {  	[sflag:s12] =	ssyncadd.s32 $0xFFFFC000  }
0x2a: {  	_ =	swait.ge [sflag:s13], $0x4000  }
0x2b: {  	[sflag:s13] =	ssyncset.done $0x0  }
0x2c: {  	s18 =	simm.s32 $0x200;
	[sflag:s13] =	ssyncadd.s32 $0xFFFFC000  }
0x2d: {  	[tilespmem:s7], [sflag:$0x1] =	stream.indirect.gather [hbm4b:s2+s6], $0x80, s18, s6, $0xb8;
	[tilespmem:$0x8800] =	vst v63  }
0x2e: {  	_ =	swait.ge [sflag:s8], $0x4000  }
0x2f: {  	[sflag:s8] =	ssyncset.done $0x0  }
0x30: {  	s19 =	sadd.s32 $0x2000, s9;
	[sflag:s8] =	ssyncadd.s32 $0xFFFFC000  }
0x31: {  	[hbm4b:s19+s3] =	stream.linear.scatter [tilespmem:s7], [sflag:$0x2], $0x4000, $0x38;
	[tilespmem:$0x8800] =	vst v63  }
0x32: {  	s20 =	simm.s32 $0x280  }
0x33: {  	[tilespmem:s10], [sflag:$0x1] =	stream.indirect.gather [hbm4b:s2+s6], $0x80, s20, s6, $0xb8;
	[tilespmem:$0x8800] =	vst v63  }
0x34: {  	_ =	swait.ge [sflag:s8], $0x4000  }
0x35: {  	[sflag:s8] =	ssyncset.done $0x0  }
0x36: {  	s21 =	sadd.s32 $0x2800, s31;
	[sflag:s8] =	ssyncadd.s32 $0xFFFFC000  }
0x37: {  	[hbm4b:s21+s3] =	stream.linear.scatter [tilespmem:s10], [sflag:$0x3], $0x4000, $0x38;
	[tilespmem:$0x8800] =	vst v63  }
0x38: {  	_ =	swait.ge [sflag:s12], $0x4000  }
0x39: {  	[sflag:s12] =	ssyncset.done $0x0  }
0x3a: {  	[sflag:s12] =	ssyncadd.s32 $0xFFFFC000  }
0x3b: {  	_ =	swait.ge [sflag:s13], $0x4000  }
0x3c: {  	[sflag:s13] =	ssyncset.done $0x0  }
0x3d: {  	s22 =	simm.s32 $0x300;
	[sflag:s13] =	ssyncadd.s32 $0xFFFFC000  }
0x3e: {  	[tilespmem:s7], [sflag:$0x1] =	stream.indirect.gather [hbm4b:s2+s6], $0x80, s22, s6, $0xb8;
	[tilespmem:$0x8800] =	vst v63  }
0x3f: {  	_ =	swait.ge [sflag:s8], $0x4000  }
0x40: {  	[sflag:s8] =	ssyncset.done $0x0  }
0x41: {  	s23 =	sadd.s32 $0x3000, s9;
	[sflag:s8] =	ssyncadd.s32 $0xFFFFC000  }
0x42: {  	[hbm4b:s23+s3] =	stream.linear.scatter [tilespmem:s7], [sflag:$0x2], $0x4000, $0x38;
	[tilespmem:$0x8800] =	vst v63  }
0x43: {  	s24 =	simm.s32 $0x380  }
0x44: {  	[tilespmem:s10], [sflag:$0x1] =	stream.indirect.gather [hbm4b:s2+s6], $0x80, s24, s6, $0xb8;
	[tilespmem:$0x8800] =	vst v63  }
0x45: {  	_ =	swait.ge [sflag:s8], $0x4000  }
0x46: {  	[sflag:s8] =	ssyncset.done $0x0  }
0x47: {  	s25 =	sadd.s32 $0x3800, s31;
	[sflag:s8] =	ssyncadd.s32 $0xFFFFC000  }
0x48: {  	[hbm4b:s25+s3] =	stream.linear.scatter [tilespmem:s10], [sflag:$0x3], $0x4000, $0x38;
	[tilespmem:$0x8800] =	vst v63  }
0x49: {  	_ =	swait.ge [sflag:s12], $0x4000  }
0x4a: {  	[sflag:s12] =	ssyncset.done $0x0  }
0x4b: {  	[sflag:s12] =	ssyncadd.s32 $0xFFFFC000  }
0x4c: {  	_ =	swait.ge [sflag:s13], $0x4000  }
0x4d: {  	[sflag:s13] =	ssyncset.done $0x0  }
0x4e: {  	s26 =	simm.s32 $0x400;
	[sflag:s13] =	ssyncadd.s32 $0xFFFFC000  }
0x4f: {  	[tilespmem:s7], [sflag:$0x1] =	stream.indirect.gather [hbm4b:s2+s6], $0x80, s26, s6, $0xb8;
	[tilespmem:$0x8800] =	vst v63  }
0x50: {  	_ =	swait.ge [sflag:s8], $0x4000  }
0x51: {  	[sflag:s8] =	ssyncset.done $0x0  }
0x52: {  	s1 =	ssub.s32 $0x2, s30;
	s28 =	sadd.s32 $0x4000, s9;
	[sflag:s8] =	ssyncadd.s32 $0xFFFFC000  }
0x53: {  	[hbm4b:s28+s3] =	stream.linear.scatter [tilespmem:s7], [sflag:$0x2], $0x4000, $0x38;
	[tilespmem:$0x8800] =	vst v63  }
0x54: {  	s29 =	simm.s32 $0x480;
	s30 =	sadd.s32 $0x4800, s31;
	s31 =	sshrl.u32 s1, $0x1  }
0x55: {  	[tilespmem:s10], [sflag:$0x1] =	stream.indirect.gather [hbm4b:s2+s6], $0x80, s29, s6, $0xb8;
	[tilespmem:$0x8800] =	vst v63  }
0x56: {  	s1 =	ssub.s32 s1, s31;
	_ =	swait.ge [sflag:s8], $0x4000  }
0x57: {  	s1 =	smax.u32 s1, $0x1;
	[sflag:s8] =	ssyncset.done $0x0  }
0x58: {  	p0 =	sne.s32 s1, $0x1;
	[sflag:s8] =	ssyncadd.s32 $0xFFFFC000  }
0x59: {  	[hbm4b:s30+s3] =	stream.linear.scatter [tilespmem:s10], [sflag:$0x3], $0x4000, $0x38;
	[tilespmem:$0x8800] =	vst v63  }
.Ltmp0:
0x5a: {  	_ =	swait.ge [sflag:s12], $0x4000;
	(pc) =	sbr.rel @!p0 .LBB2_2-.Ltmp0, $4  }
0x5b: {  	[sflag:s12] =	ssyncset.done $0x0  }
0x5c: {  	[sflag:s12] =	ssyncadd.s32 $0xFFFFC000  }
0x5d: {  	_ =	swait.ge [sflag:s13], $0x4000  }
0x5e: {  	s31 =	sadd.s32 $0xFFFFFFFF, s1;
	[sflag:s13] =	ssyncset.done $0x0  }
.LBB2_1:
0x5f: {  	p0 =	sne.s32 s31, $0x1;
	s31 =	sadd.s32 $0xFFFFFFFF, s31;
	[sflag:s13] =	ssyncadd.s32 $0xFFFFC000  }
0x60: {  	[tilespmem:s3], [sflag:$0x4] =	stream.linear.gather [hbm4b:s4+s3], $0x500, $0x38;
	[tilespmem:$0x8800] =	vst v63  }
0x61: {  	_ =	swait.ge [sflag:s5], $0x500  }
0x62: {  	[sflag:s5] =	ssyncset.done $0x0  }
0x63: {  	[sflag:s5] =	ssyncadd.s32 $0xFFFFFB00  }
0x64: {  	[tilespmem:s7], [sflag:$0x1] =	stream.indirect.gather [hbm4b:s2+s6], $0x80, s3, s6, $0xb8;
	[tilespmem:$0x8800] =	vst v63  }
0x65: {  	_ =	swait.ge [sflag:s8], $0x4000  }
0x66: {  	[sflag:s8] =	ssyncset.done $0x0  }
0x67: {  	[sflag:s8] =	ssyncadd.s32 $0xFFFFC000  }
0x68: {  	[hbm4b:s9+s3] =	stream.linear.scatter [tilespmem:s7], [sflag:$0x2], $0x4000, $0x38;
	[tilespmem:$0x8800] =	vst v63  }
0x69: {  	_ = 	snop  }
0x6a: {  	[tilespmem:s10], [sflag:$0x1] =	stream.indirect.gather [hbm4b:s2+s6], $0x80, s6, s6, $0xb8;
	[tilespmem:$0x8800] =	vst v63  }
0x6b: {  	_ =	swait.ge [sflag:s8], $0x4000  }
0x6c: {  	[sflag:s8] =	ssyncset.done $0x0  }
0x6d: {  	[sflag:s8] =	ssyncadd.s32 $0xFFFFC000  }
0x6e: {  	[hbm4b:s11+s3] =	stream.linear.scatter [tilespmem:s10], [sflag:$0x3], $0x4000, $0x38;
	[tilespmem:$0x8800] =	vst v63  }
0x6f: {  	_ =	swait.ge [sflag:s12], $0x4000  }
0x70: {  	[sflag:s12] =	ssyncset.done $0x0  }
0x71: {  	[sflag:s12] =	ssyncadd.s32 $0xFFFFC000  }
0x72: {  	_ =	swait.ge [sflag:s13], $0x4000  }
0x73: {  	[sflag:s13] =	ssyncset.done $0x0  }
0x74: {  	[sflag:s13] =	ssyncadd.s32 $0xFFFFC000  }
0x75: {  	[tilespmem:s7], [sflag:$0x1] =	stream.indirect.gather [hbm4b:s2+s6], $0x80, s14, s6, $0xb8;
	[tilespmem:$0x8800] =	vst v63  }
0x76: {  	_ =	swait.ge [sflag:s8], $0x4000  }
0x77: {  	[sflag:s8] =	ssyncset.done $0x0  }
0x78: {  	[sflag:s8] =	ssyncadd.s32 $0xFFFFC000  }
0x79: {  	[hbm4b:s15+s3] =	stream.linear.scatter [tilespmem:s7], [sflag:$0x2], $0x4000, $0x38;
	[tilespmem:$0x8800] =	vst v63  }
0x7a: {  	_ = 	snop  }
0x7b: {  	[tilespmem:s10], [sflag:$0x1] =	stream.indirect.gather [hbm4b:s2+s6], $0x80, s16, s6, $0xb8;
	[tilespmem:$0x8800] =	vst v63  }
0x7c: {  	_ =	swait.ge [sflag:s8], $0x4000  }
0x7d: {  	[sflag:s8] =	ssyncset.done $0x0  }
0x7e: {  	[sflag:s8] =	ssyncadd.s32 $0xFFFFC000  }
0x7f: {  	[hbm4b:s17+s3] =	stream.linear.scatter [tilespmem:s10], [sflag:$0x3], $0x4000, $0x38;
	[tilespmem:$0x8800] =	vst v63  }
0x80: {  	_ =	swait.ge [sflag:s12], $0x4000  }
0x81: {  	[sflag:s12] =	ssyncset.done $0x0  }
0x82: {  	[sflag:s12] =	ssyncadd.s32 $0xFFFFC000  }
0x83: {  	_ =	swait.ge [sflag:s13], $0x4000  }
0x84: {  	[sflag:s13] =	ssyncset.done $0x0  }
0x85: {  	[sflag:s13] =	ssyncadd.s32 $0xFFFFC000  }
0x86: {  	[tilespmem:s7], [sflag:$0x1] =	stream.indirect.gather [hbm4b:s2+s6], $0x80, s18, s6, $0xb8;
	[tilespmem:$0x8800] =	vst v63  }
0x87: {  	_ =	swait.ge [sflag:s8], $0x4000  }
0x88: {  	[sflag:s8] =	ssyncset.done $0x0  }
0x89: {  	[sflag:s8] =	ssyncadd.s32 $0xFFFFC000  }
0x8a: {  	[hbm4b:s19+s3] =	stream.linear.scatter [tilespmem:s7], [sflag:$0x2], $0x4000, $0x38;
	[tilespmem:$0x8800] =	vst v63  }
0x8b: {  	_ = 	snop  }
0x8c: {  	[tilespmem:s10], [sflag:$0x1] =	stream.indirect.gather [hbm4b:s2+s6], $0x80, s20, s6, $0xb8;
	[tilespmem:$0x8800] =	vst v63  }
0x8d: {  	_ =	swait.ge [sflag:s8], $0x4000  }
0x8e: {  	[sflag:s8] =	ssyncset.done $0x0  }
0x8f: {  	[sflag:s8] =	ssyncadd.s32 $0xFFFFC000  }
0x90: {  	[hbm4b:s21+s3] =	stream.linear.scatter [tilespmem:s10], [sflag:$0x3], $0x4000, $0x38;
	[tilespmem:$0x8800] =	vst v63  }
0x91: {  	_ =	swait.ge [sflag:s12], $0x4000  }
0x92: {  	[sflag:s12] =	ssyncset.done $0x0  }
0x93: {  	[sflag:s12] =	ssyncadd.s32 $0xFFFFC000  }
0x94: {  	_ =	swait.ge [sflag:s13], $0x4000  }
0x95: {  	[sflag:s13] =	ssyncset.done $0x0  }
0x96: {  	[sflag:s13] =	ssyncadd.s32 $0xFFFFC000  }
0x97: {  	[tilespmem:s7], [sflag:$0x1] =	stream.indirect.gather [hbm4b:s2+s6], $0x80, s22, s6, $0xb8;
	[tilespmem:$0x8800] =	vst v63  }
0x98: {  	_ =	swait.ge [sflag:s8], $0x4000  }
0x99: {  	[sflag:s8] =	ssyncset.done $0x0  }
0x9a: {  	[sflag:s8] =	ssyncadd.s32 $0xFFFFC000  }
0x9b: {  	[hbm4b:s23+s3] =	stream.linear.scatter [tilespmem:s7], [sflag:$0x2], $0x4000, $0x38;
	[tilespmem:$0x8800] =	vst v63  }
0x9c: {  	_ = 	snop  }
0x9d: {  	[tilespmem:s10], [sflag:$0x1] =	stream.indirect.gather [hbm4b:s2+s6], $0x80, s24, s6, $0xb8;
	[tilespmem:$0x8800] =	vst v63  }
0x9e: {  	_ =	swait.ge [sflag:s8], $0x4000  }
0x9f: {  	[sflag:s8] =	ssyncset.done $0x0  }
0xa0: {  	[sflag:s8] =	ssyncadd.s32 $0xFFFFC000  }
0xa1: {  	[hbm4b:s25+s3] =	stream.linear.scatter [tilespmem:s10], [sflag:$0x3], $0x4000, $0x38;
	[tilespmem:$0x8800] =	vst v63  }
0xa2: {  	_ =	swait.ge [sflag:s12], $0x4000  }
0xa3: {  	[sflag:s12] =	ssyncset.done $0x0  }
0xa4: {  	[sflag:s12] =	ssyncadd.s32 $0xFFFFC000  }
0xa5: {  	_ =	swait.ge [sflag:s13], $0x4000  }
0xa6: {  	[sflag:s13] =	ssyncset.done $0x0  }
0xa7: {  	[sflag:s13] =	ssyncadd.s32 $0xFFFFC000  }
0xa8: {  	[tilespmem:s7], [sflag:$0x1] =	stream.indirect.gather [hbm4b:s2+s6], $0x80, s26, s6, $0xb8;
	[tilespmem:$0x8800] =	vst v63  }
0xa9: {  	_ =	swait.ge [sflag:s8], $0x4000  }
0xaa: {  	[sflag:s8] =	ssyncset.done $0x0  }
0xab: {  	[sflag:s8] =	ssyncadd.s32 $0xFFFFC000  }
0xac: {  	[hbm4b:s28+s3] =	stream.linear.scatter [tilespmem:s7], [sflag:$0x2], $0x4000, $0x38;
	[tilespmem:$0x8800] =	vst v63  }
0xad: {  	_ = 	snop  }
0xae: {  	[tilespmem:s10], [sflag:$0x1] =	stream.indirect.gather [hbm4b:s2+s6], $0x80, s29, s6, $0xb8;
	[tilespmem:$0x8800] =	vst v63  }
0xaf: {  	_ =	swait.ge [sflag:s8], $0x4000  }
0xb0: {  	[sflag:s8] =	ssyncset.done $0x0  }
0xb1: {  	[sflag:s8] =	ssyncadd.s32 $0xFFFFC000  }
0xb2: {  	[hbm4b:s30+s3] =	stream.linear.scatter [tilespmem:s10], [sflag:$0x3], $0x4000, $0x38;
	[tilespmem:$0x8800] =	vst v63  }
.Ltmp1:
0xb3: {  	_ =	swait.ge [sflag:s12], $0x4000;
	(pc) =	sbr.rel @p0 .LBB2_1-.Ltmp1, $4  }
0xb4: {  	[sflag:s12] =	ssyncset.done $0x0  }
0xb5: {  	[sflag:s12] =	ssyncadd.s32 $0xFFFFC000  }
0xb6: {  	_ =	swait.ge [sflag:s13], $0x4000  }
0xb7: {  	[sflag:s13] =	ssyncset.done $0x0  }
.LBB2_2:
0xb8: {  	[sflag:s13] =	ssyncadd.s32 $0xFFFFC000  }
0xb9: {  	_ =	sfence.sel $0x180000  }
0xba: {  	[bflag:$0x0] =	sbarrier.arrive $0xFFFF  }
0xbb: {  	_ =	strace $0x90000047  }
0xbc: {  	[bflag:$0x2] =	sbarrier.arrive $0xFFFF  }
0xbd: {  	p0 =	sne.s32 s0, $0x0;
	s0 =	rddreg [dreg:$0x3]  }
0xbe: {  	s0 =	sadd.s32 @!p0 $0x100000, s0  }
0xbf: {  	[sflag:s0] =	ssyncadd.tile.s32 @!p0 $0x1;
	_ =	shalt  }
.Lfunc_end2:
_tile_overlayer_lowered:
.L_overlay_start_2:
0xc0: {  	(tag) =	ssettag $0x2  }
0xc1: {  	s0 =	rddreg [dreg:$0x0];
	s2 =	stileid.u32  }
0xc2: {  	s1 =	rddreg [dreg:$0x1];
	p0 =	sne.s32 s2, $0x0  }
0xc3: {  	s3 =	rddreg [dreg:$0x2];
	[bflag:$0x3] =	sbarrier.arrive $0xFFFF;
	s2 =	simm.s32 @!p0 $0x1C04  }
0xc4: {  	[timem:s3], [sflag:s2] =	dma.local @!p0 [hbm:s0], s1  }
0xc5: {  	s0 =	simm.s32 @!p0 $0x4  }
0xc6: {  	_ =	swait.ge @!p0 [sflag:s0], s1  }
0xc7: {  	s1 =	ssub.s32 @!p0 $0x0, s1;
	[sflag:s0] =	ssyncset.done @!p0 $0x0  }
0xc8: {  	[sflag:s0] =	ssyncadd.s32 @!p0 s1  }
0xc9: {  	[bflag:$0x3] =	sbarrier.arrive $0xFFFF  }
0xca: {  	_ =	shalt  }

// kernel: kernel.15.cloned.1.call-start
scs
__scs_entry_jumppad:
0x0: {  	(pc) =	sbr.rel $0x88, $3  }
0x1: {  	(tag) =	ssettag $0x0;
	lr =	simm.s32 $0x1  }
0x2: {  	[smem:$0x3F95] =	sst lr;
	_ =	strace $0xD0000000  }
0x3: {  	_ = 	snop  }
0x4: {  	_ = 	snop  }
0x5: {  	_ = 	snop  }
0x6: {  	_ = 	snop  }
0x7: {  	_ = 	snop  }
__scs_overlays_trampoline_lowered:
0x8: {  	[smem:$0x3FA4] =	sst s0  }
0x9: {  	[smem:$0x3FA5] =	sst s1  }
0xa: {  	[smem:$0x3FA6] =	sst s2  }
0xb: {  	[smem:$0x3FA7] =	sst s3  }
0xc: {  	[smem:$0x3FA8] =	sst s4  }
0xd: {  	[smem:$0x3FA9] =	sst s5  }
0xe: {  	[smem:$0x3FAA] =	sst s6  }
0xf: {  	[smem:$0x3FAB] =	sst s7  }
0x10: {  	[smem:$0x3FAC] =	sst s8  }
0x11: {  	[smem:$0x3FAD] =	sst s9;
	s0 =	simm.s32 @!p0 $0x0  }
0x12: {  	s1 =	sld [smem:$0x3F93];
	s0 =	simm.s32 @p0 $0x1  }
0x13: {  	[smem:$0x3FAE] =	sst s0;
	s0 =	simm.s32 @!p1 $0x0  }
0x14: {  	s2 =	sld [smem:$0x3F92];
	s0 =	simm.s32 @p1 $0x1  }
0x15: {  	[smem:$0x3FAF] =	sst s0;
	s0 =	simm.s32 @!p2 $0x0  }
0x16: {  	s3 =	sld [smem:$0x3FDB];
	s0 =	simm.s32 @p2 $0x1  }
0x17: {  	s4 =	simm.s32 $0x1BF5;
	[smem:$0x3FB1] =	sst s0  }
0x18: {  	s0 =	sld [smem:$0x3F94];
	_ =	swait.ge [sflag:s4], $0x0  }
0x19: {  	s7 =	sld [smem:$0x3F95]  }
0x1a: {  	s8 =	sadd.s32 $0xFFFFE003, lr  }
0x1b: {  	s9 =	sadd.s32 $0xFFFFFEF7, lr;
	s5 =	simm.s32 $0xFFFFFFFF;
	p2 =	slt.u32 s8, $0xFFFFF086  }
0x1c: {  	p1 =	slt.u32 s9, $0xF7A;
	s5 =	simm.s32 @!p2 $0x0  }
0x1d: {  	s5 =	simm.s32 @p1 $0x1;
	p0 =	seq.s32 s7, s2  }
0x1e: {  	s7 =	smul.u32 @!p0 $0xF7A, s2;
	p2 =	seq.s32 @!p0 s5, $0x0  }
0x1f: {  	s9 =	smul.u32 $0xF7A, s1;
	s8 =	simm.s32 @!p0 $0x1BF5;
	p2 =	por !p2, p0  }
0x20: {  	[sflag:s8] =	ssyncset.s32 @!p0 $0xFFFFF086;
	s6 =	sadd.s32 @!p0 s3, s7;
	s7 =	simm.s32 @!p0 $0x108  }
0x21: {  	s3 =	sadd.s32 s3, s9;
	s6 =	sadd.s32 @!p0 $0x88, s6;
	s7 =	simm.s32 @p2 $0x1082  }
0x22: {  	[simem:s7], [sflag:s8] =	dma.local @!p0 [hbm:s6], $0xF7A  }
0x23: {  	s9 =	sor.u32 $0xD0000000, s2;
	s6 =	simm.s32 $0x108;
	_ =	swait.ge @!p0 [sflag:s8], $0x0  }
0x24: {  	s3 =	sadd.s32 $0x88, s3;
	s6 =	simm.s32 @!p1 $0x1082;
	[sflag:s4] =	ssyncset.s32 $0xFFFFF086  }
0x25: {  	[simem:s6], [sflag:s4] =	dma.local [hbm:s3], $0xF7A  }
0x26: {  	[smem:$0x3F95] =	sst s1;
	(tag) =	ssettag s2;
	_ =	strace s9  }
0x27: {  	s1 =	sld [smem:$0x3FA5]  }
0x28: {  	s2 =	sld [smem:$0x3FA6]  }
0x29: {  	s4 =	sld [smem:$0x3FA8]  }
0x2a: {  	p0 =	seq.s32 s5, $0x0;
	s5 =	sld [smem:$0x3FA9]  }
0x2b: {  	s6 =	sld [smem:$0x3FAA]  }
0x2c: {  	s7 =	sld [smem:$0x3FAB]  }
0x2d: {  	s3 =	simm.s32 $0x108;
	s8 =	sld [smem:$0x3FAC]  }
0x2e: {  	s3 =	simm.s32 @!p0 $0x1082;
	s9 =	sld [smem:$0x3FAD]  }
0x2f: {  	lr =	sadd.s32 s0, s3;
	s0 =	sld [smem:$0x3FA4]  }
0x30: {  	s3 =	sld [smem:$0x3FA7]  }
0x31: {  	[smem:$0x3FB0] =	sst s10  }
0x32: {  	s10 =	sld [smem:$0x3FAE];
	_ =	sdelay $0x3  }
0x33: {  	p0 =	seq.s32 s10, $0x1;
	s10 =	sld [smem:$0x3FB0];
	_ =	sdelay $0x3  }
0x34: {  	[smem:$0x3FB0] =	sst s10  }
0x35: {  	s10 =	sld [smem:$0x3FAF];
	_ =	sdelay $0x3  }
0x36: {  	p1 =	seq.s32 s10, $0x1;
	s10 =	sld [smem:$0x3FB0];
	_ =	sdelay $0x3  }
0x37: {  	[smem:$0x3FB0] =	sst s10  }
0x38: {  	s10 =	sld [smem:$0x3FB1]  }
0x39: {  	_ = 	snop;
	(pc) =	sbr.ind lr, $3  }
0x3a: {  	_ = 	snop  }
0x3b: {  	_ = 	snop  }
0x3c: {  	p2 =	seq.s32 s10, $0x1;
	s10 =	sld [smem:$0x3FB0]  }
0x3d: {  	_ =	shalt  }
0x3e: {  	_ =	shalt  }
0x3f: {  	_ =	shalt  }
0x40: {  	_ =	shalt  }
0x41: {  	_ =	shalt  }
0x42: {  	_ =	shalt  }
0x43: {  	_ =	shalt  }
0x44: {  	_ =	shalt  }
0x45: {  	_ =	shalt  }
0x46: {  	_ =	shalt  }
0x47: {  	_ =	shalt  }
0x48: {  	_ =	shalt  }
0x49: {  	_ =	shalt  }
0x4a: {  	_ =	shalt  }
0x4b: {  	_ =	shalt  }
0x4c: {  	_ =	shalt  }
0x4d: {  	_ =	shalt  }
0x4e: {  	_ =	shalt  }
0x4f: {  	_ =	shalt  }
0x50: {  	_ =	shalt  }
0x51: {  	_ =	shalt  }
0x52: {  	_ =	shalt  }
0x53: {  	_ =	shalt  }
0x54: {  	_ =	shalt  }
0x55: {  	_ =	shalt  }
0x56: {  	_ =	shalt  }
0x57: {  	_ =	shalt  }
0x58: {  	_ =	shalt  }
0x59: {  	_ =	shalt  }
0x5a: {  	_ =	shalt  }
0x5b: {  	_ =	shalt  }
0x5c: {  	_ =	shalt  }
0x5d: {  	_ =	shalt  }
0x5e: {  	_ =	shalt  }
0x5f: {  	_ =	shalt  }
0x60: {  	_ =	shalt  }
0x61: {  	_ =	shalt  }
0x62: {  	_ =	shalt  }
0x63: {  	_ =	shalt  }
0x64: {  	_ =	shalt  }
0x65: {  	_ =	shalt  }
0x66: {  	_ =	shalt  }
0x67: {  	_ =	shalt  }
0x68: {  	_ =	shalt  }
0x69: {  	_ =	shalt  }
0x6a: {  	_ =	shalt  }
0x6b: {  	_ =	shalt  }
0x6c: {  	_ =	shalt  }
0x6d: {  	_ =	shalt  }
0x6e: {  	_ =	shalt  }
0x6f: {  	_ =	shalt  }
0x70: {  	_ =	shalt  }
0x71: {  	_ =	shalt  }
0x72: {  	_ =	shalt  }
0x73: {  	_ =	shalt  }
0x74: {  	_ =	shalt  }
0x75: {  	_ =	shalt  }
0x76: {  	_ =	shalt  }
0x77: {  	_ =	shalt  }
0x78: {  	_ =	shalt  }
0x79: {  	_ =	shalt  }
0x7a: {  	_ =	shalt  }
0x7b: {  	_ =	shalt  }
0x7c: {  	_ =	shalt  }
0x7d: {  	_ =	shalt  }
0x7e: {  	_ =	shalt  }
0x7f: {  	_ =	shalt  }
0x80: {  	_ =	shalt  }
0x81: {  	_ =	shalt  }
0x82: {  	_ =	shalt  }
0x83: {  	_ =	shalt  }
0x84: {  	_ =	shalt  }
0x85: {  	_ =	shalt  }
0x86: {  	_ =	shalt  }
0x87: {  	_ =	shalt  }
.Lfunc_end0:
.L_simem_size_0:
called_computation.1_lowered:
.L_overlay_start_0:
0x88: {  	s2 =	sld [smem:$0x3FD9]  }
0x89: {  	s3 =	sld [smem:$0x3FFE];
	_ =	sdelay $0x1  }
0x8a: {  	s1 =	srdreg.scid  }
0x8b: {  	s0 =	sand.u32 $0x1, s1  }
0x8c: {  	s17 =	sshll.u32 s0, $0xA;
	s2 =	sadd.s32 s3, s2  }
0x8d: {  	s2 =	sadd.s32 s2, s17  }
0x8e: {  	[smem:$0x3FBC] =	sst s2  }
0x8f: {  	_ = 	snop  }
0x90: {  	s18 =	sld [smem:$0x3FC8];
	(tm) =	ssettm $0x1  }
0x91: {  	s19 =	sld [smem:$0x3FFB];
	_ =	sdelay $0x3  }
0x92: {  	_ =	strace s19  }
0x93: {  	s2 =	sld [smem:$0x3FFC];
	_ =	sdelay $0x3  }
0x94: {  	_ =	strace s2  }
0x95: {  	s2 =	sld [smem:$0x3FFD];
	_ =	sdelay $0x3  }
0x96: {  	_ =	strace s2  }
0x97: {  	_ =	strace $0x8FFFFFFF  }
0x98: {  	s20 =	sld [smem:$0x3FDB];
	_ =	sdelay $0x1  }
0x99: {  	s4 =	simm.s32 $_scs_section_size  }
0x9a: {  	s5 =	simm.s32 $_size__tile_overlayer_lowered;
	s6 =	simm.s32 $_tile_overlayer_lowered  }
0x9b: {  	s7 =	simm.s32 $0x1BFF;
	s21 =	sshll.u32 s6, $0x1;
	s4 =	sadd.s32 s4, s20  }
0x9c: {  	s22 =	simm.s32 $0x0;
	s5 =	sshll.u32 s5, $0x1;
	s6 =	sadd.s32 s21, s4  }
0x9d: {  	[timem:s22], [sflag:s7] =	dma.local [hbm:s6], s5  }
0x9e: {  	_ =	swait.ge [sflag:s7], s5  }
0x9f: {  	s5 =	ssub.s32 $0x0, s5;
	[sflag:s7] =	ssyncset.done $0x0  }
0xa0: {  	[sflag:s7] =	ssyncadd.s32 s5;
	_ =	sdelay $0x1  }
0xa1: {  	s23 =	simm.s32 $0x1B8B  }
0xa2: {  	_ =	swait.ge [sflag:s23], $0x1  }
0xa3: {  	[sflag:s23] =	ssyncset.done $0x0  }
0xa4: {  	[sflag:s23] =	ssyncadd.s32 $0xFFFFFFFF  }
0xa5: {  	s5 =	sld [smem:$0x0]  }
0xa6: {  	s6 =	sand.u32 $0xFFFFFFFE, s1  }
0xa7: {  	p0 =	sne.s32 s1, s6  }
0xa8: {  	s6 =	sshll.u32 @p0 s6, $0xE  }
0xa9: {  	s6 =	sadd.s32 @p0 $0x11B8D, s6;
	s7 =	sshll.u32 @p0 s5, $0x11  }
0xaa: {  	s6 =	sor.u32 @p0 s7, s6  }
0xab: {  	[sflag:s6] =	ssyncadd.remote.s32 @p0 $0x1;
	_ =	sdelay $0x1  }
0xac: {  	s6 =	simm.s32 @p0 $0x1B8D  }
0xad: {  	_ =	swait.eq @p0 [sflag:s6], $0x1  }
0xae: {  	[sflag:s6] =	ssyncadd.s32 @p0 $0xFFFFFFFF  }
0xaf: {  	s7 =	sshll.u32 @!p0 s1, $0xE  }
0xb0: {  	s7 =	sor.u32 @!p0 $0x4000, s7;
	s6 =	simm.s32 @!p0 $0x1B8D  }
0xb1: {  	s5 =	sshll.u32 @!p0 s5, $0x11;
	s7 =	sadd.s32 @!p0 $0x11B8D, s7;
	_ =	swait.eq @!p0 [sflag:s6], $0x1  }
0xb2: {  	s5 =	sor.u32 @!p0 s5, s7;
	[sflag:s6] =	ssyncadd.s32 @!p0 $0xFFFFFFFF  }
0xb3: {  	s25 =	simm.s32 $0x1B8E;
	s24 =	sld [smem:$0x3FFE];
	[sflag:s5] =	ssyncadd.remote.s32 @!p0 $0x1  }
0xb4: {  	s26 =	simm.s32 $execute0_lowered;
	[smem:$0x3FD2] =	sst s25  }
0xb5: {  	s6 =	sshll.u32 s26, $0x1;
	_ =	strace $0x80000049;
	[dreg:$0x1] =	wrdreg $0xFFFFFFFF  }
0xb6: {  	s28 =	simm.s32 $_size_execute0_lowered;
	s4 =	sadd.s32 s4, s6;
	[dreg:$0x0] =	wrdreg $0x0  }
0xb7: {  	s6 =	sshll.u32 s28, $0x1;
	[dreg:$0x2] =	wrdreg s4  }
0xb8: {  	[dreg:$0x3] =	wrdreg s6  }
0xb9: {  	[dreg:$0x4] =	wrdreg $0xC0  }
0xba: {  	_ =	task [dreg:s22], $0x5FFFF  }
0xbb: {  	[dreg:$0x1] =	wrdreg $0xFFFFFFFF  }
0xbc: {  	[dreg:$0x0] =	wrdreg $0x60  }
0xbd: {  	[dreg:$0x2] =	wrdreg s18  }
0xbe: {  	[dreg:$0x3] =	wrdreg s24  }
0xbf: {  	[dreg:$0x4] =	wrdreg $0xA  }
0xc0: {  	_ =	task.clear_ibuf [dreg:s22], $0x5FFFF;
	_ =	strace $0x90000049  }
0xc1: {  	s29 =	simm.s32 $0xA;
	_ =	strace $0x8000004B  }
0xc2: {  	_ =	swait.ge [sflag:s29], $0x1  }
0xc3: {  	[sflag:s29] =	ssyncadd.s32 $0xFFFFFFFF  }
0xc4: {  	_ =	strace $0x9000004B  }
0xc5: {  	_ =	sfence  }
0xc6: {  	s30 =	sld [smem:$0x0];
	_ =	sdelay $0x2  }
0xc7: {  	s31 =	sshll.u32 s1, $0xD;
	s1 =	sshrl.u32 s1, $0x2  }
0xc8: {  	s4 =	sand.u32 $0x4000, s31;
	s1 =	sadd.s32 s1, s30  }
0xc9: {  	s0 =	sor.u32 s4, s0;
	s1 =	sshll.u32 s1, $0x11  }
0xca: {  	s0 =	sor.u32 s1, s0  }
0xcb: {  	s0 =	sadd.s32 $0x8F2B, s0  }
0xcc: {  	[sflag:s0] =	ssyncadd.remote.s32 $0x1  }
0xcd: {  	_ =	sfence.sel $0xFFFF  }
0xce: {  	[dreg:$0x0] =	wrdreg $0xFFFFFFFF;
	(pc) =	sbr.abs _section_cstart, $3  }
0xcf: {  	[dreg:$0x1] =	wrdreg $0xFFFFFFFF  }
0xd0: {  	_ =	task.clear_ibuf [dreg:s22], $0x2FFFF;
	_ =	strace $0x9FFFFFFF  }
0xd1: {  	(tm) =	ssettm $0x7FFFFFFF  }
tec
execute0_lowered:
.L_overlay_start_1:
0x0: {  	(tag) =	ssettag $0x1  }
0x1: {  	s1 =	srdreg.scid;
	s0 =	stileid.u32  }
0x2: {  	s30 =	sand.u32 $0x1, s1;
	s24 =	sshll.u32 s0, $0x1  }
0x3: {  	s2 =	rddreg [dreg:$0x0];
	s10 =	sor.u32 s30, s24  }
0x4: {  	s9 =	rddreg [dreg:$0x1];
	s3 =	simm.s32 $0x0;
	s4 =	sshll.u32 s10, $0x8  }
0x5: {  	[smem:$0x7FF] =	sst s3;
	s4 =	sadd.s32 s4, s9  }
0x6: {  	s5 =	simm.s32 $0x4;
	_ =	strace $0x8000004A;
	s4 =	sadd.s32 $0xA5A00, s4  }
0x7: {  	[tilespmem:s3], [sflag:$0x4] =	stream.linear.gather [hbm4b:s4+s3], $0x500, $0x38;
	[tilespmem:$0x8800] =	vst v63  }
0x8: {  	_ =	swait.ge [sflag:s5], $0x500  }
0x9: {  	s6 =	simm.s32 $0x80;
	s7 =	simm.s32 $0x800;
	[sflag:s5] =	ssyncset.done $0x0  }
0xa: {  	s8 =	simm.s32 $0x1;
	s11 =	smul.u32 $0x28000, s10;
	[sflag:s5] =	ssyncadd.s32 $0xFFFFFB00  }
0xb: {  	[tilespmem:s7], [sflag:$0x1] =	stream.indirect.gather [hbm4b:s2+s6], $0x80, s3, s6, $0xb8;
	[tilespmem:$0x8800] =	vst v63  }
0xc: {  	_ =	swait.ge [sflag:s8], $0x4000  }
0xd: {  	s12 =	sadd.s32 $0xA7A00, s9;
	s25 =	sshrl.u32 s11, $0x3;
	[sflag:s8] =	ssyncset.done $0x0  }
0xe: {  	s9 =	sadd.s32 s12, s25;
	[sflag:s8] =	ssyncadd.s32 $0xFFFFC000  }
0xf: {  	[hbm4b:s9+s3] =	stream.linear.scatter [tilespmem:s7], [sflag:$0x2], $0x4000, $0x38;
	[tilespmem:$0x8800] =	vst v63  }
0x10: {  	s26 =	smul.u32 $0x5000, s10;
	s10 =	simm.s32 $0x4800  }
0x11: {  	[tilespmem:s10], [sflag:$0x1] =	stream.indirect.gather [hbm4b:s2+s6], $0x80, s6, s6, $0xb8;
	[tilespmem:$0x8800] =	vst v63  }
0x12: {  	_ =	swait.ge [sflag:s8], $0x4000  }
0x13: {  	s31 =	sadd.s32 s12, s26;
	[sflag:s8] =	ssyncset.done $0x0  }
0x14: {  	s11 =	sadd.s32 $0x800, s31;
	s12 =	simm.s32 $0x2;
	[sflag:s8] =	ssyncadd.s32 $0xFFFFC000  }
0x15: {  	[hbm4b:s11+s3] =	stream.linear.scatter [tilespmem:s10], [sflag:$0x3], $0x4000, $0x38;
	[tilespmem:$0x8800] =	vst v63  }
0x16: {  	_ =	swait.ge [sflag:s12], $0x4000  }
0x17: {  	[sflag:s12] =	ssyncset.done $0x0  }
0x18: {  	s13 =	simm.s32 $0x3;
	[sflag:s12] =	ssyncadd.s32 $0xFFFFC000  }
0x19: {  	_ =	swait.ge [sflag:s13], $0x4000  }
0x1a: {  	[sflag:s13] =	ssyncset.done $0x0  }
0x1b: {  	s14 =	simm.s32 $0x100;
	[sflag:s13] =	ssyncadd.s32 $0xFFFFC000  }
0x1c: {  	[tilespmem:s7], [sflag:$0x1] =	stream.indirect.gather [hbm4b:s2+s6], $0x80, s14, s6, $0xb8;
	[tilespmem:$0x8800] =	vst v63  }
0x1d: {  	_ =	swait.ge [sflag:s8], $0x4000  }
0x1e: {  	[sflag:s8] =	ssyncset.done $0x0  }
0x1f: {  	s15 =	sadd.s32 $0x1000, s9;
	[sflag:s8] =	ssyncadd.s32 $0xFFFFC000  }
0x20: {  	[hbm4b:s15+s3] =	stream.linear.scatter [tilespmem:s7], [sflag:$0x2], $0x4000, $0x38;
	[tilespmem:$0x8800] =	vst v63  }
0x21: {  	s16 =	simm.s32 $0x180  }
0x22: {  	[tilespmem:s10], [sflag:$0x1] =	stream.indirect.gather [hbm4b:s2+s6], $0x80, s16, s6, $0xb8;
	[tilespmem:$0x8800] =	vst v63  }
0x23: {  	_ =	swait.ge [sflag:s8], $0x4000  }
0x24: {  	[sflag:s8] =	ssyncset.done $0x0  }
0x25: {  	s17 =	sadd.s32 $0x1800, s31;
	[sflag:s8] =	ssyncadd.s32 $0xFFFFC000  }
0x26: {  	[hbm4b:s17+s3] =	stream.linear.scatter [tilespmem:s10], [sflag:$0x3], $0x4000, $0x38;
	[tilespmem:$0x8800] =	vst v63  }
0x27: {  	_ =	swait.ge [sflag:s12], $0x4000  }
0x28: {  	[sflag:s12] =	ssyncset.done $0x0  }
0x29: {  	[sflag:s12] =	ssyncadd.s32 $0xFFFFC000  }
0x2a: {  	_ =	swait.ge [sflag:s13], $0x4000  }
0x2b: {  	[sflag:s13] =	ssyncset.done $0x0  }
0x2c: {  	s18 =	simm.s32 $0x200;
	[sflag:s13] =	ssyncadd.s32 $0xFFFFC000  }
0x2d: {  	[tilespmem:s7], [sflag:$0x1] =	stream.indirect.gather [hbm4b:s2+s6], $0x80, s18, s6, $0xb8;
	[tilespmem:$0x8800] =	vst v63  }
0x2e: {  	_ =	swait.ge [sflag:s8], $0x4000  }
0x2f: {  	[sflag:s8] =	ssyncset.done $0x0  }
0x30: {  	s19 =	sadd.s32 $0x2000, s9;
	[sflag:s8] =	ssyncadd.s32 $0xFFFFC000  }
0x31: {  	[hbm4b:s19+s3] =	stream.linear.scatter [tilespmem:s7], [sflag:$0x2], $0x4000, $0x38;
	[tilespmem:$0x8800] =	vst v63  }
0x32: {  	s20 =	simm.s32 $0x280  }
0x33: {  	[tilespmem:s10], [sflag:$0x1] =	stream.indirect.gather [hbm4b:s2+s6], $0x80, s20, s6, $0xb8;
	[tilespmem:$0x8800] =	vst v63  }
0x34: {  	_ =	swait.ge [sflag:s8], $0x4000  }
0x35: {  	[sflag:s8] =	ssyncset.done $0x0  }
0x36: {  	s21 =	sadd.s32 $0x2800, s31;
	[sflag:s8] =	ssyncadd.s32 $0xFFFFC000  }
0x37: {  	[hbm4b:s21+s3] =	stream.linear.scatter [tilespmem:s10], [sflag:$0x3], $0x4000, $0x38;
	[tilespmem:$0x8800] =	vst v63  }
0x38: {  	_ =	swait.ge [sflag:s12], $0x4000  }
0x39: {  	[sflag:s12] =	ssyncset.done $0x0  }
0x3a: {  	[sflag:s12] =	ssyncadd.s32 $0xFFFFC000  }
0x3b: {  	_ =	swait.ge [sflag:s13], $0x4000  }
0x3c: {  	[sflag:s13] =	ssyncset.done $0x0  }
0x3d: {  	s22 =	simm.s32 $0x300;
	[sflag:s13] =	ssyncadd.s32 $0xFFFFC000  }
0x3e: {  	[tilespmem:s7], [sflag:$0x1] =	stream.indirect.gather [hbm4b:s2+s6], $0x80, s22, s6, $0xb8;
	[tilespmem:$0x8800] =	vst v63  }
0x3f: {  	_ =	swait.ge [sflag:s8], $0x4000  }
0x40: {  	[sflag:s8] =	ssyncset.done $0x0  }
0x41: {  	s23 =	sadd.s32 $0x3000, s9;
	[sflag:s8] =	ssyncadd.s32 $0xFFFFC000  }
0x42: {  	[hbm4b:s23+s3] =	stream.linear.scatter [tilespmem:s7], [sflag:$0x2], $0x4000, $0x38;
	[tilespmem:$0x8800] =	vst v63  }
0x43: {  	s24 =	simm.s32 $0x380  }
0x44: {  	[tilespmem:s10], [sflag:$0x1] =	stream.indirect.gather [hbm4b:s2+s6], $0x80, s24, s6, $0xb8;
	[tilespmem:$0x8800] =	vst v63  }
0x45: {  	_ =	swait.ge [sflag:s8], $0x4000  }
0x46: {  	[sflag:s8] =	ssyncset.done $0x0  }
0x47: {  	s25 =	sadd.s32 $0x3800, s31;
	[sflag:s8] =	ssyncadd.s32 $0xFFFFC000  }
0x48: {  	[hbm4b:s25+s3] =	stream.linear.scatter [tilespmem:s10], [sflag:$0x3], $0x4000, $0x38;
	[tilespmem:$0x8800] =	vst v63  }
0x49: {  	_ =	swait.ge [sflag:s12], $0x4000  }
0x4a: {  	[sflag:s12] =	ssyncset.done $0x0  }
0x4b: {  	[sflag:s12] =	ssyncadd.s32 $0xFFFFC000  }
0x4c: {  	_ =	swait.ge [sflag:s13], $0x4000  }
0x4d: {  	[sflag:s13] =	ssyncset.done $0x0  }
0x4e: {  	s26 =	simm.s32 $0x400;
	[sflag:s13] =	ssyncadd.s32 $0xFFFFC000  }
0x4f: {  	[tilespmem:s7], [sflag:$0x1] =	stream.indirect.gather [hbm4b:s2+s6], $0x80, s26, s6, $0xb8;
	[tilespmem:$0x8800] =	vst v63  }
0x50: {  	_ =	swait.ge [sflag:s8], $0x4000  }
0x51: {  	[sflag:s8] =	ssyncset.done $0x0  }
0x52: {  	s1 =	ssub.s32 $0x2, s30;
	s28 =	sadd.s32 $0x4000, s9;
	[sflag:s8] =	ssyncadd.s32 $0xFFFFC000  }
0x53: {  	[hbm4b:s28+s3] =	stream.linear.scatter [tilespmem:s7], [sflag:$0x2], $0x4000, $0x38;
	[tilespmem:$0x8800] =	vst v63  }
0x54: {  	s29 =	simm.s32 $0x480;
	s30 =	sadd.s32 $0x4800, s31;
	s31 =	sshrl.u32 s1, $0x1  }
0x55: {  	[tilespmem:s10], [sflag:$0x1] =	stream.indirect.gather [hbm4b:s2+s6], $0x80, s29, s6, $0xb8;
	[tilespmem:$0x8800] =	vst v63  }
0x56: {  	s1 =	ssub.s32 s1, s31;
	_ =	swait.ge [sflag:s8], $0x4000  }
0x57: {  	s1 =	smax.u32 s1, $0x1;
	[sflag:s8] =	ssyncset.done $0x0  }
0x58: {  	p0 =	sne.s32 s1, $0x1;
	[sflag:s8] =	ssyncadd.s32 $0xFFFFC000  }
0x59: {  	[hbm4b:s30+s3] =	stream.linear.scatter [tilespmem:s10], [sflag:$0x3], $0x4000, $0x38;
	[tilespmem:$0x8800] =	vst v63  }
.Ltmp0:
0x5a: {  	_ =	swait.ge [sflag:s12], $0x4000;
	(pc) =	sbr.rel @!p0 .LBB2_2-.Ltmp0, $4  }
0x5b: {  	[sflag:s12] =	ssyncset.done $0x0  }
0x5c: {  	[sflag:s12] =	ssyncadd.s32 $0xFFFFC000  }
0x5d: {  	_ =	swait.ge [sflag:s13], $0x4000  }
0x5e: {  	s31 =	sadd.s32 $0xFFFFFFFF, s1;
	[sflag:s13] =	ssyncset.done $0x0  }
.LBB2_1:
0x5f: {  	p0 =	sne.s32 s31, $0x1;
	s31 =	sadd.s32 $0xFFFFFFFF, s31;
	[sflag:s13] =	ssyncadd.s32 $0xFFFFC000  }
0x60: {  	[tilespmem:s3], [sflag:$0x4] =	stream.linear.gather [hbm4b:s4+s3], $0x500, $0x38;
	[tilespmem:$0x8800] =	vst v63  }
0x61: {  	_ =	swait.ge [sflag:s5], $0x500  }
0x62: {  	[sflag:s5] =	ssyncset.done $0x0  }
0x63: {  	[sflag:s5] =	ssyncadd.s32 $0xFFFFFB00  }
0x64: {  	[tilespmem:s7], [sflag:$0x1] =	stream.indirect.gather [hbm4b:s2+s6], $0x80, s3, s6, $0xb8;
	[tilespmem:$0x8800] =	vst v63  }
0x65: {  	_ =	swait.ge [sflag:s8], $0x4000  }
0x66: {  	[sflag:s8] =	ssyncset.done $0x0  }
0x67: {  	[sflag:s8] =	ssyncadd.s32 $0xFFFFC000  }
0x68: {  	[hbm4b:s9+s3] =	stream.linear.scatter [tilespmem:s7], [sflag:$0x2], $0x4000, $0x38;
	[tilespmem:$0x8800] =	vst v63  }
0x69: {  	_ = 	snop  }
0x6a: {  	[tilespmem:s10], [sflag:$0x1] =	stream.indirect.gather [hbm4b:s2+s6], $0x80, s6, s6, $0xb8;
	[tilespmem:$0x8800] =	vst v63  }
0x6b: {  	_ =	swait.ge [sflag:s8], $0x4000  }
0x6c: {  	[sflag:s8] =	ssyncset.done $0x0  }
0x6d: {  	[sflag:s8] =	ssyncadd.s32 $0xFFFFC000  }
0x6e: {  	[hbm4b:s11+s3] =	stream.linear.scatter [tilespmem:s10], [sflag:$0x3], $0x4000, $0x38;
	[tilespmem:$0x8800] =	vst v63  }
0x6f: {  	_ =	swait.ge [sflag:s12], $0x4000  }
0x70: {  	[sflag:s12] =	ssyncset.done $0x0  }
0x71: {  	[sflag:s12] =	ssyncadd.s32 $0xFFFFC000  }
0x72: {  	_ =	swait.ge [sflag:s13], $0x4000  }
0x73: {  	[sflag:s13] =	ssyncset.done $0x0  }
0x74: {  	[sflag:s13] =	ssyncadd.s32 $0xFFFFC000  }
0x75: {  	[tilespmem:s7], [sflag:$0x1] =	stream.indirect.gather [hbm4b:s2+s6], $0x80, s14, s6, $0xb8;
	[tilespmem:$0x8800] =	vst v63  }
0x76: {  	_ =	swait.ge [sflag:s8], $0x4000  }
0x77: {  	[sflag:s8] =	ssyncset.done $0x0  }
0x78: {  	[sflag:s8] =	ssyncadd.s32 $0xFFFFC000  }
0x79: {  	[hbm4b:s15+s3] =	stream.linear.scatter [tilespmem:s7], [sflag:$0x2], $0x4000, $0x38;
	[tilespmem:$0x8800] =	vst v63  }
0x7a: {  	_ = 	snop  }
0x7b: {  	[tilespmem:s10], [sflag:$0x1] =	stream.indirect.gather [hbm4b:s2+s6], $0x80, s16, s6, $0xb8;
	[tilespmem:$0x8800] =	vst v63  }
0x7c: {  	_ =	swait.ge [sflag:s8], $0x4000  }
0x7d: {  	[sflag:s8] =	ssyncset.done $0x0  }
0x7e: {  	[sflag:s8] =	ssyncadd.s32 $0xFFFFC000  }
0x7f: {  	[hbm4b:s17+s3] =	stream.linear.scatter [tilespmem:s10], [sflag:$0x3], $0x4000, $0x38;
	[tilespmem:$0x8800] =	vst v63  }
0x80: {  	_ =	swait.ge [sflag:s12], $0x4000  }
0x81: {  	[sflag:s12] =	ssyncset.done $0x0  }
0x82: {  	[sflag:s12] =	ssyncadd.s32 $0xFFFFC000  }
0x83: {  	_ =	swait.ge [sflag:s13], $0x4000  }
0x84: {  	[sflag:s13] =	ssyncset.done $0x0  }
0x85: {  	[sflag:s13] =	ssyncadd.s32 $0xFFFFC000  }
0x86: {  	[tilespmem:s7], [sflag:$0x1] =	stream.indirect.gather [hbm4b:s2+s6], $0x80, s18, s6, $0xb8;
	[tilespmem:$0x8800] =	vst v63  }
0x87: {  	_ =	swait.ge [sflag:s8], $0x4000  }
0x88: {  	[sflag:s8] =	ssyncset.done $0x0  }
0x89: {  	[sflag:s8] =	ssyncadd.s32 $0xFFFFC000  }
0x8a: {  	[hbm4b:s19+s3] =	stream.linear.scatter [tilespmem:s7], [sflag:$0x2], $0x4000, $0x38;
	[tilespmem:$0x8800] =	vst v63  }
0x8b: {  	_ = 	snop  }
0x8c: {  	[tilespmem:s10], [sflag:$0x1] =	stream.indirect.gather [hbm4b:s2+s6], $0x80, s20, s6, $0xb8;
	[tilespmem:$0x8800] =	vst v63  }
0x8d: {  	_ =	swait.ge [sflag:s8], $0x4000  }
0x8e: {  	[sflag:s8] =	ssyncset.done $0x0  }
0x8f: {  	[sflag:s8] =	ssyncadd.s32 $0xFFFFC000  }
0x90: {  	[hbm4b:s21+s3] =	stream.linear.scatter [tilespmem:s10], [sflag:$0x3], $0x4000, $0x38;
	[tilespmem:$0x8800] =	vst v63  }
0x91: {  	_ =	swait.ge [sflag:s12], $0x4000  }
0x92: {  	[sflag:s12] =	ssyncset.done $0x0  }
0x93: {  	[sflag:s12] =	ssyncadd.s32 $0xFFFFC000  }
0x94: {  	_ =	swait.ge [sflag:s13], $0x4000  }
0x95: {  	[sflag:s13] =	ssyncset.done $0x0  }
0x96: {  	[sflag:s13] =	ssyncadd.s32 $0xFFFFC000  }
0x97: {  	[tilespmem:s7], [sflag:$0x1] =	stream.indirect.gather [hbm4b:s2+s6], $0x80, s22, s6, $0xb8;
	[tilespmem:$0x8800] =	vst v63  }
0x98: {  	_ =	swait.ge [sflag:s8], $0x4000  }
0x99: {  	[sflag:s8] =	ssyncset.done $0x0  }
0x9a: {  	[sflag:s8] =	ssyncadd.s32 $0xFFFFC000  }
0x9b: {  	[hbm4b:s23+s3] =	stream.linear.scatter [tilespmem:s7], [sflag:$0x2], $0x4000, $0x38;
	[tilespmem:$0x8800] =	vst v63  }
0x9c: {  	_ = 	snop  }
0x9d: {  	[tilespmem:s10], [sflag:$0x1] =	stream.indirect.gather [hbm4b:s2+s6], $0x80, s24, s6, $0xb8;
	[tilespmem:$0x8800] =	vst v63  }
0x9e: {  	_ =	swait.ge [sflag:s8], $0x4000  }
0x9f: {  	[sflag:s8] =	ssyncset.done $0x0  }
0xa0: {  	[sflag:s8] =	ssyncadd.s32 $0xFFFFC000  }
0xa1: {  	[hbm4b:s25+s3] =	stream.linear.scatter [tilespmem:s10], [sflag:$0x3], $0x4000, $0x38;
	[tilespmem:$0x8800] =	vst v63  }
0xa2: {  	_ =	swait.ge [sflag:s12], $0x4000  }
0xa3: {  	[sflag:s12] =	ssyncset.done $0x0  }
0xa4: {  	[sflag:s12] =	ssyncadd.s32 $0xFFFFC000  }
0xa5: {  	_ =	swait.ge [sflag:s13], $0x4000  }
0xa6: {  	[sflag:s13] =	ssyncset.done $0x0  }
0xa7: {  	[sflag:s13] =	ssyncadd.s32 $0xFFFFC000  }
0xa8: {  	[tilespmem:s7], [sflag:$0x1] =	stream.indirect.gather [hbm4b:s2+s6], $0x80, s26, s6, $0xb8;
	[tilespmem:$0x8800] =	vst v63  }
0xa9: {  	_ =	swait.ge [sflag:s8], $0x4000  }
0xaa: {  	[sflag:s8] =	ssyncset.done $0x0  }
0xab: {  	[sflag:s8] =	ssyncadd.s32 $0xFFFFC000  }
0xac: {  	[hbm4b:s28+s3] =	stream.linear.scatter [tilespmem:s7], [sflag:$0x2], $0x4000, $0x38;
	[tilespmem:$0x8800] =	vst v63  }
0xad: {  	_ = 	snop  }
0xae: {  	[tilespmem:s10], [sflag:$0x1] =	stream.indirect.gather [hbm4b:s2+s6], $0x80, s29, s6, $0xb8;
	[tilespmem:$0x8800] =	vst v63  }
0xaf: {  	_ =	swait.ge [sflag:s8], $0x4000  }
0xb0: {  	[sflag:s8] =	ssyncset.done $0x0  }
0xb1: {  	[sflag:s8] =	ssyncadd.s32 $0xFFFFC000  }
0xb2: {  	[hbm4b:s30+s3] =	stream.linear.scatter [tilespmem:s10], [sflag:$0x3], $0x4000, $0x38;
	[tilespmem:$0x8800] =	vst v63  }
.Ltmp1:
0xb3: {  	_ =	swait.ge [sflag:s12], $0x4000;
	(pc) =	sbr.rel @p0 .LBB2_1-.Ltmp1, $4  }
0xb4: {  	[sflag:s12] =	ssyncset.done $0x0  }
0xb5: {  	[sflag:s12] =	ssyncadd.s32 $0xFFFFC000  }
0xb6: {  	_ =	swait.ge [sflag:s13], $0x4000  }
0xb7: {  	[sflag:s13] =	ssyncset.done $0x0  }
.LBB2_2:
0xb8: {  	[sflag:s13] =	ssyncadd.s32 $0xFFFFC000  }
0xb9: {  	_ =	sfence.sel $0x180000  }
0xba: {  	[bflag:$0x0] =	sbarrier.arrive $0xFFFF  }
0xbb: {  	_ =	strace $0x9000004A  }
0xbc: {  	[bflag:$0x2] =	sbarrier.arrive $0xFFFF  }
0xbd: {  	p0 =	sne.s32 s0, $0x0;
	s0 =	rddreg [dreg:$0x2]  }
0xbe: {  	s0 =	sadd.s32 @!p0 $0x100000, s0  }
0xbf: {  	[sflag:s0] =	ssyncadd.tile.s32 @!p0 $0x1;
	_ =	shalt  }
.Lfunc_end2:
_tile_overlayer_lowered:
.L_overlay_start_2:
0xc0: {  	(tag) =	ssettag $0x2  }
0xc1: {  	s0 =	rddreg [dreg:$0x0];
	s2 =	stileid.u32  }
0xc2: {  	s1 =	rddreg [dreg:$0x1];
	p0 =	sne.s32 s2, $0x0  }
0xc3: {  	s3 =	rddreg [dreg:$0x2];
	[bflag:$0x3] =	sbarrier.arrive $0xFFFF;
	s2 =	simm.s32 @!p0 $0x1C04  }
0xc4: {  	[timem:s3], [sflag:s2] =	dma.local @!p0 [hbm:s0], s1  }
0xc5: {  	s0 =	simm.s32 @!p0 $0x4  }
0xc6: {  	_ =	swait.ge @!p0 [sflag:s0], s1  }
0xc7: {  	s1 =	ssub.s32 @!p0 $0x0, s1;
	[sflag:s0] =	ssyncset.done @!p0 $0x0  }
0xc8: {  	[sflag:s0] =	ssyncadd.s32 @!p0 s1  }
0xc9: {  	[bflag:$0x3] =	sbarrier.arrive $0xFFFF  }
0xca: {  	_ =	shalt  }

// kernel: kernel.18.cloned.1.call-start
scs
__scs_entry_jumppad:
0x0: {  	(pc) =	sbr.rel $0x88, $3  }
0x1: {  	(tag) =	ssettag $0x0;
	lr =	simm.s32 $0x1  }
0x2: {  	[smem:$0x3F95] =	sst lr;
	_ =	strace $0xD0000000  }
0x3: {  	_ = 	snop  }
0x4: {  	_ = 	snop  }
0x5: {  	_ = 	snop  }
0x6: {  	_ = 	snop  }
0x7: {  	_ = 	snop  }
__scs_overlays_trampoline_lowered:
0x8: {  	[smem:$0x3FA4] =	sst s0  }
0x9: {  	[smem:$0x3FA5] =	sst s1  }
0xa: {  	[smem:$0x3FA6] =	sst s2  }
0xb: {  	[smem:$0x3FA7] =	sst s3  }
0xc: {  	[smem:$0x3FA8] =	sst s4  }
0xd: {  	[smem:$0x3FA9] =	sst s5  }
0xe: {  	[smem:$0x3FAA] =	sst s6  }
0xf: {  	[smem:$0x3FAB] =	sst s7  }
0x10: {  	[smem:$0x3FAC] =	sst s8  }
0x11: {  	[smem:$0x3FAD] =	sst s9;
	s0 =	simm.s32 @!p0 $0x0  }
0x12: {  	s1 =	sld [smem:$0x3F93];
	s0 =	simm.s32 @p0 $0x1  }
0x13: {  	[smem:$0x3FAE] =	sst s0;
	s0 =	simm.s32 @!p1 $0x0  }
0x14: {  	s2 =	sld [smem:$0x3F92];
	s0 =	simm.s32 @p1 $0x1  }
0x15: {  	[smem:$0x3FAF] =	sst s0;
	s0 =	simm.s32 @!p2 $0x0  }
0x16: {  	s3 =	sld [smem:$0x3FDB];
	s0 =	simm.s32 @p2 $0x1  }
0x17: {  	s4 =	simm.s32 $0x1BF5;
	[smem:$0x3FB1] =	sst s0  }
0x18: {  	s0 =	sld [smem:$0x3F94];
	_ =	swait.ge [sflag:s4], $0x0  }
0x19: {  	s7 =	sld [smem:$0x3F95]  }
0x1a: {  	s8 =	sadd.s32 $0xFFFFE003, lr  }
0x1b: {  	s9 =	sadd.s32 $0xFFFFFEF7, lr;
	s5 =	simm.s32 $0xFFFFFFFF;
	p2 =	slt.u32 s8, $0xFFFFF086  }
0x1c: {  	p1 =	slt.u32 s9, $0xF7A;
	s5 =	simm.s32 @!p2 $0x0  }
0x1d: {  	s5 =	simm.s32 @p1 $0x1;
	p0 =	seq.s32 s7, s2  }
0x1e: {  	s7 =	smul.u32 @!p0 $0xF7A, s2;
	p2 =	seq.s32 @!p0 s5, $0x0  }
0x1f: {  	s9 =	smul.u32 $0xF7A, s1;
	s8 =	simm.s32 @!p0 $0x1BF5;
	p2 =	por !p2, p0  }
0x20: {  	[sflag:s8] =	ssyncset.s32 @!p0 $0xFFFFF086;
	s6 =	sadd.s32 @!p0 s3, s7;
	s7 =	simm.s32 @!p0 $0x108  }
0x21: {  	s3 =	sadd.s32 s3, s9;
	s6 =	sadd.s32 @!p0 $0x88, s6;
	s7 =	simm.s32 @p2 $0x1082  }
0x22: {  	[simem:s7], [sflag:s8] =	dma.local @!p0 [hbm:s6], $0xF7A  }
0x23: {  	s9 =	sor.u32 $0xD0000000, s2;
	s6 =	simm.s32 $0x108;
	_ =	swait.ge @!p0 [sflag:s8], $0x0  }
0x24: {  	s3 =	sadd.s32 $0x88, s3;
	s6 =	simm.s32 @!p1 $0x1082;
	[sflag:s4] =	ssyncset.s32 $0xFFFFF086  }
0x25: {  	[simem:s6], [sflag:s4] =	dma.local [hbm:s3], $0xF7A  }
0x26: {  	[smem:$0x3F95] =	sst s1;
	(tag) =	ssettag s2;
	_ =	strace s9  }
0x27: {  	s1 =	sld [smem:$0x3FA5]  }
0x28: {  	s2 =	sld [smem:$0x3FA6]  }
0x29: {  	s4 =	sld [smem:$0x3FA8]  }
0x2a: {  	p0 =	seq.s32 s5, $0x0;
	s5 =	sld [smem:$0x3FA9]  }
0x2b: {  	s6 =	sld [smem:$0x3FAA]  }
0x2c: {  	s7 =	sld [smem:$0x3FAB]  }
0x2d: {  	s3 =	simm.s32 $0x108;
	s8 =	sld [smem:$0x3FAC]  }
0x2e: {  	s3 =	simm.s32 @!p0 $0x1082;
	s9 =	sld [smem:$0x3FAD]  }
0x2f: {  	lr =	sadd.s32 s0, s3;
	s0 =	sld [smem:$0x3FA4]  }
0x30: {  	s3 =	sld [smem:$0x3FA7]  }
0x31: {  	[smem:$0x3FB0] =	sst s10  }
0x32: {  	s10 =	sld [smem:$0x3FAE];
	_ =	sdelay $0x3  }
0x33: {  	p0 =	seq.s32 s10, $0x1;
	s10 =	sld [smem:$0x3FB0];
	_ =	sdelay $0x3  }
0x34: {  	[smem:$0x3FB0] =	sst s10  }
0x35: {  	s10 =	sld [smem:$0x3FAF];
	_ =	sdelay $0x3  }
0x36: {  	p1 =	seq.s32 s10, $0x1;
	s10 =	sld [smem:$0x3FB0];
	_ =	sdelay $0x3  }
0x37: {  	[smem:$0x3FB0] =	sst s10  }
0x38: {  	s10 =	sld [smem:$0x3FB1]  }
0x39: {  	_ = 	snop;
	(pc) =	sbr.ind lr, $3  }
0x3a: {  	_ = 	snop  }
0x3b: {  	_ = 	snop  }
0x3c: {  	p2 =	seq.s32 s10, $0x1;
	s10 =	sld [smem:$0x3FB0]  }
0x3d: {  	_ =	shalt  }
0x3e: {  	_ =	shalt  }
0x3f: {  	_ =	shalt  }
0x40: {  	_ =	shalt  }
0x41: {  	_ =	shalt  }
0x42: {  	_ =	shalt  }
0x43: {  	_ =	shalt  }
0x44: {  	_ =	shalt  }
0x45: {  	_ =	shalt  }
0x46: {  	_ =	shalt  }
0x47: {  	_ =	shalt  }
0x48: {  	_ =	shalt  }
0x49: {  	_ =	shalt  }
0x4a: {  	_ =	shalt  }
0x4b: {  	_ =	shalt  }
0x4c: {  	_ =	shalt  }
0x4d: {  	_ =	shalt  }
0x4e: {  	_ =	shalt  }
0x4f: {  	_ =	shalt  }
0x50: {  	_ =	shalt  }
0x51: {  	_ =	shalt  }
0x52: {  	_ =	shalt  }
0x53: {  	_ =	shalt  }
0x54: {  	_ =	shalt  }
0x55: {  	_ =	shalt  }
0x56: {  	_ =	shalt  }
0x57: {  	_ =	shalt  }
0x58: {  	_ =	shalt  }
0x59: {  	_ =	shalt  }
0x5a: {  	_ =	shalt  }
0x5b: {  	_ =	shalt  }
0x5c: {  	_ =	shalt  }
0x5d: {  	_ =	shalt  }
0x5e: {  	_ =	shalt  }
0x5f: {  	_ =	shalt  }
0x60: {  	_ =	shalt  }
0x61: {  	_ =	shalt  }
0x62: {  	_ =	shalt  }
0x63: {  	_ =	shalt  }
0x64: {  	_ =	shalt  }
0x65: {  	_ =	shalt  }
0x66: {  	_ =	shalt  }
0x67: {  	_ =	shalt  }
0x68: {  	_ =	shalt  }
0x69: {  	_ =	shalt  }
0x6a: {  	_ =	shalt  }
0x6b: {  	_ =	shalt  }
0x6c: {  	_ =	shalt  }
0x6d: {  	_ =	shalt  }
0x6e: {  	_ =	shalt  }
0x6f: {  	_ =	shalt  }
0x70: {  	_ =	shalt  }
0x71: {  	_ =	shalt  }
0x72: {  	_ =	shalt  }
0x73: {  	_ =	shalt  }
0x74: {  	_ =	shalt  }
0x75: {  	_ =	shalt  }
0x76: {  	_ =	shalt  }
0x77: {  	_ =	shalt  }
0x78: {  	_ =	shalt  }
0x79: {  	_ =	shalt  }
0x7a: {  	_ =	shalt  }
0x7b: {  	_ =	shalt  }
0x7c: {  	_ =	shalt  }
0x7d: {  	_ =	shalt  }
0x7e: {  	_ =	shalt  }
0x7f: {  	_ =	shalt  }
0x80: {  	_ =	shalt  }
0x81: {  	_ =	shalt  }
0x82: {  	_ =	shalt  }
0x83: {  	_ =	shalt  }
0x84: {  	_ =	shalt  }
0x85: {  	_ =	shalt  }
0x86: {  	_ =	shalt  }
0x87: {  	_ =	shalt  }
.Lfunc_end0:
.L_simem_size_0:
called_computation.2_lowered:
.L_overlay_start_0:
0x88: {  	s2 =	sld [smem:$0x3FD9]  }
0x89: {  	s3 =	sld [smem:$0x3FFE];
	_ =	sdelay $0x1  }
0x8a: {  	s1 =	srdreg.scid  }
0x8b: {  	s0 =	sand.u32 $0x1, s1  }
0x8c: {  	s17 =	sshll.u32 s0, $0xA;
	s2 =	sadd.s32 s3, s2  }
0x8d: {  	s2 =	sadd.s32 s2, s17  }
0x8e: {  	[smem:$0x3FBC] =	sst s2  }
0x8f: {  	_ = 	snop  }
0x90: {  	s18 =	sld [smem:$0x3FC8];
	(tm) =	ssettm $0x1  }
0x91: {  	s19 =	sld [smem:$0x3FFB];
	_ =	sdelay $0x3  }
0x92: {  	_ =	strace s19  }
0x93: {  	s2 =	sld [smem:$0x3FFC];
	_ =	sdelay $0x3  }
0x94: {  	_ =	strace s2  }
0x95: {  	s2 =	sld [smem:$0x3FFD];
	_ =	sdelay $0x3  }
0x96: {  	_ =	strace s2  }
0x97: {  	_ =	strace $0x8FFFFFFF  }
0x98: {  	s20 =	sld [smem:$0x3FDB];
	_ =	sdelay $0x1  }
0x99: {  	s4 =	simm.s32 $_scs_section_size  }
0x9a: {  	s5 =	simm.s32 $_size__tile_overlayer_lowered;
	s6 =	simm.s32 $_tile_overlayer_lowered  }
0x9b: {  	s7 =	simm.s32 $0x1BFF;
	s21 =	sshll.u32 s6, $0x1;
	s4 =	sadd.s32 s4, s20  }
0x9c: {  	s22 =	simm.s32 $0x0;
	s5 =	sshll.u32 s5, $0x1;
	s6 =	sadd.s32 s21, s4  }
0x9d: {  	[timem:s22], [sflag:s7] =	dma.local [hbm:s6], s5  }
0x9e: {  	_ =	swait.ge [sflag:s7], s5  }
0x9f: {  	s5 =	ssub.s32 $0x0, s5;
	[sflag:s7] =	ssyncset.done $0x0  }
0xa0: {  	[sflag:s7] =	ssyncadd.s32 s5;
	_ =	sdelay $0x1  }
0xa1: {  	s23 =	simm.s32 $0x1B8B  }
0xa2: {  	_ =	swait.ge [sflag:s23], $0x1  }
0xa3: {  	[sflag:s23] =	ssyncset.done $0x0  }
0xa4: {  	[sflag:s23] =	ssyncadd.s32 $0xFFFFFFFF  }
0xa5: {  	s5 =	sld [smem:$0x0]  }
0xa6: {  	s6 =	sand.u32 $0xFFFFFFFE, s1  }
0xa7: {  	p0 =	sne.s32 s1, s6  }
0xa8: {  	s6 =	sshll.u32 @p0 s6, $0xE  }
0xa9: {  	s6 =	sadd.s32 @p0 $0x11B8D, s6;
	s7 =	sshll.u32 @p0 s5, $0x11  }
0xaa: {  	s6 =	sor.u32 @p0 s7, s6  }
0xab: {  	[sflag:s6] =	ssyncadd.remote.s32 @p0 $0x1;
	_ =	sdelay $0x1  }
0xac: {  	s6 =	simm.s32 @p0 $0x1B8D  }
0xad: {  	_ =	swait.eq @p0 [sflag:s6], $0x1  }
0xae: {  	[sflag:s6] =	ssyncadd.s32 @p0 $0xFFFFFFFF  }
0xaf: {  	s7 =	sshll.u32 @!p0 s1, $0xE  }
0xb0: {  	s7 =	sor.u32 @!p0 $0x4000, s7;
	s6 =	simm.s32 @!p0 $0x1B8D  }
0xb1: {  	s5 =	sshll.u32 @!p0 s5, $0x11;
	s7 =	sadd.s32 @!p0 $0x11B8D, s7;
	_ =	swait.eq @!p0 [sflag:s6], $0x1  }
0xb2: {  	s5 =	sor.u32 @!p0 s5, s7;
	[sflag:s6] =	ssyncadd.s32 @!p0 $0xFFFFFFFF  }
0xb3: {  	s25 =	simm.s32 $0x1B8E;
	s24 =	sld [smem:$0x3FFE];
	[sflag:s5] =	ssyncadd.remote.s32 @!p0 $0x1  }
0xb4: {  	s26 =	simm.s32 $execute0_lowered;
	[smem:$0x3FD2] =	sst s25  }
0xb5: {  	s6 =	sshll.u32 s26, $0x1;
	_ =	strace $0x8000004C;
	[dreg:$0x1] =	wrdreg $0xFFFFFFFF  }
0xb6: {  	s28 =	simm.s32 $_size_execute0_lowered;
	s4 =	sadd.s32 s4, s6;
	[dreg:$0x0] =	wrdreg $0x0  }
0xb7: {  	s6 =	sshll.u32 s28, $0x1;
	[dreg:$0x2] =	wrdreg s4  }
0xb8: {  	[dreg:$0x3] =	wrdreg s6  }
0xb9: {  	[dreg:$0x4] =	wrdreg $0xC0  }
0xba: {  	_ =	task [dreg:s22], $0x5FFFF  }
0xbb: {  	[dreg:$0x1] =	wrdreg $0xFFFFFFFF  }
0xbc: {  	[dreg:$0x0] =	wrdreg $0x60  }
0xbd: {  	[dreg:$0x2] =	wrdreg s18  }
0xbe: {  	[dreg:$0x3] =	wrdreg s24  }
0xbf: {  	[dreg:$0x4] =	wrdreg $0xB  }
0xc0: {  	_ =	task.clear_ibuf [dreg:s22], $0x5FFFF;
	_ =	strace $0x9000004C  }
0xc1: {  	s29 =	simm.s32 $0xB;
	_ =	strace $0x8000004E  }
0xc2: {  	_ =	swait.ge [sflag:s29], $0x1  }
0xc3: {  	[sflag:s29] =	ssyncadd.s32 $0xFFFFFFFF  }
0xc4: {  	_ =	strace $0x9000004E  }
0xc5: {  	_ =	sfence  }
0xc6: {  	s30 =	sld [smem:$0x0];
	_ =	sdelay $0x2  }
0xc7: {  	s31 =	sshll.u32 s1, $0xD;
	s1 =	sshrl.u32 s1, $0x2  }
0xc8: {  	s4 =	sand.u32 $0x4000, s31;
	s1 =	sadd.s32 s1, s30  }
0xc9: {  	s0 =	sor.u32 s4, s0;
	s1 =	sshll.u32 s1, $0x11  }
0xca: {  	s0 =	sor.u32 s1, s0  }
0xcb: {  	s0 =	sadd.s32 $0x8F2B, s0  }
0xcc: {  	[sflag:s0] =	ssyncadd.remote.s32 $0x1  }
0xcd: {  	_ =	sfence.sel $0xFFFF  }
0xce: {  	[dreg:$0x0] =	wrdreg $0xFFFFFFFF;
	(pc) =	sbr.abs _section_cstart, $3  }
0xcf: {  	[dreg:$0x1] =	wrdreg $0xFFFFFFFF  }
0xd0: {  	_ =	task.clear_ibuf [dreg:s22], $0x2FFFF;
	_ =	strace $0x9FFFFFFF  }
0xd1: {  	(tm) =	ssettm $0x7FFFFFFF  }
tec
execute0_lowered:
.L_overlay_start_1:
0x0: {  	(tag) =	ssettag $0x1  }
0x1: {  	s1 =	srdreg.scid;
	s0 =	stileid.u32  }
0x2: {  	s30 =	sand.u32 $0x1, s1;
	s24 =	sshll.u32 s0, $0x1  }
0x3: {  	s2 =	rddreg [dreg:$0x0];
	s10 =	sor.u32 s30, s24  }
0x4: {  	s9 =	rddreg [dreg:$0x1];
	s3 =	simm.s32 $0x0;
	s4 =	sshll.u32 s10, $0x8  }
0x5: {  	[smem:$0x7FF] =	sst s3;
	s4 =	sadd.s32 s4, s9  }
0x6: {  	s5 =	simm.s32 $0x4;
	_ =	strace $0x8000004D;
	s4 =	sadd.s32 $0x147A00, s4  }
0x7: {  	[tilespmem:s3], [sflag:$0x4] =	stream.linear.gather [hbm4b:s4+s3], $0x500, $0x38;
	[tilespmem:$0x8800] =	vst v63  }
0x8: {  	_ =	swait.ge [sflag:s5], $0x500  }
0x9: {  	s6 =	simm.s32 $0x80;
	s7 =	simm.s32 $0x800;
	[sflag:s5] =	ssyncset.done $0x0  }
0xa: {  	s8 =	simm.s32 $0x1;
	s11 =	smul.u32 $0x28000, s10;
	[sflag:s5] =	ssyncadd.s32 $0xFFFFFB00  }
0xb: {  	[tilespmem:s7], [sflag:$0x1] =	stream.indirect.gather [hbm4b:s2+s6], $0x80, s3, s6, $0xb8;
	[tilespmem:$0x8800] =	vst v63  }
0xc: {  	_ =	swait.ge [sflag:s8], $0x4000  }
0xd: {  	s12 =	sadd.s32 $0x149A00, s9;
	s25 =	sshrl.u32 s11, $0x3;
	[sflag:s8] =	ssyncset.done $0x0  }
0xe: {  	s9 =	sadd.s32 s12, s25;
	[sflag:s8] =	ssyncadd.s32 $0xFFFFC000  }
0xf: {  	[hbm4b:s9+s3] =	stream.linear.scatter [tilespmem:s7], [sflag:$0x2], $0x4000, $0x38;
	[tilespmem:$0x8800] =	vst v63  }
0x10: {  	s26 =	smul.u32 $0x5000, s10;
	s10 =	simm.s32 $0x4800  }
0x11: {  	[tilespmem:s10], [sflag:$0x1] =	stream.indirect.gather [hbm4b:s2+s6], $0x80, s6, s6, $0xb8;
	[tilespmem:$0x8800] =	vst v63  }
0x12: {  	_ =	swait.ge [sflag:s8], $0x4000  }
0x13: {  	s31 =	sadd.s32 s12, s26;
	[sflag:s8] =	ssyncset.done $0x0  }
0x14: {  	s11 =	sadd.s32 $0x800, s31;
	s12 =	simm.s32 $0x2;
	[sflag:s8] =	ssyncadd.s32 $0xFFFFC000  }
0x15: {  	[hbm4b:s11+s3] =	stream.linear.scatter [tilespmem:s10], [sflag:$0x3], $0x4000, $0x38;
	[tilespmem:$0x8800] =	vst v63  }
0x16: {  	_ =	swait.ge [sflag:s12], $0x4000  }
0x17: {  	[sflag:s12] =	ssyncset.done $0x0  }
0x18: {  	s13 =	simm.s32 $0x3;
	[sflag:s12] =	ssyncadd.s32 $0xFFFFC000  }
0x19: {  	_ =	swait.ge [sflag:s13], $0x4000  }
0x1a: {  	[sflag:s13] =	ssyncset.done $0x0  }
0x1b: {  	s14 =	simm.s32 $0x100;
	[sflag:s13] =	ssyncadd.s32 $0xFFFFC000  }
0x1c: {  	[tilespmem:s7], [sflag:$0x1] =	stream.indirect.gather [hbm4b:s2+s6], $0x80, s14, s6, $0xb8;
	[tilespmem:$0x8800] =	vst v63  }
0x1d: {  	_ =	swait.ge [sflag:s8], $0x4000  }
0x1e: {  	[sflag:s8] =	ssyncset.done $0x0  }
0x1f: {  	s15 =	sadd.s32 $0x1000, s9;
	[sflag:s8] =	ssyncadd.s32 $0xFFFFC000  }
0x20: {  	[hbm4b:s15+s3] =	stream.linear.scatter [tilespmem:s7], [sflag:$0x2], $0x4000, $0x38;
	[tilespmem:$0x8800] =	vst v63  }
0x21: {  	s16 =	simm.s32 $0x180  }
0x22: {  	[tilespmem:s10], [sflag:$0x1] =	stream.indirect.gather [hbm4b:s2+s6], $0x80, s16, s6, $0xb8;
	[tilespmem:$0x8800] =	vst v63  }
0x23: {  	_ =	swait.ge [sflag:s8], $0x4000  }
0x24: {  	[sflag:s8] =	ssyncset.done $0x0  }
0x25: {  	s17 =	sadd.s32 $0x1800, s31;
	[sflag:s8] =	ssyncadd.s32 $0xFFFFC000  }
0x26: {  	[hbm4b:s17+s3] =	stream.linear.scatter [tilespmem:s10], [sflag:$0x3], $0x4000, $0x38;
	[tilespmem:$0x8800] =	vst v63  }
0x27: {  	_ =	swait.ge [sflag:s12], $0x4000  }
0x28: {  	[sflag:s12] =	ssyncset.done $0x0  }
0x29: {  	[sflag:s12] =	ssyncadd.s32 $0xFFFFC000  }
0x2a: {  	_ =	swait.ge [sflag:s13], $0x4000  }
0x2b: {  	[sflag:s13] =	ssyncset.done $0x0  }
0x2c: {  	s18 =	simm.s32 $0x200;
	[sflag:s13] =	ssyncadd.s32 $0xFFFFC000  }
0x2d: {  	[tilespmem:s7], [sflag:$0x1] =	stream.indirect.gather [hbm4b:s2+s6], $0x80, s18, s6, $0xb8;
	[tilespmem:$0x8800] =	vst v63  }
0x2e: {  	_ =	swait.ge [sflag:s8], $0x4000  }
0x2f: {  	[sflag:s8] =	ssyncset.done $0x0  }
0x30: {  	s19 =	sadd.s32 $0x2000, s9;
	[sflag:s8] =	ssyncadd.s32 $0xFFFFC000  }
0x31: {  	[hbm4b:s19+s3] =	stream.linear.scatter [tilespmem:s7], [sflag:$0x2], $0x4000, $0x38;
	[tilespmem:$0x8800] =	vst v63  }
0x32: {  	s20 =	simm.s32 $0x280  }
0x33: {  	[tilespmem:s10], [sflag:$0x1] =	stream.indirect.gather [hbm4b:s2+s6], $0x80, s20, s6, $0xb8;
	[tilespmem:$0x8800] =	vst v63  }
0x34: {  	_ =	swait.ge [sflag:s8], $0x4000  }
0x35: {  	[sflag:s8] =	ssyncset.done $0x0  }
0x36: {  	s21 =	sadd.s32 $0x2800, s31;
	[sflag:s8] =	ssyncadd.s32 $0xFFFFC000  }
0x37: {  	[hbm4b:s21+s3] =	stream.linear.scatter [tilespmem:s10], [sflag:$0x3], $0x4000, $0x38;
	[tilespmem:$0x8800] =	vst v63  }
0x38: {  	_ =	swait.ge [sflag:s12], $0x4000  }
0x39: {  	[sflag:s12] =	ssyncset.done $0x0  }
0x3a: {  	[sflag:s12] =	ssyncadd.s32 $0xFFFFC000  }
0x3b: {  	_ =	swait.ge [sflag:s13], $0x4000  }
0x3c: {  	[sflag:s13] =	ssyncset.done $0x0  }
0x3d: {  	s22 =	simm.s32 $0x300;
	[sflag:s13] =	ssyncadd.s32 $0xFFFFC000  }
0x3e: {  	[tilespmem:s7], [sflag:$0x1] =	stream.indirect.gather [hbm4b:s2+s6], $0x80, s22, s6, $0xb8;
	[tilespmem:$0x8800] =	vst v63  }
0x3f: {  	_ =	swait.ge [sflag:s8], $0x4000  }
0x40: {  	[sflag:s8] =	ssyncset.done $0x0  }
0x41: {  	s23 =	sadd.s32 $0x3000, s9;
	[sflag:s8] =	ssyncadd.s32 $0xFFFFC000  }
0x42: {  	[hbm4b:s23+s3] =	stream.linear.scatter [tilespmem:s7], [sflag:$0x2], $0x4000, $0x38;
	[tilespmem:$0x8800] =	vst v63  }
0x43: {  	s24 =	simm.s32 $0x380  }
0x44: {  	[tilespmem:s10], [sflag:$0x1] =	stream.indirect.gather [hbm4b:s2+s6], $0x80, s24, s6, $0xb8;
	[tilespmem:$0x8800] =	vst v63  }
0x45: {  	_ =	swait.ge [sflag:s8], $0x4000  }
0x46: {  	[sflag:s8] =	ssyncset.done $0x0  }
0x47: {  	s25 =	sadd.s32 $0x3800, s31;
	[sflag:s8] =	ssyncadd.s32 $0xFFFFC000  }
0x48: {  	[hbm4b:s25+s3] =	stream.linear.scatter [tilespmem:s10], [sflag:$0x3], $0x4000, $0x38;
	[tilespmem:$0x8800] =	vst v63  }
0x49: {  	_ =	swait.ge [sflag:s12], $0x4000  }
0x4a: {  	[sflag:s12] =	ssyncset.done $0x0  }
0x4b: {  	[sflag:s12] =	ssyncadd.s32 $0xFFFFC000  }
0x4c: {  	_ =	swait.ge [sflag:s13], $0x4000  }
0x4d: {  	[sflag:s13] =	ssyncset.done $0x0  }
0x4e: {  	s26 =	simm.s32 $0x400;
	[sflag:s13] =	ssyncadd.s32 $0xFFFFC000  }
0x4f: {  	[tilespmem:s7], [sflag:$0x1] =	stream.indirect.gather [hbm4b:s2+s6], $0x80, s26, s6, $0xb8;
	[tilespmem:$0x8800] =	vst v63  }
0x50: {  	_ =	swait.ge [sflag:s8], $0x4000  }
0x51: {  	[sflag:s8] =	ssyncset.done $0x0  }
0x52: {  	s1 =	ssub.s32 $0x2, s30;
	s28 =	sadd.s32 $0x4000, s9;
	[sflag:s8] =	ssyncadd.s32 $0xFFFFC000  }
0x53: {  	[hbm4b:s28+s3] =	stream.linear.scatter [tilespmem:s7], [sflag:$0x2], $0x4000, $0x38;
	[tilespmem:$0x8800] =	vst v63  }
0x54: {  	s29 =	simm.s32 $0x480;
	s30 =	sadd.s32 $0x4800, s31;
	s31 =	sshrl.u32 s1, $0x1  }
0x55: {  	[tilespmem:s10], [sflag:$0x1] =	stream.indirect.gather [hbm4b:s2+s6], $0x80, s29, s6, $0xb8;
	[tilespmem:$0x8800] =	vst v63  }
0x56: {  	s1 =	ssub.s32 s1, s31;
	_ =	swait.ge [sflag:s8], $0x4000  }
0x57: {  	s1 =	smax.u32 s1, $0x1;
	[sflag:s8] =	ssyncset.done $0x0  }
0x58: {  	p0 =	sne.s32 s1, $0x1;
	[sflag:s8] =	ssyncadd.s32 $0xFFFFC000  }
0x59: {  	[hbm4b:s30+s3] =	stream.linear.scatter [tilespmem:s10], [sflag:$0x3], $0x4000, $0x38;
	[tilespmem:$0x8800] =	vst v63  }
.Ltmp0:
0x5a: {  	_ =	swait.ge [sflag:s12], $0x4000;
	(pc) =	sbr.rel @!p0 .LBB2_2-.Ltmp0, $4  }
0x5b: {  	[sflag:s12] =	ssyncset.done $0x0  }
0x5c: {  	[sflag:s12] =	ssyncadd.s32 $0xFFFFC000  }
0x5d: {  	_ =	swait.ge [sflag:s13], $0x4000  }
0x5e: {  	s31 =	sadd.s32 $0xFFFFFFFF, s1;
	[sflag:s13] =	ssyncset.done $0x0  }
.LBB2_1:
0x5f: {  	p0 =	sne.s32 s31, $0x1;
	s31 =	sadd.s32 $0xFFFFFFFF, s31;
	[sflag:s13] =	ssyncadd.s32 $0xFFFFC000  }
0x60: {  	[tilespmem:s3], [sflag:$0x4] =	stream.linear.gather [hbm4b:s4+s3], $0x500, $0x38;
	[tilespmem:$0x8800] =	vst v63  }
0x61: {  	_ =	swait.ge [sflag:s5], $0x500  }
0x62: {  	[sflag:s5] =	ssyncset.done $0x0  }
0x63: {  	[sflag:s5] =	ssyncadd.s32 $0xFFFFFB00  }
0x64: {  	[tilespmem:s7], [sflag:$0x1] =	stream.indirect.gather [hbm4b:s2+s6], $0x80, s3, s6, $0xb8;
	[tilespmem:$0x8800] =	vst v63  }
0x65: {  	_ =	swait.ge [sflag:s8], $0x4000  }
0x66: {  	[sflag:s8] =	ssyncset.done $0x0  }
0x67: {  	[sflag:s8] =	ssyncadd.s32 $0xFFFFC000  }
0x68: {  	[hbm4b:s9+s3] =	stream.linear.scatter [tilespmem:s7], [sflag:$0x2], $0x4000, $0x38;
	[tilespmem:$0x8800] =	vst v63  }
0x69: {  	_ = 	snop  }
0x6a: {  	[tilespmem:s10], [sflag:$0x1] =	stream.indirect.gather [hbm4b:s2+s6], $0x80, s6, s6, $0xb8;
	[tilespmem:$0x8800] =	vst v63  }
0x6b: {  	_ =	swait.ge [sflag:s8], $0x4000  }
0x6c: {  	[sflag:s8] =	ssyncset.done $0x0  }
0x6d: {  	[sflag:s8] =	ssyncadd.s32 $0xFFFFC000  }
0x6e: {  	[hbm4b:s11+s3] =	stream.linear.scatter [tilespmem:s10], [sflag:$0x3], $0x4000, $0x38;
	[tilespmem:$0x8800] =	vst v63  }
0x6f: {  	_ =	swait.ge [sflag:s12], $0x4000  }
0x70: {  	[sflag:s12] =	ssyncset.done $0x0  }
0x71: {  	[sflag:s12] =	ssyncadd.s32 $0xFFFFC000  }
0x72: {  	_ =	swait.ge [sflag:s13], $0x4000  }
0x73: {  	[sflag:s13] =	ssyncset.done $0x0  }
0x74: {  	[sflag:s13] =	ssyncadd.s32 $0xFFFFC000  }
0x75: {  	[tilespmem:s7], [sflag:$0x1] =	stream.indirect.gather [hbm4b:s2+s6], $0x80, s14, s6, $0xb8;
	[tilespmem:$0x8800] =	vst v63  }
0x76: {  	_ =	swait.ge [sflag:s8], $0x4000  }
0x77: {  	[sflag:s8] =	ssyncset.done $0x0  }
0x78: {  	[sflag:s8] =	ssyncadd.s32 $0xFFFFC000  }
0x79: {  	[hbm4b:s15+s3] =	stream.linear.scatter [tilespmem:s7], [sflag:$0x2], $0x4000, $0x38;
	[tilespmem:$0x8800] =	vst v63  }
0x7a: {  	_ = 	snop  }
0x7b: {  	[tilespmem:s10], [sflag:$0x1] =	stream.indirect.gather [hbm4b:s2+s6], $0x80, s16, s6, $0xb8;
	[tilespmem:$0x8800] =	vst v63  }
0x7c: {  	_ =	swait.ge [sflag:s8], $0x4000  }
0x7d: {  	[sflag:s8] =	ssyncset.done $0x0  }
0x7e: {  	[sflag:s8] =	ssyncadd.s32 $0xFFFFC000  }
0x7f: {  	[hbm4b:s17+s3] =	stream.linear.scatter [tilespmem:s10], [sflag:$0x3], $0x4000, $0x38;
	[tilespmem:$0x8800] =	vst v63  }
0x80: {  	_ =	swait.ge [sflag:s12], $0x4000  }
0x81: {  	[sflag:s12] =	ssyncset.done $0x0  }
0x82: {  	[sflag:s12] =	ssyncadd.s32 $0xFFFFC000  }
0x83: {  	_ =	swait.ge [sflag:s13], $0x4000  }
0x84: {  	[sflag:s13] =	ssyncset.done $0x0  }
0x85: {  	[sflag:s13] =	ssyncadd.s32 $0xFFFFC000  }
0x86: {  	[tilespmem:s7], [sflag:$0x1] =	stream.indirect.gather [hbm4b:s2+s6], $0x80, s18, s6, $0xb8;
	[tilespmem:$0x8800] =	vst v63  }
0x87: {  	_ =	swait.ge [sflag:s8], $0x4000  }
0x88: {  	[sflag:s8] =	ssyncset.done $0x0  }
0x89: {  	[sflag:s8] =	ssyncadd.s32 $0xFFFFC000  }
0x8a: {  	[hbm4b:s19+s3] =	stream.linear.scatter [tilespmem:s7], [sflag:$0x2], $0x4000, $0x38;
	[tilespmem:$0x8800] =	vst v63  }
0x8b: {  	_ = 	snop  }
0x8c: {  	[tilespmem:s10], [sflag:$0x1] =	stream.indirect.gather [hbm4b:s2+s6], $0x80, s20, s6, $0xb8;
	[tilespmem:$0x8800] =	vst v63  }
0x8d: {  	_ =	swait.ge [sflag:s8], $0x4000  }
0x8e: {  	[sflag:s8] =	ssyncset.done $0x0  }
0x8f: {  	[sflag:s8] =	ssyncadd.s32 $0xFFFFC000  }
0x90: {  	[hbm4b:s21+s3] =	stream.linear.scatter [tilespmem:s10], [sflag:$0x3], $0x4000, $0x38;
	[tilespmem:$0x8800] =	vst v63  }
0x91: {  	_ =	swait.ge [sflag:s12], $0x4000  }
0x92: {  	[sflag:s12] =	ssyncset.done $0x0  }
0x93: {  	[sflag:s12] =	ssyncadd.s32 $0xFFFFC000  }
0x94: {  	_ =	swait.ge [sflag:s13], $0x4000  }
0x95: {  	[sflag:s13] =	ssyncset.done $0x0  }
0x96: {  	[sflag:s13] =	ssyncadd.s32 $0xFFFFC000  }
0x97: {  	[tilespmem:s7], [sflag:$0x1] =	stream.indirect.gather [hbm4b:s2+s6], $0x80, s22, s6, $0xb8;
	[tilespmem:$0x8800] =	vst v63  }
0x98: {  	_ =	swait.ge [sflag:s8], $0x4000  }
0x99: {  	[sflag:s8] =	ssyncset.done $0x0  }
0x9a: {  	[sflag:s8] =	ssyncadd.s32 $0xFFFFC000  }
0x9b: {  	[hbm4b:s23+s3] =	stream.linear.scatter [tilespmem:s7], [sflag:$0x2], $0x4000, $0x38;
	[tilespmem:$0x8800] =	vst v63  }
0x9c: {  	_ = 	snop  }
0x9d: {  	[tilespmem:s10], [sflag:$0x1] =	stream.indirect.gather [hbm4b:s2+s6], $0x80, s24, s6, $0xb8;
	[tilespmem:$0x8800] =	vst v63  }
0x9e: {  	_ =	swait.ge [sflag:s8], $0x4000  }
0x9f: {  	[sflag:s8] =	ssyncset.done $0x0  }
0xa0: {  	[sflag:s8] =	ssyncadd.s32 $0xFFFFC000  }
0xa1: {  	[hbm4b:s25+s3] =	stream.linear.scatter [tilespmem:s10], [sflag:$0x3], $0x4000, $0x38;
	[tilespmem:$0x8800] =	vst v63  }
0xa2: {  	_ =	swait.ge [sflag:s12], $0x4000  }
0xa3: {  	[sflag:s12] =	ssyncset.done $0x0  }
0xa4: {  	[sflag:s12] =	ssyncadd.s32 $0xFFFFC000  }
0xa5: {  	_ =	swait.ge [sflag:s13], $0x4000  }
0xa6: {  	[sflag:s13] =	ssyncset.done $0x0  }
0xa7: {  	[sflag:s13] =	ssyncadd.s32 $0xFFFFC000  }
0xa8: {  	[tilespmem:s7], [sflag:$0x1] =	stream.indirect.gather [hbm4b:s2+s6], $0x80, s26, s6, $0xb8;
	[tilespmem:$0x8800] =	vst v63  }
0xa9: {  	_ =	swait.ge [sflag:s8], $0x4000  }
0xaa: {  	[sflag:s8] =	ssyncset.done $0x0  }
0xab: {  	[sflag:s8] =	ssyncadd.s32 $0xFFFFC000  }
0xac: {  	[hbm4b:s28+s3] =	stream.linear.scatter [tilespmem:s7], [sflag:$0x2], $0x4000, $0x38;
	[tilespmem:$0x8800] =	vst v63  }
0xad: {  	_ = 	snop  }
0xae: {  	[tilespmem:s10], [sflag:$0x1] =	stream.indirect.gather [hbm4b:s2+s6], $0x80, s29, s6, $0xb8;
	[tilespmem:$0x8800] =	vst v63  }
0xaf: {  	_ =	swait.ge [sflag:s8], $0x4000  }
0xb0: {  	[sflag:s8] =	ssyncset.done $0x0  }
0xb1: {  	[sflag:s8] =	ssyncadd.s32 $0xFFFFC000  }
0xb2: {  	[hbm4b:s30+s3] =	stream.linear.scatter [tilespmem:s10], [sflag:$0x3], $0x4000, $0x38;
	[tilespmem:$0x8800] =	vst v63  }
.Ltmp1:
0xb3: {  	_ =	swait.ge [sflag:s12], $0x4000;
	(pc) =	sbr.rel @p0 .LBB2_1-.Ltmp1, $4  }
0xb4: {  	[sflag:s12] =	ssyncset.done $0x0  }
0xb5: {  	[sflag:s12] =	ssyncadd.s32 $0xFFFFC000  }
0xb6: {  	_ =	swait.ge [sflag:s13], $0x4000  }
0xb7: {  	[sflag:s13] =	ssyncset.done $0x0  }
.LBB2_2:
0xb8: {  	[sflag:s13] =	ssyncadd.s32 $0xFFFFC000  }
0xb9: {  	_ =	sfence.sel $0x180000  }
0xba: {  	[bflag:$0x0] =	sbarrier.arrive $0xFFFF  }
0xbb: {  	_ =	strace $0x9000004D  }
0xbc: {  	[bflag:$0x2] =	sbarrier.arrive $0xFFFF  }
0xbd: {  	p0 =	sne.s32 s0, $0x0;
	s0 =	rddreg [dreg:$0x2]  }
0xbe: {  	s0 =	sadd.s32 @!p0 $0x100000, s0  }
0xbf: {  	[sflag:s0] =	ssyncadd.tile.s32 @!p0 $0x1;
	_ =	shalt  }
.Lfunc_end2:
_tile_overlayer_lowered:
.L_overlay_start_2:
0xc0: {  	(tag) =	ssettag $0x2  }
0xc1: {  	s0 =	rddreg [dreg:$0x0];
	s2 =	stileid.u32  }
0xc2: {  	s1 =	rddreg [dreg:$0x1];
	p0 =	sne.s32 s2, $0x0  }
0xc3: {  	s3 =	rddreg [dreg:$0x2];
	[bflag:$0x3] =	sbarrier.arrive $0xFFFF;
	s2 =	simm.s32 @!p0 $0x1C04  }
0xc4: {  	[timem:s3], [sflag:s2] =	dma.local @!p0 [hbm:s0], s1  }
0xc5: {  	s0 =	simm.s32 @!p0 $0x4  }
0xc6: {  	_ =	swait.ge @!p0 [sflag:s0], s1  }
0xc7: {  	s1 =	ssub.s32 @!p0 $0x0, s1;
	[sflag:s0] =	ssyncset.done @!p0 $0x0  }
0xc8: {  	[sflag:s0] =	ssyncadd.s32 @!p0 s1  }
0xc9: {  	[bflag:$0x3] =	sbarrier.arrive $0xFFFF  }
0xca: {  	_ =	shalt  }

// kernel: kernel.21.cloned.1.call-start
scs
__scs_entry_jumppad:
0x0: {  	(pc) =	sbr.rel $0x88, $3  }
0x1: {  	(tag) =	ssettag $0x0;
	lr =	simm.s32 $0x1  }
0x2: {  	[smem:$0x3F95] =	sst lr;
	_ =	strace $0xD0000000  }
0x3: {  	_ = 	snop  }
0x4: {  	_ = 	snop  }
0x5: {  	_ = 	snop  }
0x6: {  	_ = 	snop  }
0x7: {  	_ = 	snop  }
__scs_overlays_trampoline_lowered:
0x8: {  	[smem:$0x3FA4] =	sst s0  }
0x9: {  	[smem:$0x3FA5] =	sst s1  }
0xa: {  	[smem:$0x3FA6] =	sst s2  }
0xb: {  	[smem:$0x3FA7] =	sst s3  }
0xc: {  	[smem:$0x3FA8] =	sst s4  }
0xd: {  	[smem:$0x3FA9] =	sst s5  }
0xe: {  	[smem:$0x3FAA] =	sst s6  }
0xf: {  	[smem:$0x3FAB] =	sst s7  }
0x10: {  	[smem:$0x3FAC] =	sst s8  }
0x11: {  	[smem:$0x3FAD] =	sst s9;
	s0 =	simm.s32 @!p0 $0x0  }
0x12: {  	s1 =	sld [smem:$0x3F93];
	s0 =	simm.s32 @p0 $0x1  }
0x13: {  	[smem:$0x3FAE] =	sst s0;
	s0 =	simm.s32 @!p1 $0x0  }
0x14: {  	s2 =	sld [smem:$0x3F92];
	s0 =	simm.s32 @p1 $0x1  }
0x15: {  	[smem:$0x3FAF] =	sst s0;
	s0 =	simm.s32 @!p2 $0x0  }
0x16: {  	s3 =	sld [smem:$0x3FDB];
	s0 =	simm.s32 @p2 $0x1  }
0x17: {  	s4 =	simm.s32 $0x1BF5;
	[smem:$0x3FB1] =	sst s0  }
0x18: {  	s0 =	sld [smem:$0x3F94];
	_ =	swait.ge [sflag:s4], $0x0  }
0x19: {  	s7 =	sld [smem:$0x3F95]  }
0x1a: {  	s8 =	sadd.s32 $0xFFFFE003, lr  }
0x1b: {  	s9 =	sadd.s32 $0xFFFFFEF7, lr;
	s5 =	simm.s32 $0xFFFFFFFF;
	p2 =	slt.u32 s8, $0xFFFFF086  }
0x1c: {  	p1 =	slt.u32 s9, $0xF7A;
	s5 =	simm.s32 @!p2 $0x0  }
0x1d: {  	s5 =	simm.s32 @p1 $0x1;
	p0 =	seq.s32 s7, s2  }
0x1e: {  	s7 =	smul.u32 @!p0 $0xF7A, s2;
	p2 =	seq.s32 @!p0 s5, $0x0  }
0x1f: {  	s9 =	smul.u32 $0xF7A, s1;
	s8 =	simm.s32 @!p0 $0x1BF5;
	p2 =	por !p2, p0  }
0x20: {  	[sflag:s8] =	ssyncset.s32 @!p0 $0xFFFFF086;
	s6 =	sadd.s32 @!p0 s3, s7;
	s7 =	simm.s32 @!p0 $0x108  }
0x21: {  	s3 =	sadd.s32 s3, s9;
	s6 =	sadd.s32 @!p0 $0x88, s6;
	s7 =	simm.s32 @p2 $0x1082  }
0x22: {  	[simem:s7], [sflag:s8] =	dma.local @!p0 [hbm:s6], $0xF7A  }
0x23: {  	s9 =	sor.u32 $0xD0000000, s2;
	s6 =	simm.s32 $0x108;
	_ =	swait.ge @!p0 [sflag:s8], $0x0  }
0x24: {  	s3 =	sadd.s32 $0x88, s3;
	s6 =	simm.s32 @!p1 $0x1082;
	[sflag:s4] =	ssyncset.s32 $0xFFFFF086  }
0x25: {  	[simem:s6], [sflag:s4] =	dma.local [hbm:s3], $0xF7A  }
0x26: {  	[smem:$0x3F95] =	sst s1;
	(tag) =	ssettag s2;
	_ =	strace s9  }
0x27: {  	s1 =	sld [smem:$0x3FA5]  }
0x28: {  	s2 =	sld [smem:$0x3FA6]  }
0x29: {  	s4 =	sld [smem:$0x3FA8]  }
0x2a: {  	p0 =	seq.s32 s5, $0x0;
	s5 =	sld [smem:$0x3FA9]  }
0x2b: {  	s6 =	sld [smem:$0x3FAA]  }
0x2c: {  	s7 =	sld [smem:$0x3FAB]  }
0x2d: {  	s3 =	simm.s32 $0x108;
	s8 =	sld [smem:$0x3FAC]  }
0x2e: {  	s3 =	simm.s32 @!p0 $0x1082;
	s9 =	sld [smem:$0x3FAD]  }
0x2f: {  	lr =	sadd.s32 s0, s3;
	s0 =	sld [smem:$0x3FA4]  }
0x30: {  	s3 =	sld [smem:$0x3FA7]  }
0x31: {  	[smem:$0x3FB0] =	sst s10  }
0x32: {  	s10 =	sld [smem:$0x3FAE];
	_ =	sdelay $0x3  }
0x33: {  	p0 =	seq.s32 s10, $0x1;
	s10 =	sld [smem:$0x3FB0];
	_ =	sdelay $0x3  }
0x34: {  	[smem:$0x3FB0] =	sst s10  }
0x35: {  	s10 =	sld [smem:$0x3FAF];
	_ =	sdelay $0x3  }
0x36: {  	p1 =	seq.s32 s10, $0x1;
	s10 =	sld [smem:$0x3FB0];
	_ =	sdelay $0x3  }
0x37: {  	[smem:$0x3FB0] =	sst s10  }
0x38: {  	s10 =	sld [smem:$0x3FB1]  }
0x39: {  	_ = 	snop;
	(pc) =	sbr.ind lr, $3  }
0x3a: {  	_ = 	snop  }
0x3b: {  	_ = 	snop  }
0x3c: {  	p2 =	seq.s32 s10, $0x1;
	s10 =	sld [smem:$0x3FB0]  }
0x3d: {  	_ =	shalt  }
0x3e: {  	_ =	shalt  }
0x3f: {  	_ =	shalt  }
0x40: {  	_ =	shalt  }
0x41: {  	_ =	shalt  }
0x42: {  	_ =	shalt  }
0x43: {  	_ =	shalt  }
0x44: {  	_ =	shalt  }
0x45: {  	_ =	shalt  }
0x46: {  	_ =	shalt  }
0x47: {  	_ =	shalt  }
0x48: {  	_ =	shalt  }
0x49: {  	_ =	shalt  }
0x4a: {  	_ =	shalt  }
0x4b: {  	_ =	shalt  }
0x4c: {  	_ =	shalt  }
0x4d: {  	_ =	shalt  }
0x4e: {  	_ =	shalt  }
0x4f: {  	_ =	shalt  }
0x50: {  	_ =	shalt  }
0x51: {  	_ =	shalt  }
0x52: {  	_ =	shalt  }
0x53: {  	_ =	shalt  }
0x54: {  	_ =	shalt  }
0x55: {  	_ =	shalt  }
0x56: {  	_ =	shalt  }
0x57: {  	_ =	shalt  }
0x58: {  	_ =	shalt  }
0x59: {  	_ =	shalt  }
0x5a: {  	_ =	shalt  }
0x5b: {  	_ =	shalt  }
0x5c: {  	_ =	shalt  }
0x5d: {  	_ =	shalt  }
0x5e: {  	_ =	shalt  }
0x5f: {  	_ =	shalt  }
0x60: {  	_ =	shalt  }
0x61: {  	_ =	shalt  }
0x62: {  	_ =	shalt  }
0x63: {  	_ =	shalt  }
0x64: {  	_ =	shalt  }
0x65: {  	_ =	shalt  }
0x66: {  	_ =	shalt  }
0x67: {  	_ =	shalt  }
0x68: {  	_ =	shalt  }
0x69: {  	_ =	shalt  }
0x6a: {  	_ =	shalt  }
0x6b: {  	_ =	shalt  }
0x6c: {  	_ =	shalt  }
0x6d: {  	_ =	shalt  }
0x6e: {  	_ =	shalt  }
0x6f: {  	_ =	shalt  }
0x70: {  	_ =	shalt  }
0x71: {  	_ =	shalt  }
0x72: {  	_ =	shalt  }
0x73: {  	_ =	shalt  }
0x74: {  	_ =	shalt  }
0x75: {  	_ =	shalt  }
0x76: {  	_ =	shalt  }
0x77: {  	_ =	shalt  }
0x78: {  	_ =	shalt  }
0x79: {  	_ =	shalt  }
0x7a: {  	_ =	shalt  }
0x7b: {  	_ =	shalt  }
0x7c: {  	_ =	shalt  }
0x7d: {  	_ =	shalt  }
0x7e: {  	_ =	shalt  }
0x7f: {  	_ =	shalt  }
0x80: {  	_ =	shalt  }
0x81: {  	_ =	shalt  }
0x82: {  	_ =	shalt  }
0x83: {  	_ =	shalt  }
0x84: {  	_ =	shalt  }
0x85: {  	_ =	shalt  }
0x86: {  	_ =	shalt  }
0x87: {  	_ =	shalt  }
.Lfunc_end0:
.L_simem_size_0:
called_computation.3_lowered:
.L_overlay_start_0:
0x88: {  	s2 =	sld [smem:$0x3FD9]  }
0x89: {  	s3 =	sld [smem:$0x3FFE];
	_ =	sdelay $0x1  }
0x8a: {  	s1 =	srdreg.scid  }
0x8b: {  	s0 =	sand.u32 $0x1, s1  }
0x8c: {  	s17 =	sshll.u32 s0, $0xA;
	s2 =	sadd.s32 s3, s2  }
0x8d: {  	s2 =	sadd.s32 s2, s17  }
0x8e: {  	[smem:$0x3FBC] =	sst s2  }
0x8f: {  	_ = 	snop  }
0x90: {  	s18 =	sld [smem:$0x3FC8];
	(tm) =	ssettm $0x1  }
0x91: {  	s19 =	sld [smem:$0x3FFB];
	_ =	sdelay $0x3  }
0x92: {  	_ =	strace s19  }
0x93: {  	s2 =	sld [smem:$0x3FFC];
	_ =	sdelay $0x3  }
0x94: {  	_ =	strace s2  }
0x95: {  	s2 =	sld [smem:$0x3FFD];
	_ =	sdelay $0x3  }
0x96: {  	_ =	strace s2  }
0x97: {  	_ =	strace $0x8FFFFFFF  }
0x98: {  	s20 =	sld [smem:$0x3FDB];
	_ =	sdelay $0x1  }
0x99: {  	s4 =	simm.s32 $_scs_section_size  }
0x9a: {  	s5 =	simm.s32 $_size__tile_overlayer_lowered;
	s6 =	simm.s32 $_tile_overlayer_lowered  }
0x9b: {  	s7 =	simm.s32 $0x1BFF;
	s21 =	sshll.u32 s6, $0x1;
	s4 =	sadd.s32 s4, s20  }
0x9c: {  	s22 =	simm.s32 $0x0;
	s5 =	sshll.u32 s5, $0x1;
	s6 =	sadd.s32 s21, s4  }
0x9d: {  	[timem:s22], [sflag:s7] =	dma.local [hbm:s6], s5  }
0x9e: {  	_ =	swait.ge [sflag:s7], s5  }
0x9f: {  	s5 =	ssub.s32 $0x0, s5;
	[sflag:s7] =	ssyncset.done $0x0  }
0xa0: {  	[sflag:s7] =	ssyncadd.s32 s5;
	_ =	sdelay $0x1  }
0xa1: {  	s23 =	simm.s32 $0x1B8B  }
0xa2: {  	_ =	swait.ge [sflag:s23], $0x1  }
0xa3: {  	[sflag:s23] =	ssyncset.done $0x0  }
0xa4: {  	[sflag:s23] =	ssyncadd.s32 $0xFFFFFFFF  }
0xa5: {  	s5 =	sld [smem:$0x0]  }
0xa6: {  	s6 =	sand.u32 $0xFFFFFFFE, s1  }
0xa7: {  	p0 =	sne.s32 s1, s6  }
0xa8: {  	s6 =	sshll.u32 @p0 s6, $0xE  }
0xa9: {  	s6 =	sadd.s32 @p0 $0x11B8D, s6;
	s7 =	sshll.u32 @p0 s5, $0x11  }
0xaa: {  	s6 =	sor.u32 @p0 s7, s6  }
0xab: {  	[sflag:s6] =	ssyncadd.remote.s32 @p0 $0x1;
	_ =	sdelay $0x1  }
0xac: {  	s6 =	simm.s32 @p0 $0x1B8D  }
0xad: {  	_ =	swait.eq @p0 [sflag:s6], $0x1  }
0xae: {  	[sflag:s6] =	ssyncadd.s32 @p0 $0xFFFFFFFF  }
0xaf: {  	s7 =	sshll.u32 @!p0 s1, $0xE  }
0xb0: {  	s7 =	sor.u32 @!p0 $0x4000, s7;
	s6 =	simm.s32 @!p0 $0x1B8D  }
0xb1: {  	s5 =	sshll.u32 @!p0 s5, $0x11;
	s7 =	sadd.s32 @!p0 $0x11B8D, s7;
	_ =	swait.eq @!p0 [sflag:s6], $0x1  }
0xb2: {  	s5 =	sor.u32 @!p0 s5, s7;
	[sflag:s6] =	ssyncadd.s32 @!p0 $0xFFFFFFFF  }
0xb3: {  	s25 =	simm.s32 $0x1B8E;
	s24 =	sld [smem:$0x3FFE];
	[sflag:s5] =	ssyncadd.remote.s32 @!p0 $0x1  }
0xb4: {  	s26 =	simm.s32 $execute0_lowered;
	[smem:$0x3FD2] =	sst s25  }
0xb5: {  	s6 =	sshll.u32 s26, $0x1;
	_ =	strace $0x8000004F;
	[dreg:$0x1] =	wrdreg $0xFFFFFFFF  }
0xb6: {  	s28 =	simm.s32 $_size_execute0_lowered;
	s4 =	sadd.s32 s4, s6;
	[dreg:$0x0] =	wrdreg $0x0  }
0xb7: {  	s6 =	sshll.u32 s28, $0x1;
	[dreg:$0x2] =	wrdreg s4  }
0xb8: {  	[dreg:$0x3] =	wrdreg s6  }
0xb9: {  	[dreg:$0x4] =	wrdreg $0xC0  }
0xba: {  	_ =	task [dreg:s22], $0x5FFFF  }
0xbb: {  	[dreg:$0x1] =	wrdreg $0xFFFFFFFF  }
0xbc: {  	[dreg:$0x0] =	wrdreg $0x60  }
0xbd: {  	[dreg:$0x2] =	wrdreg s18  }
0xbe: {  	[dreg:$0x3] =	wrdreg s24  }
0xbf: {  	[dreg:$0x4] =	wrdreg $0xC  }
0xc0: {  	_ =	task.clear_ibuf [dreg:s22], $0x5FFFF;
	_ =	strace $0x9000004F  }
0xc1: {  	s29 =	simm.s32 $0xC;
	_ =	strace $0x80000051  }
0xc2: {  	_ =	swait.ge [sflag:s29], $0x1  }
0xc3: {  	[sflag:s29] =	ssyncadd.s32 $0xFFFFFFFF  }
0xc4: {  	_ =	strace $0x90000051  }
0xc5: {  	_ =	sfence  }
0xc6: {  	s30 =	sld [smem:$0x0];
	_ =	sdelay $0x2  }
0xc7: {  	s31 =	sshll.u32 s1, $0xD;
	s1 =	sshrl.u32 s1, $0x2  }
0xc8: {  	s4 =	sand.u32 $0x4000, s31;
	s1 =	sadd.s32 s1, s30  }
0xc9: {  	s0 =	sor.u32 s4, s0;
	s1 =	sshll.u32 s1, $0x11  }
0xca: {  	s0 =	sor.u32 s1, s0  }
0xcb: {  	s0 =	sadd.s32 $0x8F2B, s0  }
0xcc: {  	[sflag:s0] =	ssyncadd.remote.s32 $0x1  }
0xcd: {  	_ =	sfence.sel $0xFFFF  }
0xce: {  	[dreg:$0x0] =	wrdreg $0xFFFFFFFF;
	(pc) =	sbr.abs _section_cstart, $3  }
0xcf: {  	[dreg:$0x1] =	wrdreg $0xFFFFFFFF  }
0xd0: {  	_ =	task.clear_ibuf [dreg:s22], $0x2FFFF;
	_ =	strace $0x9FFFFFFF  }
0xd1: {  	(tm) =	ssettm $0x7FFFFFFF  }
tec
execute0_lowered:
.L_overlay_start_1:
0x0: {  	(tag) =	ssettag $0x1  }
0x1: {  	s1 =	srdreg.scid;
	s0 =	stileid.u32  }
0x2: {  	s30 =	sand.u32 $0x1, s1;
	s24 =	sshll.u32 s0, $0x1  }
0x3: {  	s2 =	rddreg [dreg:$0x0];
	s10 =	sor.u32 s30, s24  }
0x4: {  	s9 =	rddreg [dreg:$0x1];
	s3 =	simm.s32 $0x0;
	s4 =	sshll.u32 s10, $0x8  }
0x5: {  	[smem:$0x7FF] =	sst s3;
	s4 =	sadd.s32 s4, s9  }
0x6: {  	s5 =	simm.s32 $0x4;
	_ =	strace $0x80000050;
	s4 =	sadd.s32 $0x1E9A00, s4  }
0x7: {  	[tilespmem:s3], [sflag:$0x4] =	stream.linear.gather [hbm4b:s4+s3], $0x500, $0x38;
	[tilespmem:$0x8800] =	vst v63  }
0x8: {  	_ =	swait.ge [sflag:s5], $0x500  }
0x9: {  	s6 =	simm.s32 $0x80;
	s7 =	simm.s32 $0x800;
	[sflag:s5] =	ssyncset.done $0x0  }
0xa: {  	s8 =	simm.s32 $0x1;
	s11 =	smul.u32 $0x28000, s10;
	[sflag:s5] =	ssyncadd.s32 $0xFFFFFB00  }
0xb: {  	[tilespmem:s7], [sflag:$0x1] =	stream.indirect.gather [hbm4b:s2+s6], $0x80, s3, s6, $0xb8;
	[tilespmem:$0x8800] =	vst v63  }
0xc: {  	_ =	swait.ge [sflag:s8], $0x4000  }
0xd: {  	s12 =	sadd.s32 $0x1EBA00, s9;
	s25 =	sshrl.u32 s11, $0x3;
	[sflag:s8] =	ssyncset.done $0x0  }
0xe: {  	s9 =	sadd.s32 s12, s25;
	[sflag:s8] =	ssyncadd.s32 $0xFFFFC000  }
0xf: {  	[hbm4b:s9+s3] =	stream.linear.scatter [tilespmem:s7], [sflag:$0x2], $0x4000, $0x38;
	[tilespmem:$0x8800] =	vst v63  }
0x10: {  	s26 =	smul.u32 $0x5000, s10;
	s10 =	simm.s32 $0x4800  }
0x11: {  	[tilespmem:s10], [sflag:$0x1] =	stream.indirect.gather [hbm4b:s2+s6], $0x80, s6, s6, $0xb8;
	[tilespmem:$0x8800] =	vst v63  }
0x12: {  	_ =	swait.ge [sflag:s8], $0x4000  }
0x13: {  	s31 =	sadd.s32 s12, s26;
	[sflag:s8] =	ssyncset.done $0x0  }
0x14: {  	s11 =	sadd.s32 $0x800, s31;
	s12 =	simm.s32 $0x2;
	[sflag:s8] =	ssyncadd.s32 $0xFFFFC000  }
0x15: {  	[hbm4b:s11+s3] =	stream.linear.scatter [tilespmem:s10], [sflag:$0x3], $0x4000, $0x38;
	[tilespmem:$0x8800] =	vst v63  }
0x16: {  	_ =	swait.ge [sflag:s12], $0x4000  }
0x17: {  	[sflag:s12] =	ssyncset.done $0x0  }
0x18: {  	s13 =	simm.s32 $0x3;
	[sflag:s12] =	ssyncadd.s32 $0xFFFFC000  }
0x19: {  	_ =	swait.ge [sflag:s13], $0x4000  }
0x1a: {  	[sflag:s13] =	ssyncset.done $0x0  }
0x1b: {  	s14 =	simm.s32 $0x100;
	[sflag:s13] =	ssyncadd.s32 $0xFFFFC000  }
0x1c: {  	[tilespmem:s7], [sflag:$0x1] =	stream.indirect.gather [hbm4b:s2+s6], $0x80, s14, s6, $0xb8;
	[tilespmem:$0x8800] =	vst v63  }
0x1d: {  	_ =	swait.ge [sflag:s8], $0x4000  }
0x1e: {  	[sflag:s8] =	ssyncset.done $0x0  }
0x1f: {  	s15 =	sadd.s32 $0x1000, s9;
	[sflag:s8] =	ssyncadd.s32 $0xFFFFC000  }
0x20: {  	[hbm4b:s15+s3] =	stream.linear.scatter [tilespmem:s7], [sflag:$0x2], $0x4000, $0x38;
	[tilespmem:$0x8800] =	vst v63  }
0x21: {  	s16 =	simm.s32 $0x180  }
0x22: {  	[tilespmem:s10], [sflag:$0x1] =	stream.indirect.gather [hbm4b:s2+s6], $0x80, s16, s6, $0xb8;
	[tilespmem:$0x8800] =	vst v63  }
0x23: {  	_ =	swait.ge [sflag:s8], $0x4000  }
0x24: {  	[sflag:s8] =	ssyncset.done $0x0  }
0x25: {  	s17 =	sadd.s32 $0x1800, s31;
	[sflag:s8] =	ssyncadd.s32 $0xFFFFC000  }
0x26: {  	[hbm4b:s17+s3] =	stream.linear.scatter [tilespmem:s10], [sflag:$0x3], $0x4000, $0x38;
	[tilespmem:$0x8800] =	vst v63  }
0x27: {  	_ =	swait.ge [sflag:s12], $0x4000  }
0x28: {  	[sflag:s12] =	ssyncset.done $0x0  }
0x29: {  	[sflag:s12] =	ssyncadd.s32 $0xFFFFC000  }
0x2a: {  	_ =	swait.ge [sflag:s13], $0x4000  }
0x2b: {  	[sflag:s13] =	ssyncset.done $0x0  }
0x2c: {  	s18 =	simm.s32 $0x200;
	[sflag:s13] =	ssyncadd.s32 $0xFFFFC000  }
0x2d: {  	[tilespmem:s7], [sflag:$0x1] =	stream.indirect.gather [hbm4b:s2+s6], $0x80, s18, s6, $0xb8;
	[tilespmem:$0x8800] =	vst v63  }
0x2e: {  	_ =	swait.ge [sflag:s8], $0x4000  }
0x2f: {  	[sflag:s8] =	ssyncset.done $0x0  }
0x30: {  	s19 =	sadd.s32 $0x2000, s9;
	[sflag:s8] =	ssyncadd.s32 $0xFFFFC000  }
0x31: {  	[hbm4b:s19+s3] =	stream.linear.scatter [tilespmem:s7], [sflag:$0x2], $0x4000, $0x38;
	[tilespmem:$0x8800] =	vst v63  }
0x32: {  	s20 =	simm.s32 $0x280  }
0x33: {  	[tilespmem:s10], [sflag:$0x1] =	stream.indirect.gather [hbm4b:s2+s6], $0x80, s20, s6, $0xb8;
	[tilespmem:$0x8800] =	vst v63  }
0x34: {  	_ =	swait.ge [sflag:s8], $0x4000  }
0x35: {  	[sflag:s8] =	ssyncset.done $0x0  }
0x36: {  	s21 =	sadd.s32 $0x2800, s31;
	[sflag:s8] =	ssyncadd.s32 $0xFFFFC000  }
0x37: {  	[hbm4b:s21+s3] =	stream.linear.scatter [tilespmem:s10], [sflag:$0x3], $0x4000, $0x38;
	[tilespmem:$0x8800] =	vst v63  }
0x38: {  	_ =	swait.ge [sflag:s12], $0x4000  }
0x39: {  	[sflag:s12] =	ssyncset.done $0x0  }
0x3a: {  	[sflag:s12] =	ssyncadd.s32 $0xFFFFC000  }
0x3b: {  	_ =	swait.ge [sflag:s13], $0x4000  }
0x3c: {  	[sflag:s13] =	ssyncset.done $0x0  }
0x3d: {  	s22 =	simm.s32 $0x300;
	[sflag:s13] =	ssyncadd.s32 $0xFFFFC000  }
0x3e: {  	[tilespmem:s7], [sflag:$0x1] =	stream.indirect.gather [hbm4b:s2+s6], $0x80, s22, s6, $0xb8;
	[tilespmem:$0x8800] =	vst v63  }
0x3f: {  	_ =	swait.ge [sflag:s8], $0x4000  }
0x40: {  	[sflag:s8] =	ssyncset.done $0x0  }
0x41: {  	s23 =	sadd.s32 $0x3000, s9;
	[sflag:s8] =	ssyncadd.s32 $0xFFFFC000  }
0x42: {  	[hbm4b:s23+s3] =	stream.linear.scatter [tilespmem:s7], [sflag:$0x2], $0x4000, $0x38;
	[tilespmem:$0x8800] =	vst v63  }
0x43: {  	s24 =	simm.s32 $0x380  }
0x44: {  	[tilespmem:s10], [sflag:$0x1] =	stream.indirect.gather [hbm4b:s2+s6], $0x80, s24, s6, $0xb8;
	[tilespmem:$0x8800] =	vst v63  }
0x45: {  	_ =	swait.ge [sflag:s8], $0x4000  }
0x46: {  	[sflag:s8] =	ssyncset.done $0x0  }
0x47: {  	s25 =	sadd.s32 $0x3800, s31;
	[sflag:s8] =	ssyncadd.s32 $0xFFFFC000  }
0x48: {  	[hbm4b:s25+s3] =	stream.linear.scatter [tilespmem:s10], [sflag:$0x3], $0x4000, $0x38;
	[tilespmem:$0x8800] =	vst v63  }
0x49: {  	_ =	swait.ge [sflag:s12], $0x4000  }
0x4a: {  	[sflag:s12] =	ssyncset.done $0x0  }
0x4b: {  	[sflag:s12] =	ssyncadd.s32 $0xFFFFC000  }
0x4c: {  	_ =	swait.ge [sflag:s13], $0x4000  }
0x4d: {  	[sflag:s13] =	ssyncset.done $0x0  }
0x4e: {  	s26 =	simm.s32 $0x400;
	[sflag:s13] =	ssyncadd.s32 $0xFFFFC000  }
0x4f: {  	[tilespmem:s7], [sflag:$0x1] =	stream.indirect.gather [hbm4b:s2+s6], $0x80, s26, s6, $0xb8;
	[tilespmem:$0x8800] =	vst v63  }
0x50: {  	_ =	swait.ge [sflag:s8], $0x4000  }
0x51: {  	[sflag:s8] =	ssyncset.done $0x0  }
0x52: {  	s1 =	ssub.s32 $0x2, s30;
	s28 =	sadd.s32 $0x4000, s9;
	[sflag:s8] =	ssyncadd.s32 $0xFFFFC000  }
0x53: {  	[hbm4b:s28+s3] =	stream.linear.scatter [tilespmem:s7], [sflag:$0x2], $0x4000, $0x38;
	[tilespmem:$0x8800] =	vst v63  }
0x54: {  	s29 =	simm.s32 $0x480;
	s30 =	sadd.s32 $0x4800, s31;
	s31 =	sshrl.u32 s1, $0x1  }
0x55: {  	[tilespmem:s10], [sflag:$0x1] =	stream.indirect.gather [hbm4b:s2+s6], $0x80, s29, s6, $0xb8;
	[tilespmem:$0x8800] =	vst v63  }
0x56: {  	s1 =	ssub.s32 s1, s31;
	_ =	swait.ge [sflag:s8], $0x4000  }
0x57: {  	s1 =	smax.u32 s1, $0x1;
	[sflag:s8] =	ssyncset.done $0x0  }
0x58: {  	p0 =	sne.s32 s1, $0x1;
	[sflag:s8] =	ssyncadd.s32 $0xFFFFC000  }
0x59: {  	[hbm4b:s30+s3] =	stream.linear.scatter [tilespmem:s10], [sflag:$0x3], $0x4000, $0x38;
	[tilespmem:$0x8800] =	vst v63  }
.Ltmp0:
0x5a: {  	_ =	swait.ge [sflag:s12], $0x4000;
	(pc) =	sbr.rel @!p0 .LBB2_2-.Ltmp0, $4  }
0x5b: {  	[sflag:s12] =	ssyncset.done $0x0  }
0x5c: {  	[sflag:s12] =	ssyncadd.s32 $0xFFFFC000  }
0x5d: {  	_ =	swait.ge [sflag:s13], $0x4000  }
0x5e: {  	s31 =	sadd.s32 $0xFFFFFFFF, s1;
	[sflag:s13] =	ssyncset.done $0x0  }
.LBB2_1:
0x5f: {  	p0 =	sne.s32 s31, $0x1;
	s31 =	sadd.s32 $0xFFFFFFFF, s31;
	[sflag:s13] =	ssyncadd.s32 $0xFFFFC000  }
0x60: {  	[tilespmem:s3], [sflag:$0x4] =	stream.linear.gather [hbm4b:s4+s3], $0x500, $0x38;
	[tilespmem:$0x8800] =	vst v63  }
0x61: {  	_ =	swait.ge [sflag:s5], $0x500  }
0x62: {  	[sflag:s5] =	ssyncset.done $0x0  }
0x63: {  	[sflag:s5] =	ssyncadd.s32 $0xFFFFFB00  }
0x64: {  	[tilespmem:s7], [sflag:$0x1] =	stream.indirect.gather [hbm4b:s2+s6], $0x80, s3, s6, $0xb8;
	[tilespmem:$0x8800] =	vst v63  }
0x65: {  	_ =	swait.ge [sflag:s8], $0x4000  }
0x66: {  	[sflag:s8] =	ssyncset.done $0x0  }
0x67: {  	[sflag:s8] =	ssyncadd.s32 $0xFFFFC000  }
0x68: {  	[hbm4b:s9+s3] =	stream.linear.scatter [tilespmem:s7], [sflag:$0x2], $0x4000, $0x38;
	[tilespmem:$0x8800] =	vst v63  }
0x69: {  	_ = 	snop  }
0x6a: {  	[tilespmem:s10], [sflag:$0x1] =	stream.indirect.gather [hbm4b:s2+s6], $0x80, s6, s6, $0xb8;
	[tilespmem:$0x8800] =	vst v63  }
0x6b: {  	_ =	swait.ge [sflag:s8], $0x4000  }
0x6c: {  	[sflag:s8] =	ssyncset.done $0x0  }
0x6d: {  	[sflag:s8] =	ssyncadd.s32 $0xFFFFC000  }
0x6e: {  	[hbm4b:s11+s3] =	stream.linear.scatter [tilespmem:s10], [sflag:$0x3], $0x4000, $0x38;
	[tilespmem:$0x8800] =	vst v63  }
0x6f: {  	_ =	swait.ge [sflag:s12], $0x4000  }
0x70: {  	[sflag:s12] =	ssyncset.done $0x0  }
0x71: {  	[sflag:s12] =	ssyncadd.s32 $0xFFFFC000  }
0x72: {  	_ =	swait.ge [sflag:s13], $0x4000  }
0x73: {  	[sflag:s13] =	ssyncset.done $0x0  }
0x74: {  	[sflag:s13] =	ssyncadd.s32 $0xFFFFC000  }
0x75: {  	[tilespmem:s7], [sflag:$0x1] =	stream.indirect.gather [hbm4b:s2+s6], $0x80, s14, s6, $0xb8;
	[tilespmem:$0x8800] =	vst v63  }
0x76: {  	_ =	swait.ge [sflag:s8], $0x4000  }
0x77: {  	[sflag:s8] =	ssyncset.done $0x0  }
0x78: {  	[sflag:s8] =	ssyncadd.s32 $0xFFFFC000  }
0x79: {  	[hbm4b:s15+s3] =	stream.linear.scatter [tilespmem:s7], [sflag:$0x2], $0x4000, $0x38;
	[tilespmem:$0x8800] =	vst v63  }
0x7a: {  	_ = 	snop  }
0x7b: {  	[tilespmem:s10], [sflag:$0x1] =	stream.indirect.gather [hbm4b:s2+s6], $0x80, s16, s6, $0xb8;
	[tilespmem:$0x8800] =	vst v63  }
0x7c: {  	_ =	swait.ge [sflag:s8], $0x4000  }
0x7d: {  	[sflag:s8] =	ssyncset.done $0x0  }
0x7e: {  	[sflag:s8] =	ssyncadd.s32 $0xFFFFC000  }
0x7f: {  	[hbm4b:s17+s3] =	stream.linear.scatter [tilespmem:s10], [sflag:$0x3], $0x4000, $0x38;
	[tilespmem:$0x8800] =	vst v63  }
0x80: {  	_ =	swait.ge [sflag:s12], $0x4000  }
0x81: {  	[sflag:s12] =	ssyncset.done $0x0  }
0x82: {  	[sflag:s12] =	ssyncadd.s32 $0xFFFFC000  }
0x83: {  	_ =	swait.ge [sflag:s13], $0x4000  }
0x84: {  	[sflag:s13] =	ssyncset.done $0x0  }
0x85: {  	[sflag:s13] =	ssyncadd.s32 $0xFFFFC000  }
0x86: {  	[tilespmem:s7], [sflag:$0x1] =	stream.indirect.gather [hbm4b:s2+s6], $0x80, s18, s6, $0xb8;
	[tilespmem:$0x8800] =	vst v63  }
0x87: {  	_ =	swait.ge [sflag:s8], $0x4000  }
0x88: {  	[sflag:s8] =	ssyncset.done $0x0  }
0x89: {  	[sflag:s8] =	ssyncadd.s32 $0xFFFFC000  }
0x8a: {  	[hbm4b:s19+s3] =	stream.linear.scatter [tilespmem:s7], [sflag:$0x2], $0x4000, $0x38;
	[tilespmem:$0x8800] =	vst v63  }
0x8b: {  	_ = 	snop  }
0x8c: {  	[tilespmem:s10], [sflag:$0x1] =	stream.indirect.gather [hbm4b:s2+s6], $0x80, s20, s6, $0xb8;
	[tilespmem:$0x8800] =	vst v63  }
0x8d: {  	_ =	swait.ge [sflag:s8], $0x4000  }
0x8e: {  	[sflag:s8] =	ssyncset.done $0x0  }
0x8f: {  	[sflag:s8] =	ssyncadd.s32 $0xFFFFC000  }
0x90: {  	[hbm4b:s21+s3] =	stream.linear.scatter [tilespmem:s10], [sflag:$0x3], $0x4000, $0x38;
	[tilespmem:$0x8800] =	vst v63  }
0x91: {  	_ =	swait.ge [sflag:s12], $0x4000  }
0x92: {  	[sflag:s12] =	ssyncset.done $0x0  }
0x93: {  	[sflag:s12] =	ssyncadd.s32 $0xFFFFC000  }
0x94: {  	_ =	swait.ge [sflag:s13], $0x4000  }
0x95: {  	[sflag:s13] =	ssyncset.done $0x0  }
0x96: {  	[sflag:s13] =	ssyncadd.s32 $0xFFFFC000  }
0x97: {  	[tilespmem:s7], [sflag:$0x1] =	stream.indirect.gather [hbm4b:s2+s6], $0x80, s22, s6, $0xb8;
	[tilespmem:$0x8800] =	vst v63  }
0x98: {  	_ =	swait.ge [sflag:s8], $0x4000  }
0x99: {  	[sflag:s8] =	ssyncset.done $0x0  }
0x9a: {  	[sflag:s8] =	ssyncadd.s32 $0xFFFFC000  }
0x9b: {  	[hbm4b:s23+s3] =	stream.linear.scatter [tilespmem:s7], [sflag:$0x2], $0x4000, $0x38;
	[tilespmem:$0x8800] =	vst v63  }
0x9c: {  	_ = 	snop  }
0x9d: {  	[tilespmem:s10], [sflag:$0x1] =	stream.indirect.gather [hbm4b:s2+s6], $0x80, s24, s6, $0xb8;
	[tilespmem:$0x8800] =	vst v63  }
0x9e: {  	_ =	swait.ge [sflag:s8], $0x4000  }
0x9f: {  	[sflag:s8] =	ssyncset.done $0x0  }
0xa0: {  	[sflag:s8] =	ssyncadd.s32 $0xFFFFC000  }
0xa1: {  	[hbm4b:s25+s3] =	stream.linear.scatter [tilespmem:s10], [sflag:$0x3], $0x4000, $0x38;
	[tilespmem:$0x8800] =	vst v63  }
0xa2: {  	_ =	swait.ge [sflag:s12], $0x4000  }
0xa3: {  	[sflag:s12] =	ssyncset.done $0x0  }
0xa4: {  	[sflag:s12] =	ssyncadd.s32 $0xFFFFC000  }
0xa5: {  	_ =	swait.ge [sflag:s13], $0x4000  }
0xa6: {  	[sflag:s13] =	ssyncset.done $0x0  }
0xa7: {  	[sflag:s13] =	ssyncadd.s32 $0xFFFFC000  }
0xa8: {  	[tilespmem:s7], [sflag:$0x1] =	stream.indirect.gather [hbm4b:s2+s6], $0x80, s26, s6, $0xb8;
	[tilespmem:$0x8800] =	vst v63  }
0xa9: {  	_ =	swait.ge [sflag:s8], $0x4000  }
0xaa: {  	[sflag:s8] =	ssyncset.done $0x0  }
0xab: {  	[sflag:s8] =	ssyncadd.s32 $0xFFFFC000  }
0xac: {  	[hbm4b:s28+s3] =	stream.linear.scatter [tilespmem:s7], [sflag:$0x2], $0x4000, $0x38;
	[tilespmem:$0x8800] =	vst v63  }
0xad: {  	_ = 	snop  }
0xae: {  	[tilespmem:s10], [sflag:$0x1] =	stream.indirect.gather [hbm4b:s2+s6], $0x80, s29, s6, $0xb8;
	[tilespmem:$0x8800] =	vst v63  }
0xaf: {  	_ =	swait.ge [sflag:s8], $0x4000  }
0xb0: {  	[sflag:s8] =	ssyncset.done $0x0  }
0xb1: {  	[sflag:s8] =	ssyncadd.s32 $0xFFFFC000  }
0xb2: {  	[hbm4b:s30+s3] =	stream.linear.scatter [tilespmem:s10], [sflag:$0x3], $0x4000, $0x38;
	[tilespmem:$0x8800] =	vst v63  }
.Ltmp1:
0xb3: {  	_ =	swait.ge [sflag:s12], $0x4000;
	(pc) =	sbr.rel @p0 .LBB2_1-.Ltmp1, $4  }
0xb4: {  	[sflag:s12] =	ssyncset.done $0x0  }
0xb5: {  	[sflag:s12] =	ssyncadd.s32 $0xFFFFC000  }
0xb6: {  	_ =	swait.ge [sflag:s13], $0x4000  }
0xb7: {  	[sflag:s13] =	ssyncset.done $0x0  }
.LBB2_2:
0xb8: {  	[sflag:s13] =	ssyncadd.s32 $0xFFFFC000  }
0xb9: {  	_ =	sfence.sel $0x180000  }
0xba: {  	[bflag:$0x0] =	sbarrier.arrive $0xFFFF  }
0xbb: {  	_ =	strace $0x90000050  }
0xbc: {  	[bflag:$0x2] =	sbarrier.arrive $0xFFFF  }
0xbd: {  	p0 =	sne.s32 s0, $0x0;
	s0 =	rddreg [dreg:$0x2]  }
0xbe: {  	s0 =	sadd.s32 @!p0 $0x100000, s0  }
0xbf: {  	[sflag:s0] =	ssyncadd.tile.s32 @!p0 $0x1;
	_ =	shalt  }
.Lfunc_end2:
_tile_overlayer_lowered:
.L_overlay_start_2:
0xc0: {  	(tag) =	ssettag $0x2  }
0xc1: {  	s0 =	rddreg [dreg:$0x0];
	s2 =	stileid.u32  }
0xc2: {  	s1 =	rddreg [dreg:$0x1];
	p0 =	sne.s32 s2, $0x0  }
0xc3: {  	s3 =	rddreg [dreg:$0x2];
	[bflag:$0x3] =	sbarrier.arrive $0xFFFF;
	s2 =	simm.s32 @!p0 $0x1C04  }
0xc4: {  	[timem:s3], [sflag:s2] =	dma.local @!p0 [hbm:s0], s1  }
0xc5: {  	s0 =	simm.s32 @!p0 $0x4  }
0xc6: {  	_ =	swait.ge @!p0 [sflag:s0], s1  }
0xc7: {  	s1 =	ssub.s32 @!p0 $0x0, s1;
	[sflag:s0] =	ssyncset.done @!p0 $0x0  }
0xc8: {  	[sflag:s0] =	ssyncadd.s32 @!p0 s1  }
0xc9: {  	[bflag:$0x3] =	sbarrier.arrive $0xFFFF  }
0xca: {  	_ =	shalt  }

// kernel: kernel.24.cloned.1.call-start
scs
__scs_entry_jumppad:
0x0: {  	(pc) =	sbr.rel $0x88, $3  }
0x1: {  	(tag) =	ssettag $0x0;
	lr =	simm.s32 $0x1  }
0x2: {  	[smem:$0x3F95] =	sst lr;
	_ =	strace $0xD0000000  }
0x3: {  	_ = 	snop  }
0x4: {  	_ = 	snop  }
0x5: {  	_ = 	snop  }
0x6: {  	_ = 	snop  }
0x7: {  	_ = 	snop  }
__scs_overlays_trampoline_lowered:
0x8: {  	[smem:$0x3FA4] =	sst s0  }
0x9: {  	[smem:$0x3FA5] =	sst s1  }
0xa: {  	[smem:$0x3FA6] =	sst s2  }
0xb: {  	[smem:$0x3FA7] =	sst s3  }
0xc: {  	[smem:$0x3FA8] =	sst s4  }
0xd: {  	[smem:$0x3FA9] =	sst s5  }
0xe: {  	[smem:$0x3FAA] =	sst s6  }
0xf: {  	[smem:$0x3FAB] =	sst s7  }
0x10: {  	[smem:$0x3FAC] =	sst s8  }
0x11: {  	[smem:$0x3FAD] =	sst s9;
	s0 =	simm.s32 @!p0 $0x0  }
0x12: {  	s1 =	sld [smem:$0x3F93];
	s0 =	simm.s32 @p0 $0x1  }
0x13: {  	[smem:$0x3FAE] =	sst s0;
	s0 =	simm.s32 @!p1 $0x0  }
0x14: {  	s2 =	sld [smem:$0x3F92];
	s0 =	simm.s32 @p1 $0x1  }
0x15: {  	[smem:$0x3FAF] =	sst s0;
	s0 =	simm.s32 @!p2 $0x0  }
0x16: {  	s3 =	sld [smem:$0x3FDB];
	s0 =	simm.s32 @p2 $0x1  }
0x17: {  	s4 =	simm.s32 $0x1BF5;
	[smem:$0x3FB1] =	sst s0  }
0x18: {  	s0 =	sld [smem:$0x3F94];
	_ =	swait.ge [sflag:s4], $0x0  }
0x19: {  	s7 =	sld [smem:$0x3F95]  }
0x1a: {  	s8 =	sadd.s32 $0xFFFFE003, lr  }
0x1b: {  	s9 =	sadd.s32 $0xFFFFFEF7, lr;
	s5 =	simm.s32 $0xFFFFFFFF;
	p2 =	slt.u32 s8, $0xFFFFF086  }
0x1c: {  	p1 =	slt.u32 s9, $0xF7A;
	s5 =	simm.s32 @!p2 $0x0  }
0x1d: {  	s5 =	simm.s32 @p1 $0x1;
	p0 =	seq.s32 s7, s2  }
0x1e: {  	s7 =	smul.u32 @!p0 $0xF7A, s2;
	p2 =	seq.s32 @!p0 s5, $0x0  }
0x1f: {  	s9 =	smul.u32 $0xF7A, s1;
	s8 =	simm.s32 @!p0 $0x1BF5;
	p2 =	por !p2, p0  }
0x20: {  	[sflag:s8] =	ssyncset.s32 @!p0 $0xFFFFF086;
	s6 =	sadd.s32 @!p0 s3, s7;
	s7 =	simm.s32 @!p0 $0x108  }
0x21: {  	s3 =	sadd.s32 s3, s9;
	s6 =	sadd.s32 @!p0 $0x88, s6;
	s7 =	simm.s32 @p2 $0x1082  }
0x22: {  	[simem:s7], [sflag:s8] =	dma.local @!p0 [hbm:s6], $0xF7A  }
0x23: {  	s9 =	sor.u32 $0xD0000000, s2;
	s6 =	simm.s32 $0x108;
	_ =	swait.ge @!p0 [sflag:s8], $0x0  }
0x24: {  	s3 =	sadd.s32 $0x88, s3;
	s6 =	simm.s32 @!p1 $0x1082;
	[sflag:s4] =	ssyncset.s32 $0xFFFFF086  }
0x25: {  	[simem:s6], [sflag:s4] =	dma.local [hbm:s3], $0xF7A  }
0x26: {  	[smem:$0x3F95] =	sst s1;
	(tag) =	ssettag s2;
	_ =	strace s9  }
0x27: {  	s1 =	sld [smem:$0x3FA5]  }
0x28: {  	s2 =	sld [smem:$0x3FA6]  }
0x29: {  	s4 =	sld [smem:$0x3FA8]  }
0x2a: {  	p0 =	seq.s32 s5, $0x0;
	s5 =	sld [smem:$0x3FA9]  }
0x2b: {  	s6 =	sld [smem:$0x3FAA]  }
0x2c: {  	s7 =	sld [smem:$0x3FAB]  }
0x2d: {  	s3 =	simm.s32 $0x108;
	s8 =	sld [smem:$0x3FAC]  }
0x2e: {  	s3 =	simm.s32 @!p0 $0x1082;
	s9 =	sld [smem:$0x3FAD]  }
0x2f: {  	lr =	sadd.s32 s0, s3;
	s0 =	sld [smem:$0x3FA4]  }
0x30: {  	s3 =	sld [smem:$0x3FA7]  }
0x31: {  	[smem:$0x3FB0] =	sst s10  }
0x32: {  	s10 =	sld [smem:$0x3FAE];
	_ =	sdelay $0x3  }
0x33: {  	p0 =	seq.s32 s10, $0x1;
	s10 =	sld [smem:$0x3FB0];
	_ =	sdelay $0x3  }
0x34: {  	[smem:$0x3FB0] =	sst s10  }
0x35: {  	s10 =	sld [smem:$0x3FAF];
	_ =	sdelay $0x3  }
0x36: {  	p1 =	seq.s32 s10, $0x1;
	s10 =	sld [smem:$0x3FB0];
	_ =	sdelay $0x3  }
0x37: {  	[smem:$0x3FB0] =	sst s10  }
0x38: {  	s10 =	sld [smem:$0x3FB1]  }
0x39: {  	_ = 	snop;
	(pc) =	sbr.ind lr, $3  }
0x3a: {  	_ = 	snop  }
0x3b: {  	_ = 	snop  }
0x3c: {  	p2 =	seq.s32 s10, $0x1;
	s10 =	sld [smem:$0x3FB0]  }
0x3d: {  	_ =	shalt  }
0x3e: {  	_ =	shalt  }
0x3f: {  	_ =	shalt  }
0x40: {  	_ =	shalt  }
0x41: {  	_ =	shalt  }
0x42: {  	_ =	shalt  }
0x43: {  	_ =	shalt  }
0x44: {  	_ =	shalt  }
0x45: {  	_ =	shalt  }
0x46: {  	_ =	shalt  }
0x47: {  	_ =	shalt  }
0x48: {  	_ =	shalt  }
0x49: {  	_ =	shalt  }
0x4a: {  	_ =	shalt  }
0x4b: {  	_ =	shalt  }
0x4c: {  	_ =	shalt  }
0x4d: {  	_ =	shalt  }
0x4e: {  	_ =	shalt  }
0x4f: {  	_ =	shalt  }
0x50: {  	_ =	shalt  }
0x51: {  	_ =	shalt  }
0x52: {  	_ =	shalt  }
0x53: {  	_ =	shalt  }
0x54: {  	_ =	shalt  }
0x55: {  	_ =	shalt  }
0x56: {  	_ =	shalt  }
0x57: {  	_ =	shalt  }
0x58: {  	_ =	shalt  }
0x59: {  	_ =	shalt  }
0x5a: {  	_ =	shalt  }
0x5b: {  	_ =	shalt  }
0x5c: {  	_ =	shalt  }
0x5d: {  	_ =	shalt  }
0x5e: {  	_ =	shalt  }
0x5f: {  	_ =	shalt  }
0x60: {  	_ =	shalt  }
0x61: {  	_ =	shalt  }
0x62: {  	_ =	shalt  }
0x63: {  	_ =	shalt  }
0x64: {  	_ =	shalt  }
0x65: {  	_ =	shalt  }
0x66: {  	_ =	shalt  }
0x67: {  	_ =	shalt  }
0x68: {  	_ =	shalt  }
0x69: {  	_ =	shalt  }
0x6a: {  	_ =	shalt  }
0x6b: {  	_ =	shalt  }
0x6c: {  	_ =	shalt  }
0x6d: {  	_ =	shalt  }
0x6e: {  	_ =	shalt  }
0x6f: {  	_ =	shalt  }
0x70: {  	_ =	shalt  }
0x71: {  	_ =	shalt  }
0x72: {  	_ =	shalt  }
0x73: {  	_ =	shalt  }
0x74: {  	_ =	shalt  }
0x75: {  	_ =	shalt  }
0x76: {  	_ =	shalt  }
0x77: {  	_ =	shalt  }
0x78: {  	_ =	shalt  }
0x79: {  	_ =	shalt  }
0x7a: {  	_ =	shalt  }
0x7b: {  	_ =	shalt  }
0x7c: {  	_ =	shalt  }
0x7d: {  	_ =	shalt  }
0x7e: {  	_ =	shalt  }
0x7f: {  	_ =	shalt  }
0x80: {  	_ =	shalt  }
0x81: {  	_ =	shalt  }
0x82: {  	_ =	shalt  }
0x83: {  	_ =	shalt  }
0x84: {  	_ =	shalt  }
0x85: {  	_ =	shalt  }
0x86: {  	_ =	shalt  }
0x87: {  	_ =	shalt  }
.Lfunc_end0:
.L_simem_size_0:
called_computation.4_lowered:
.L_overlay_start_0:
0x88: {  	s2 =	sld [smem:$0x3FD9]  }
0x89: {  	s3 =	sld [smem:$0x3FFE];
	_ =	sdelay $0x1  }
0x8a: {  	s1 =	srdreg.scid  }
0x8b: {  	s0 =	sand.u32 $0x1, s1  }
0x8c: {  	s17 =	sshll.u32 s0, $0xA;
	s2 =	sadd.s32 s3, s2  }
0x8d: {  	s2 =	sadd.s32 s2, s17  }
0x8e: {  	[smem:$0x3FBC] =	sst s2  }
0x8f: {  	_ = 	snop  }
0x90: {  	s18 =	sld [smem:$0x3FC8];
	(tm) =	ssettm $0x1  }
0x91: {  	s19 =	sld [smem:$0x3FFB];
	_ =	sdelay $0x3  }
0x92: {  	_ =	strace s19  }
0x93: {  	s2 =	sld [smem:$0x3FFC];
	_ =	sdelay $0x3  }
0x94: {  	_ =	strace s2  }
0x95: {  	s2 =	sld [smem:$0x3FFD];
	_ =	sdelay $0x3  }
0x96: {  	_ =	strace s2  }
0x97: {  	_ =	strace $0x8FFFFFFF  }
0x98: {  	s20 =	sld [smem:$0x3FDB];
	_ =	sdelay $0x1  }
0x99: {  	s4 =	simm.s32 $_scs_section_size  }
0x9a: {  	s5 =	simm.s32 $_size__tile_overlayer_lowered;
	s6 =	simm.s32 $_tile_overlayer_lowered  }
0x9b: {  	s7 =	simm.s32 $0x1BFF;
	s21 =	sshll.u32 s6, $0x1;
	s4 =	sadd.s32 s4, s20  }
0x9c: {  	s22 =	simm.s32 $0x0;
	s5 =	sshll.u32 s5, $0x1;
	s6 =	sadd.s32 s21, s4  }
0x9d: {  	[timem:s22], [sflag:s7] =	dma.local [hbm:s6], s5  }
0x9e: {  	_ =	swait.ge [sflag:s7], s5  }
0x9f: {  	s5 =	ssub.s32 $0x0, s5;
	[sflag:s7] =	ssyncset.done $0x0  }
0xa0: {  	[sflag:s7] =	ssyncadd.s32 s5;
	_ =	sdelay $0x1  }
0xa1: {  	s23 =	simm.s32 $0x1B8B  }
0xa2: {  	_ =	swait.ge [sflag:s23], $0x1  }
0xa3: {  	[sflag:s23] =	ssyncset.done $0x0  }
0xa4: {  	[sflag:s23] =	ssyncadd.s32 $0xFFFFFFFF  }
0xa5: {  	s5 =	sld [smem:$0x0]  }
0xa6: {  	s6 =	sand.u32 $0xFFFFFFFE, s1  }
0xa7: {  	p0 =	sne.s32 s1, s6  }
0xa8: {  	s6 =	sshll.u32 @p0 s6, $0xE  }
0xa9: {  	s6 =	sadd.s32 @p0 $0x11B8D, s6;
	s7 =	sshll.u32 @p0 s5, $0x11  }
0xaa: {  	s6 =	sor.u32 @p0 s7, s6  }
0xab: {  	[sflag:s6] =	ssyncadd.remote.s32 @p0 $0x1;
	_ =	sdelay $0x1  }
0xac: {  	s6 =	simm.s32 @p0 $0x1B8D  }
0xad: {  	_ =	swait.eq @p0 [sflag:s6], $0x1  }
0xae: {  	[sflag:s6] =	ssyncadd.s32 @p0 $0xFFFFFFFF  }
0xaf: {  	s7 =	sshll.u32 @!p0 s1, $0xE  }
0xb0: {  	s7 =	sor.u32 @!p0 $0x4000, s7;
	s6 =	simm.s32 @!p0 $0x1B8D  }
0xb1: {  	s5 =	sshll.u32 @!p0 s5, $0x11;
	s7 =	sadd.s32 @!p0 $0x11B8D, s7;
	_ =	swait.eq @!p0 [sflag:s6], $0x1  }
0xb2: {  	s5 =	sor.u32 @!p0 s5, s7;
	[sflag:s6] =	ssyncadd.s32 @!p0 $0xFFFFFFFF  }
0xb3: {  	s25 =	simm.s32 $0x1B8E;
	s24 =	sld [smem:$0x3FFE];
	[sflag:s5] =	ssyncadd.remote.s32 @!p0 $0x1  }
0xb4: {  	s26 =	simm.s32 $execute0_lowered;
	[smem:$0x3FD2] =	sst s25  }
0xb5: {  	s6 =	sshll.u32 s26, $0x1;
	_ =	strace $0x80000052;
	[dreg:$0x1] =	wrdreg $0xFFFFFFFF  }
0xb6: {  	s28 =	simm.s32 $_size_execute0_lowered;
	s4 =	sadd.s32 s4, s6;
	[dreg:$0x0] =	wrdreg $0x0  }
0xb7: {  	s6 =	sshll.u32 s28, $0x1;
	[dreg:$0x2] =	wrdreg s4  }
0xb8: {  	[dreg:$0x3] =	wrdreg s6  }
0xb9: {  	[dreg:$0x4] =	wrdreg $0xC0  }
0xba: {  	_ =	task [dreg:s22], $0x5FFFF  }
0xbb: {  	[dreg:$0x1] =	wrdreg $0xFFFFFFFF  }
0xbc: {  	[dreg:$0x0] =	wrdreg $0x60  }
0xbd: {  	[dreg:$0x2] =	wrdreg s18  }
0xbe: {  	[dreg:$0x3] =	wrdreg s24  }
0xbf: {  	[dreg:$0x4] =	wrdreg $0xD  }
0xc0: {  	_ =	task.clear_ibuf [dreg:s22], $0x5FFFF;
	_ =	strace $0x90000052  }
0xc1: {  	s29 =	simm.s32 $0xD;
	_ =	strace $0x80000054  }
0xc2: {  	_ =	swait.ge [sflag:s29], $0x1  }
0xc3: {  	[sflag:s29] =	ssyncadd.s32 $0xFFFFFFFF  }
0xc4: {  	_ =	strace $0x90000054  }
0xc5: {  	_ =	sfence  }
0xc6: {  	s30 =	sld [smem:$0x0];
	_ =	sdelay $0x2  }
0xc7: {  	s31 =	sshll.u32 s1, $0xD;
	s1 =	sshrl.u32 s1, $0x2  }
0xc8: {  	s4 =	sand.u32 $0x4000, s31;
	s1 =	sadd.s32 s1, s30  }
0xc9: {  	s0 =	sor.u32 s4, s0;
	s1 =	sshll.u32 s1, $0x11  }
0xca: {  	s0 =	sor.u32 s1, s0  }
0xcb: {  	s0 =	sadd.s32 $0x8F2B, s0  }
0xcc: {  	[sflag:s0] =	ssyncadd.remote.s32 $0x1  }
0xcd: {  	_ =	sfence.sel $0xFFFF  }
0xce: {  	[dreg:$0x0] =	wrdreg $0xFFFFFFFF;
	(pc) =	sbr.abs _section_cstart, $3  }
0xcf: {  	[dreg:$0x1] =	wrdreg $0xFFFFFFFF  }
0xd0: {  	_ =	task.clear_ibuf [dreg:s22], $0x2FFFF;
	_ =	strace $0x9FFFFFFF  }
0xd1: {  	(tm) =	ssettm $0x7FFFFFFF  }
tec
execute0_lowered:
.L_overlay_start_1:
0x0: {  	(tag) =	ssettag $0x1  }
0x1: {  	s1 =	srdreg.scid;
	s0 =	stileid.u32  }
0x2: {  	s30 =	sand.u32 $0x1, s1;
	s24 =	sshll.u32 s0, $0x1  }
0x3: {  	s2 =	rddreg [dreg:$0x0];
	s10 =	sor.u32 s30, s24  }
0x4: {  	s9 =	rddreg [dreg:$0x1];
	s3 =	simm.s32 $0x0;
	s4 =	sshll.u32 s10, $0x8  }
0x5: {  	[smem:$0x7FF] =	sst s3;
	s4 =	sadd.s32 s4, s9  }
0x6: {  	s5 =	simm.s32 $0x4;
	_ =	strace $0x80000053;
	s4 =	sadd.s32 $0x3200, s4  }
0x7: {  	[tilespmem:s3], [sflag:$0x4] =	stream.linear.gather [hbm4b:s4+s3], $0x500, $0x38;
	[tilespmem:$0x8800] =	vst v63  }
0x8: {  	_ =	swait.ge [sflag:s5], $0x500  }
0x9: {  	s6 =	simm.s32 $0x80;
	s7 =	simm.s32 $0x800;
	[sflag:s5] =	ssyncset.done $0x0  }
0xa: {  	s8 =	simm.s32 $0x1;
	s11 =	smul.u32 $0x28000, s10;
	[sflag:s5] =	ssyncadd.s32 $0xFFFFFB00  }
0xb: {  	[tilespmem:s7], [sflag:$0x1] =	stream.indirect.gather [hbm4b:s2+s6], $0x80, s3, s6, $0xb8;
	[tilespmem:$0x8800] =	vst v63  }
0xc: {  	_ =	swait.ge [sflag:s8], $0x4000  }
0xd: {  	s12 =	sadd.s32 $0x28BA00, s9;
	s25 =	sshrl.u32 s11, $0x3;
	[sflag:s8] =	ssyncset.done $0x0  }
0xe: {  	s9 =	sadd.s32 s12, s25;
	[sflag:s8] =	ssyncadd.s32 $0xFFFFC000  }
0xf: {  	[hbm4b:s9+s3] =	stream.linear.scatter [tilespmem:s7], [sflag:$0x2], $0x4000, $0x38;
	[tilespmem:$0x8800] =	vst v63  }
0x10: {  	s26 =	smul.u32 $0x5000, s10;
	s10 =	simm.s32 $0x4800  }
0x11: {  	[tilespmem:s10], [sflag:$0x1] =	stream.indirect.gather [hbm4b:s2+s6], $0x80, s6, s6, $0xb8;
	[tilespmem:$0x8800] =	vst v63  }
0x12: {  	_ =	swait.ge [sflag:s8], $0x4000  }
0x13: {  	s31 =	sadd.s32 s12, s26;
	[sflag:s8] =	ssyncset.done $0x0  }
0x14: {  	s11 =	sadd.s32 $0x800, s31;
	s12 =	simm.s32 $0x2;
	[sflag:s8] =	ssyncadd.s32 $0xFFFFC000  }
0x15: {  	[hbm4b:s11+s3] =	stream.linear.scatter [tilespmem:s10], [sflag:$0x3], $0x4000, $0x38;
	[tilespmem:$0x8800] =	vst v63  }
0x16: {  	_ =	swait.ge [sflag:s12], $0x4000  }
0x17: {  	[sflag:s12] =	ssyncset.done $0x0  }
0x18: {  	s13 =	simm.s32 $0x3;
	[sflag:s12] =	ssyncadd.s32 $0xFFFFC000  }
0x19: {  	_ =	swait.ge [sflag:s13], $0x4000  }
0x1a: {  	[sflag:s13] =	ssyncset.done $0x0  }
0x1b: {  	s14 =	simm.s32 $0x100;
	[sflag:s13] =	ssyncadd.s32 $0xFFFFC000  }
0x1c: {  	[tilespmem:s7], [sflag:$0x1] =	stream.indirect.gather [hbm4b:s2+s6], $0x80, s14, s6, $0xb8;
	[tilespmem:$0x8800] =	vst v63  }
0x1d: {  	_ =	swait.ge [sflag:s8], $0x4000  }
0x1e: {  	[sflag:s8] =	ssyncset.done $0x0  }
0x1f: {  	s15 =	sadd.s32 $0x1000, s9;
	[sflag:s8] =	ssyncadd.s32 $0xFFFFC000  }
0x20: {  	[hbm4b:s15+s3] =	stream.linear.scatter [tilespmem:s7], [sflag:$0x2], $0x4000, $0x38;
	[tilespmem:$0x8800] =	vst v63  }
0x21: {  	s16 =	simm.s32 $0x180  }
0x22: {  	[tilespmem:s10], [sflag:$0x1] =	stream.indirect.gather [hbm4b:s2+s6], $0x80, s16, s6, $0xb8;
	[tilespmem:$0x8800] =	vst v63  }
0x23: {  	_ =	swait.ge [sflag:s8], $0x4000  }
0x24: {  	[sflag:s8] =	ssyncset.done $0x0  }
0x25: {  	s17 =	sadd.s32 $0x1800, s31;
	[sflag:s8] =	ssyncadd.s32 $0xFFFFC000  }
0x26: {  	[hbm4b:s17+s3] =	stream.linear.scatter [tilespmem:s10], [sflag:$0x3], $0x4000, $0x38;
	[tilespmem:$0x8800] =	vst v63  }
0x27: {  	_ =	swait.ge [sflag:s12], $0x4000  }
0x28: {  	[sflag:s12] =	ssyncset.done $0x0  }
0x29: {  	[sflag:s12] =	ssyncadd.s32 $0xFFFFC000  }
0x2a: {  	_ =	swait.ge [sflag:s13], $0x4000  }
0x2b: {  	[sflag:s13] =	ssyncset.done $0x0  }
0x2c: {  	s18 =	simm.s32 $0x200;
	[sflag:s13] =	ssyncadd.s32 $0xFFFFC000  }
0x2d: {  	[tilespmem:s7], [sflag:$0x1] =	stream.indirect.gather [hbm4b:s2+s6], $0x80, s18, s6, $0xb8;
	[tilespmem:$0x8800] =	vst v63  }
0x2e: {  	_ =	swait.ge [sflag:s8], $0x4000  }
0x2f: {  	[sflag:s8] =	ssyncset.done $0x0  }
0x30: {  	s19 =	sadd.s32 $0x2000, s9;
	[sflag:s8] =	ssyncadd.s32 $0xFFFFC000  }
0x31: {  	[hbm4b:s19+s3] =	stream.linear.scatter [tilespmem:s7], [sflag:$0x2], $0x4000, $0x38;
	[tilespmem:$0x8800] =	vst v63  }
0x32: {  	s20 =	simm.s32 $0x280  }
0x33: {  	[tilespmem:s10], [sflag:$0x1] =	stream.indirect.gather [hbm4b:s2+s6], $0x80, s20, s6, $0xb8;
	[tilespmem:$0x8800] =	vst v63  }
0x34: {  	_ =	swait.ge [sflag:s8], $0x4000  }
0x35: {  	[sflag:s8] =	ssyncset.done $0x0  }
0x36: {  	s21 =	sadd.s32 $0x2800, s31;
	[sflag:s8] =	ssyncadd.s32 $0xFFFFC000  }
0x37: {  	[hbm4b:s21+s3] =	stream.linear.scatter [tilespmem:s10], [sflag:$0x3], $0x4000, $0x38;
	[tilespmem:$0x8800] =	vst v63  }
0x38: {  	_ =	swait.ge [sflag:s12], $0x4000  }
0x39: {  	[sflag:s12] =	ssyncset.done $0x0  }
0x3a: {  	[sflag:s12] =	ssyncadd.s32 $0xFFFFC000  }
0x3b: {  	_ =	swait.ge [sflag:s13], $0x4000  }
0x3c: {  	[sflag:s13] =	ssyncset.done $0x0  }
0x3d: {  	s22 =	simm.s32 $0x300;
	[sflag:s13] =	ssyncadd.s32 $0xFFFFC000  }
0x3e: {  	[tilespmem:s7], [sflag:$0x1] =	stream.indirect.gather [hbm4b:s2+s6], $0x80, s22, s6, $0xb8;
	[tilespmem:$0x8800] =	vst v63  }
0x3f: {  	_ =	swait.ge [sflag:s8], $0x4000  }
0x40: {  	[sflag:s8] =	ssyncset.done $0x0  }
0x41: {  	s23 =	sadd.s32 $0x3000, s9;
	[sflag:s8] =	ssyncadd.s32 $0xFFFFC000  }
0x42: {  	[hbm4b:s23+s3] =	stream.linear.scatter [tilespmem:s7], [sflag:$0x2], $0x4000, $0x38;
	[tilespmem:$0x8800] =	vst v63  }
0x43: {  	s24 =	simm.s32 $0x380  }
0x44: {  	[tilespmem:s10], [sflag:$0x1] =	stream.indirect.gather [hbm4b:s2+s6], $0x80, s24, s6, $0xb8;
	[tilespmem:$0x8800] =	vst v63  }
0x45: {  	_ =	swait.ge [sflag:s8], $0x4000  }
0x46: {  	[sflag:s8] =	ssyncset.done $0x0  }
0x47: {  	s25 =	sadd.s32 $0x3800, s31;
	[sflag:s8] =	ssyncadd.s32 $0xFFFFC000  }
0x48: {  	[hbm4b:s25+s3] =	stream.linear.scatter [tilespmem:s10], [sflag:$0x3], $0x4000, $0x38;
	[tilespmem:$0x8800] =	vst v63  }
0x49: {  	_ =	swait.ge [sflag:s12], $0x4000  }
0x4a: {  	[sflag:s12] =	ssyncset.done $0x0  }
0x4b: {  	[sflag:s12] =	ssyncadd.s32 $0xFFFFC000  }
0x4c: {  	_ =	swait.ge [sflag:s13], $0x4000  }
0x4d: {  	[sflag:s13] =	ssyncset.done $0x0  }
0x4e: {  	s26 =	simm.s32 $0x400;
	[sflag:s13] =	ssyncadd.s32 $0xFFFFC000  }
0x4f: {  	[tilespmem:s7], [sflag:$0x1] =	stream.indirect.gather [hbm4b:s2+s6], $0x80, s26, s6, $0xb8;
	[tilespmem:$0x8800] =	vst v63  }
0x50: {  	_ =	swait.ge [sflag:s8], $0x4000  }
0x51: {  	[sflag:s8] =	ssyncset.done $0x0  }
0x52: {  	s1 =	ssub.s32 $0x2, s30;
	s28 =	sadd.s32 $0x4000, s9;
	[sflag:s8] =	ssyncadd.s32 $0xFFFFC000  }
0x53: {  	[hbm4b:s28+s3] =	stream.linear.scatter [tilespmem:s7], [sflag:$0x2], $0x4000, $0x38;
	[tilespmem:$0x8800] =	vst v63  }
0x54: {  	s29 =	simm.s32 $0x480;
	s30 =	sadd.s32 $0x4800, s31;
	s31 =	sshrl.u32 s1, $0x1  }
0x55: {  	[tilespmem:s10], [sflag:$0x1] =	stream.indirect.gather [hbm4b:s2+s6], $0x80, s29, s6, $0xb8;
	[tilespmem:$0x8800] =	vst v63  }
0x56: {  	s1 =	ssub.s32 s1, s31;
	_ =	swait.ge [sflag:s8], $0x4000  }
0x57: {  	s1 =	smax.u32 s1, $0x1;
	[sflag:s8] =	ssyncset.done $0x0  }
0x58: {  	p0 =	sne.s32 s1, $0x1;
	[sflag:s8] =	ssyncadd.s32 $0xFFFFC000  }
0x59: {  	[hbm4b:s30+s3] =	stream.linear.scatter [tilespmem:s10], [sflag:$0x3], $0x4000, $0x38;
	[tilespmem:$0x8800] =	vst v63  }
.Ltmp0:
0x5a: {  	_ =	swait.ge [sflag:s12], $0x4000;
	(pc) =	sbr.rel @!p0 .LBB2_2-.Ltmp0, $4  }
0x5b: {  	[sflag:s12] =	ssyncset.done $0x0  }
0x5c: {  	[sflag:s12] =	ssyncadd.s32 $0xFFFFC000  }
0x5d: {  	_ =	swait.ge [sflag:s13], $0x4000  }
0x5e: {  	s31 =	sadd.s32 $0xFFFFFFFF, s1;
	[sflag:s13] =	ssyncset.done $0x0  }
.LBB2_1:
0x5f: {  	p0 =	sne.s32 s31, $0x1;
	s31 =	sadd.s32 $0xFFFFFFFF, s31;
	[sflag:s13] =	ssyncadd.s32 $0xFFFFC000  }
0x60: {  	[tilespmem:s3], [sflag:$0x4] =	stream.linear.gather [hbm4b:s4+s3], $0x500, $0x38;
	[tilespmem:$0x8800] =	vst v63  }
0x61: {  	_ =	swait.ge [sflag:s5], $0x500  }
0x62: {  	[sflag:s5] =	ssyncset.done $0x0  }
0x63: {  	[sflag:s5] =	ssyncadd.s32 $0xFFFFFB00  }
0x64: {  	[tilespmem:s7], [sflag:$0x1] =	stream.indirect.gather [hbm4b:s2+s6], $0x80, s3, s6, $0xb8;
	[tilespmem:$0x8800] =	vst v63  }
0x65: {  	_ =	swait.ge [sflag:s8], $0x4000  }
0x66: {  	[sflag:s8] =	ssyncset.done $0x0  }
0x67: {  	[sflag:s8] =	ssyncadd.s32 $0xFFFFC000  }
0x68: {  	[hbm4b:s9+s3] =	stream.linear.scatter [tilespmem:s7], [sflag:$0x2], $0x4000, $0x38;
	[tilespmem:$0x8800] =	vst v63  }
0x69: {  	_ = 	snop  }
0x6a: {  	[tilespmem:s10], [sflag:$0x1] =	stream.indirect.gather [hbm4b:s2+s6], $0x80, s6, s6, $0xb8;
	[tilespmem:$0x8800] =	vst v63  }
0x6b: {  	_ =	swait.ge [sflag:s8], $0x4000  }
0x6c: {  	[sflag:s8] =	ssyncset.done $0x0  }
0x6d: {  	[sflag:s8] =	ssyncadd.s32 $0xFFFFC000  }
0x6e: {  	[hbm4b:s11+s3] =	stream.linear.scatter [tilespmem:s10], [sflag:$0x3], $0x4000, $0x38;
	[tilespmem:$0x8800] =	vst v63  }
0x6f: {  	_ =	swait.ge [sflag:s12], $0x4000  }
0x70: {  	[sflag:s12] =	ssyncset.done $0x0  }
0x71: {  	[sflag:s12] =	ssyncadd.s32 $0xFFFFC000  }
0x72: {  	_ =	swait.ge [sflag:s13], $0x4000  }
0x73: {  	[sflag:s13] =	ssyncset.done $0x0  }
0x74: {  	[sflag:s13] =	ssyncadd.s32 $0xFFFFC000  }
0x75: {  	[tilespmem:s7], [sflag:$0x1] =	stream.indirect.gather [hbm4b:s2+s6], $0x80, s14, s6, $0xb8;
	[tilespmem:$0x8800] =	vst v63  }
0x76: {  	_ =	swait.ge [sflag:s8], $0x4000  }
0x77: {  	[sflag:s8] =	ssyncset.done $0x0  }
0x78: {  	[sflag:s8] =	ssyncadd.s32 $0xFFFFC000  }
0x79: {  	[hbm4b:s15+s3] =	stream.linear.scatter [tilespmem:s7], [sflag:$0x2], $0x4000, $0x38;
	[tilespmem:$0x8800] =	vst v63  }
0x7a: {  	_ = 	snop  }
0x7b: {  	[tilespmem:s10], [sflag:$0x1] =	stream.indirect.gather [hbm4b:s2+s6], $0x80, s16, s6, $0xb8;
	[tilespmem:$0x8800] =	vst v63  }
0x7c: {  	_ =	swait.ge [sflag:s8], $0x4000  }
0x7d: {  	[sflag:s8] =	ssyncset.done $0x0  }
0x7e: {  	[sflag:s8] =	ssyncadd.s32 $0xFFFFC000  }
0x7f: {  	[hbm4b:s17+s3] =	stream.linear.scatter [tilespmem:s10], [sflag:$0x3], $0x4000, $0x38;
	[tilespmem:$0x8800] =	vst v63  }
0x80: {  	_ =	swait.ge [sflag:s12], $0x4000  }
0x81: {  	[sflag:s12] =	ssyncset.done $0x0  }
0x82: {  	[sflag:s12] =	ssyncadd.s32 $0xFFFFC000  }
0x83: {  	_ =	swait.ge [sflag:s13], $0x4000  }
0x84: {  	[sflag:s13] =	ssyncset.done $0x0  }
0x85: {  	[sflag:s13] =	ssyncadd.s32 $0xFFFFC000  }
0x86: {  	[tilespmem:s7], [sflag:$0x1] =	stream.indirect.gather [hbm4b:s2+s6], $0x80, s18, s6, $0xb8;
	[tilespmem:$0x8800] =	vst v63  }
0x87: {  	_ =	swait.ge [sflag:s8], $0x4000  }
0x88: {  	[sflag:s8] =	ssyncset.done $0x0  }
0x89: {  	[sflag:s8] =	ssyncadd.s32 $0xFFFFC000  }
0x8a: {  	[hbm4b:s19+s3] =	stream.linear.scatter [tilespmem:s7], [sflag:$0x2], $0x4000, $0x38;
	[tilespmem:$0x8800] =	vst v63  }
0x8b: {  	_ = 	snop  }
0x8c: {  	[tilespmem:s10], [sflag:$0x1] =	stream.indirect.gather [hbm4b:s2+s6], $0x80, s20, s6, $0xb8;
	[tilespmem:$0x8800] =	vst v63  }
0x8d: {  	_ =	swait.ge [sflag:s8], $0x4000  }
0x8e: {  	[sflag:s8] =	ssyncset.done $0x0  }
0x8f: {  	[sflag:s8] =	ssyncadd.s32 $0xFFFFC000  }
0x90: {  	[hbm4b:s21+s3] =	stream.linear.scatter [tilespmem:s10], [sflag:$0x3], $0x4000, $0x38;
	[tilespmem:$0x8800] =	vst v63  }
0x91: {  	_ =	swait.ge [sflag:s12], $0x4000  }
0x92: {  	[sflag:s12] =	ssyncset.done $0x0  }
0x93: {  	[sflag:s12] =	ssyncadd.s32 $0xFFFFC000  }
0x94: {  	_ =	swait.ge [sflag:s13], $0x4000  }
0x95: {  	[sflag:s13] =	ssyncset.done $0x0  }
0x96: {  	[sflag:s13] =	ssyncadd.s32 $0xFFFFC000  }
0x97: {  	[tilespmem:s7], [sflag:$0x1] =	stream.indirect.gather [hbm4b:s2+s6], $0x80, s22, s6, $0xb8;
	[tilespmem:$0x8800] =	vst v63  }
0x98: {  	_ =	swait.ge [sflag:s8], $0x4000  }
0x99: {  	[sflag:s8] =	ssyncset.done $0x0  }
0x9a: {  	[sflag:s8] =	ssyncadd.s32 $0xFFFFC000  }
0x9b: {  	[hbm4b:s23+s3] =	stream.linear.scatter [tilespmem:s7], [sflag:$0x2], $0x4000, $0x38;
	[tilespmem:$0x8800] =	vst v63  }
0x9c: {  	_ = 	snop  }
0x9d: {  	[tilespmem:s10], [sflag:$0x1] =	stream.indirect.gather [hbm4b:s2+s6], $0x80, s24, s6, $0xb8;
	[tilespmem:$0x8800] =	vst v63  }
0x9e: {  	_ =	swait.ge [sflag:s8], $0x4000  }
0x9f: {  	[sflag:s8] =	ssyncset.done $0x0  }
0xa0: {  	[sflag:s8] =	ssyncadd.s32 $0xFFFFC000  }
0xa1: {  	[hbm4b:s25+s3] =	stream.linear.scatter [tilespmem:s10], [sflag:$0x3], $0x4000, $0x38;
	[tilespmem:$0x8800] =	vst v63  }
0xa2: {  	_ =	swait.ge [sflag:s12], $0x4000  }
0xa3: {  	[sflag:s12] =	ssyncset.done $0x0  }
0xa4: {  	[sflag:s12] =	ssyncadd.s32 $0xFFFFC000  }
0xa5: {  	_ =	swait.ge [sflag:s13], $0x4000  }
0xa6: {  	[sflag:s13] =	ssyncset.done $0x0  }
0xa7: {  	[sflag:s13] =	ssyncadd.s32 $0xFFFFC000  }
0xa8: {  	[tilespmem:s7], [sflag:$0x1] =	stream.indirect.gather [hbm4b:s2+s6], $0x80, s26, s6, $0xb8;
	[tilespmem:$0x8800] =	vst v63  }
0xa9: {  	_ =	swait.ge [sflag:s8], $0x4000  }
0xaa: {  	[sflag:s8] =	ssyncset.done $0x0  }
0xab: {  	[sflag:s8] =	ssyncadd.s32 $0xFFFFC000  }
0xac: {  	[hbm4b:s28+s3] =	stream.linear.scatter [tilespmem:s7], [sflag:$0x2], $0x4000, $0x38;
	[tilespmem:$0x8800] =	vst v63  }
0xad: {  	_ = 	snop  }
0xae: {  	[tilespmem:s10], [sflag:$0x1] =	stream.indirect.gather [hbm4b:s2+s6], $0x80, s29, s6, $0xb8;
	[tilespmem:$0x8800] =	vst v63  }
0xaf: {  	_ =	swait.ge [sflag:s8], $0x4000  }
0xb0: {  	[sflag:s8] =	ssyncset.done $0x0  }
0xb1: {  	[sflag:s8] =	ssyncadd.s32 $0xFFFFC000  }
0xb2: {  	[hbm4b:s30+s3] =	stream.linear.scatter [tilespmem:s10], [sflag:$0x3], $0x4000, $0x38;
	[tilespmem:$0x8800] =	vst v63  }
.Ltmp1:
0xb3: {  	_ =	swait.ge [sflag:s12], $0x4000;
	(pc) =	sbr.rel @p0 .LBB2_1-.Ltmp1, $4  }
0xb4: {  	[sflag:s12] =	ssyncset.done $0x0  }
0xb5: {  	[sflag:s12] =	ssyncadd.s32 $0xFFFFC000  }
0xb6: {  	_ =	swait.ge [sflag:s13], $0x4000  }
0xb7: {  	[sflag:s13] =	ssyncset.done $0x0  }
.LBB2_2:
0xb8: {  	[sflag:s13] =	ssyncadd.s32 $0xFFFFC000  }
0xb9: {  	_ =	sfence.sel $0x180000  }
0xba: {  	[bflag:$0x0] =	sbarrier.arrive $0xFFFF  }
0xbb: {  	_ =	strace $0x90000053  }
0xbc: {  	[bflag:$0x2] =	sbarrier.arrive $0xFFFF  }
0xbd: {  	p0 =	sne.s32 s0, $0x0;
	s0 =	rddreg [dreg:$0x2]  }
0xbe: {  	s0 =	sadd.s32 @!p0 $0x100000, s0  }
0xbf: {  	[sflag:s0] =	ssyncadd.tile.s32 @!p0 $0x1;
	_ =	shalt  }
.Lfunc_end2:
_tile_overlayer_lowered:
.L_overlay_start_2:
0xc0: {  	(tag) =	ssettag $0x2  }
0xc1: {  	s0 =	rddreg [dreg:$0x0];
	s2 =	stileid.u32  }
0xc2: {  	s1 =	rddreg [dreg:$0x1];
	p0 =	sne.s32 s2, $0x0  }
0xc3: {  	s3 =	rddreg [dreg:$0x2];
	[bflag:$0x3] =	sbarrier.arrive $0xFFFF;
	s2 =	simm.s32 @!p0 $0x1C04  }
0xc4: {  	[timem:s3], [sflag:s2] =	dma.local @!p0 [hbm:s0], s1  }
0xc5: {  	s0 =	simm.s32 @!p0 $0x4  }
0xc6: {  	_ =	swait.ge @!p0 [sflag:s0], s1  }
0xc7: {  	s1 =	ssub.s32 @!p0 $0x0, s1;
	[sflag:s0] =	ssyncset.done @!p0 $0x0  }
0xc8: {  	[sflag:s0] =	ssyncadd.s32 @!p0 s1  }
0xc9: {  	[bflag:$0x3] =	sbarrier.arrive $0xFFFF  }
0xca: {  	_ =	shalt  }

</sc_bundles>
